<compile_context>
chip_gen: v7x
topology: tpu7x:2x2x1
jax: 0.10.2.dev20260603
libtpu: 0.0.44.dev20260713+nightly
codegen_flags: <defaults>
</compile_context>

<pallas_src>
import functools

import jax
import jax.numpy as jnp
from jax import lax
from jax.experimental import pallas as pl
from jax.experimental.pallas import tpu as pltpu
from jax.experimental.pallas import tpu_sc as plsc



def _sc_edge_aggregate(src3, dst3, flg3, base0, tab_c, tab_r, zeros_f,
                       np_rows):
    N, F = base0.shape
    NCHUNK, _, C = src3.shape
    NW = 32
    MAXCH = (NCHUNK + NW - 1) // NW
    PAIRS = (MAXCH + 1) // 2
    NT = np_rows // 16

    mesh = plsc.VectorSubcoreMesh(core_axis_name="c", subcore_axis_name="s")

    @functools.partial(
        pl.kernel,
        mesh=mesh,
        out_type=jax.ShapeDtypeStruct((4, np_rows, F), jnp.float32),
        scratch_types=[
            pltpu.VMEM((MAXCH, 1, C), jnp.int32),
            pltpu.VMEM((MAXCH, 1, C), jnp.int32),
            pltpu.VMEM((MAXCH, 1, C), jnp.int32),
            pltpu.VMEM((2, C, F), jnp.float32),
            pltpu.VMEM_SHARED((np_rows, F), jnp.float32),
            pltpu.SemaphoreType.DMA,
            pltpu.SemaphoreType.DMA,
        ],
    )
    def k(src_h, dst_h, flg_h, tb_h, tc_h, tr_h, zf_h, out_h,
          sbuf, dbuf, fbuf, ra, acc, semA0, semA1):
        cid = lax.axis_index("c")
        sid = lax.axis_index("s")
        wid = sid * 2 + cid
        row0 = pl.multiple_of(sid * NT, 8)
        cw = (wid * NCHUNK) // NW
        cnt = ((wid + 1) * NCHUNK) // NW - cw

        pltpu.sync_copy(src_h.at[pl.ds(cw, MAXCH)], sbuf)
        pltpu.sync_copy(dst_h.at[pl.ds(cw, MAXCH)], dbuf)
        pltpu.sync_copy(flg_h.at[pl.ds(cw, MAXCH)], fbuf)

        def zero_acc():
            pltpu.sync_copy(zf_h, acc.at[pl.ds(row0, NT)])

        sems = (semA0, semA1)

        zero_acc()
        plsc.subcore_barrier()

        def issue1(i, b):
            pltpu.async_copy(tb_h.at[sbuf.at[i, 0]], ra.at[b], sems[b])

        def step1(i, b):
            @pl.when(i < cnt)
            def _():
                pltpu.make_async_copy(tb_h.at[sbuf.at[i, 0]], ra.at[b],
                                      sems[b]).wait()
                pltpu.sync_copy(ra.at[b], acc.at[dbuf.at[i, 0]], add=True)

            @pl.when(i + 2 < cnt)
            def _():
                issue1(i + 2, b)

        for b in range(2):
            @pl.when(b < cnt)
            def _():
                issue1(b, b)

        def body1(t, carry):
            step1(2 * t, 0)
            step1(2 * t + 1, 1)
            return carry

        with jax.named_scope("p1loop"):
            lax.fori_loop(0, PAIRS, body1, 0)
        plsc.subcore_barrier()
        with jax.named_scope("p1wb"):
            pltpu.sync_copy(acc.at[pl.ds(row0, NT)],
                            out_h.at[cid, pl.ds(row0, NT)])
        plsc.subcore_barrier()

        zero_acc()
        plsc.subcore_barrier()

        for bit, tab_h, gk, sk in ((1, tc_h, sbuf, dbuf),
                                   (2, tr_h, dbuf, sbuf)):
            def issue2(i, b, bit=bit, tab_h=tab_h, gk=gk):
                fv = fbuf[i, 0, pl.ds(0, 16)][0]

                @pl.when(jnp.bitwise_and(fv, bit) > 0)
                def _():
                    pltpu.async_copy(tab_h.at[gk.at[i, 0]], ra.at[b], sems[b])

            def step2(i, b, bit=bit, tab_h=tab_h, gk=gk, sk=sk,
                      issue2=issue2):
                @pl.when(i < cnt)
                def _():
                    fv = fbuf[i, 0, pl.ds(0, 16)][0]

                    @pl.when(jnp.bitwise_and(fv, bit) > 0)
                    def _():
                        pltpu.make_async_copy(tab_h.at[gk.at[i, 0]],
                                              ra.at[b], sems[b]).wait()
                        pltpu.sync_copy(ra.at[b], acc.at[sk.at[i, 0]],
                                        add=True)

                @pl.when(i + 2 < cnt)
                def _():
                    issue2(i + 2, b)

            for b in range(2):
                @pl.when(b < cnt)
                def _(b=b, issue2=issue2):
                    issue2(b, b)

            def body2(t, carry, step2=step2):
                step2(2 * t, 0)
                step2(2 * t + 1, 1)
                return carry

            with jax.named_scope("p2loop"):
                lax.fori_loop(0, PAIRS, body2, 0)
        plsc.subcore_barrier()
        pltpu.sync_copy(acc.at[pl.ds(row0, NT)],
                        out_h.at[2 + cid, pl.ds(row0, NT)])

    return k(src3, dst3, flg3, base0, tab_c, tab_r, zeros_f)



def _flags_body(nj, s_ref, d_ref, p_ref, o_ref):
    s = s_ref[...]
    d = d_ref[...]
    sm = jnp.zeros(s.shape, jnp.bool_)
    dm = jnp.zeros(d.shape, jnp.bool_)
    for j in range(nj):
        pj = p_ref[0, j]
        sm = jnp.logical_or(sm, s == pj)
        dm = jnp.logical_or(dm, d == pj)
    f = (jnp.any(sm, axis=1, keepdims=True).astype(jnp.int32)
         + 2 * jnp.any(dm, axis=1, keepdims=True).astype(jnp.int32))
    o_ref[...] = jnp.broadcast_to(f, o_ref.shape)


def _chunk_flags(src2, dst2, posf):
    nchunk, c = src2.shape
    nj = posf.shape[0]
    return pl.pallas_call(
        functools.partial(_flags_body, nj),
        grid=(1,),
        in_specs=[
            pl.BlockSpec((nchunk, c), lambda i: (0, 0)),
            pl.BlockSpec((nchunk, c), lambda i: (0, 0)),
            pl.BlockSpec((1, nj), lambda i: (0, 0)),
        ],
        out_specs=pl.BlockSpec((nchunk, c), lambda i: (0, 0)),
        out_shape=jax.ShapeDtypeStruct((nchunk, c), jnp.int32),
    )(src2, dst2, posf.reshape(1, nj))

def _mmtab_body(bn, nj, x_ref, w_ref, b_ref, p_ref, o_ref, tc_ref, tr_ref):
    o_ref[...] = (
        jnp.dot(x_ref[...], w_ref[...], preferred_element_type=jnp.float32)
        + b_ref[...]
    )
    f = x_ref.shape[1]
    rowid = (pl.program_id(0) * bn
             + jax.lax.broadcasted_iota(jnp.int32, (bn, nj), 0))
    eq = (rowid == p_ref[...]).astype(jnp.float32)
    zj = jnp.zeros((bn, nj), jnp.float32)
    zr = jnp.zeros((bn, f - 2 * nj), jnp.float32)
    tc_ref[...] = jnp.concatenate([eq, zj, zr], axis=1)
    tr_ref[...] = jnp.concatenate([zj, eq, zr], axis=1)


def _mm_bias_tabs(x, w, b, posf, bn):
    n, f = x.shape
    nj = posf.shape[0]
    return pl.pallas_call(
        functools.partial(_mmtab_body, bn, nj),
        grid=(n // bn,),
        in_specs=[
            pl.BlockSpec((bn, f), lambda i: (i, 0)),
            pl.BlockSpec((f, f), lambda i: (0, 0)),
            pl.BlockSpec((1, f), lambda i: (0, 0)),
            pl.BlockSpec((1, nj), lambda i: (0, 0)),
        ],
        out_specs=[
            pl.BlockSpec((bn, f), lambda i: (i, 0)),
            pl.BlockSpec((bn, f), lambda i: (i, 0)),
            pl.BlockSpec((bn, f), lambda i: (i, 0)),
        ],
        out_shape=[
            jax.ShapeDtypeStruct((n, f), jnp.float32),
            jax.ShapeDtypeStruct((n, f), jnp.float32),
            jax.ShapeDtypeStruct((n, f), jnp.float32),
        ],
    )(x, w, b.reshape(1, f), posf.reshape(1, nj))


def _mc_body(mloc, nblocks, b_ref, ob_ref, cr_ref, tc_ref, w_ref, dvw_ref,
             u_ref, plab_ref, clab_ref, rlab_ref, rdeg_ref,
             uacc, pacc, cacc, racc, dacc):
    j = 2 * mloc
    cdims = (((0,), (0,)), ((), ()))

    @pl.when(pl.program_id(0) == 0)
    def _():
        uacc[...] = jnp.zeros_like(uacc)
        pacc[...] = jnp.zeros_like(pacc)
        cacc[...] = jnp.zeros_like(cacc)
        racc[...] = jnp.zeros_like(racc)
        dacc[...] = jnp.zeros_like(dacc)

    pre = b_ref[...] + ob_ref[0] + ob_ref[1]
    pre0w = jnp.dot(pre, w_ref[...], preferred_element_type=jnp.float32)
    cr = cr_ref[0] + cr_ref[1]
    eq = tc_ref[:, 0:j]
    cadj = cr[:, 0:j] + eq
    rm = cr[:, j:2 * j]

    for m in range(mloc):
        g = jnp.maximum(
            pre0w
            + cadj[:, 2 * m:2 * m + 1] * dvw_ref[2 * m:2 * m + 1, :]
            + cadj[:, 2 * m + 1:2 * m + 2] * dvw_ref[2 * m + 1:2 * m + 2, :],
            0.0,
        )
        uacc[pl.ds(2 * m, 2), :] += lax.dot_general(
            rm[:, 2 * m:2 * m + 2], g, cdims,
            preferred_element_type=jnp.float32)

    pacc[...] += lax.dot_general(eq, pre0w, cdims,
                                 preferred_element_type=jnp.float32)
    cacc[...] += lax.dot_general(eq, cadj, cdims,
                                 preferred_element_type=jnp.float32)
    racc[...] += lax.dot_general(eq, rm, cdims,
                                 preferred_element_type=jnp.float32)
    dacc[...] += jnp.sum(rm, axis=0, keepdims=True)

    @pl.when(pl.program_id(0) == nblocks - 1)
    def _():
        u_ref[...] = uacc[...]
        plab_ref[...] = pacc[...]
        clab_ref[...] = cacc[...]
        rlab_ref[...] = racc[...]
        rdeg_ref[...] = dacc[...]


def _merge_contract(base0, out4, tab_c, wc0, dvw, mloc, bn):
    n, f = base0.shape
    j = 2 * mloc
    nblocks = n // bn
    return pl.pallas_call(
        functools.partial(_mc_body, mloc, nblocks),
        grid=(nblocks,),
        in_specs=[
            pl.BlockSpec((bn, f), lambda i: (i, 0)),
            pl.BlockSpec((2, bn, f), lambda i: (0, i, 0)),
            pl.BlockSpec((2, bn, f), lambda i: (1, i, 0)),
            pl.BlockSpec((bn, f), lambda i: (i, 0)),
            pl.BlockSpec((f, f), lambda i: (0, 0)),
            pl.BlockSpec((j, f), lambda i: (0, 0)),
        ],
        out_specs=[
            pl.BlockSpec((j, f), lambda i: (0, 0)),
            pl.BlockSpec((j, f), lambda i: (0, 0)),
            pl.BlockSpec((j, j), lambda i: (0, 0)),
            pl.BlockSpec((j, j), lambda i: (0, 0)),
            pl.BlockSpec((1, j), lambda i: (0, 0)),
        ],
        out_shape=[
            jax.ShapeDtypeStruct((j, f), jnp.float32),
            jax.ShapeDtypeStruct((j, f), jnp.float32),
            jax.ShapeDtypeStruct((j, j), jnp.float32),
            jax.ShapeDtypeStruct((j, j), jnp.float32),
            jax.ShapeDtypeStruct((1, j), jnp.float32),
        ],
        scratch_shapes=[
            pltpu.VMEM((j, f), jnp.float32),
            pltpu.VMEM((j, f), jnp.float32),
            pltpu.VMEM((j, j), jnp.float32),
            pltpu.VMEM((j, j), jnp.float32),
            pltpu.VMEM((1, j), jnp.float32),
        ],
    )(base0, out4, out4, tab_c, wc0, dvw)



def kernel(x, edge_index, pos, Wf0_0, bf0_0, Wf1_0, bf1_0, Wc_0,
           Wf0_1, bf0_1, Wf1_1, bf1_1, Wc_1):
    N, F = x.shape
    Mloc = pos.shape[0]
    J = 2 * Mloc
    src = edge_index[0]
    dst = edge_index[1]
    posf = pos.reshape(-1)
    jar = jnp.arange(J)
    midx = jnp.repeat(jnp.arange(Mloc), 2)

    NP = ((N + 127) // 128) * 128

    dup = pos[:, 0] == pos[:, 1]
    w = jnp.stack([jnp.where(dup, 0.0, 1.0), jnp.ones((Mloc,))], axis=1
                  ).reshape(-1)

    base0, tab_c, tab_r = _mm_bias_tabs(x, Wf0_0, bf0_0, posf, bn=1000)

    lab0 = x[posf] @ Wf1_0 + bf1_0
    dval0 = lab0 - base0[posf]
    dvw = (dval0 @ Wc_0) * w[:, None]

    C = 128
    src3 = src.reshape(-1, 1, C)
    dst3 = dst.reshape(-1, 1, C)
    flags = _chunk_flags(src.reshape(-1, C), dst.reshape(-1, C), posf)
    out4 = _sc_edge_aggregate(
        src3, dst3, flags.reshape(-1, 1, C), base0, tab_c, tab_r,
        jnp.zeros((NP // 16, F), jnp.float32), NP)

    u, plab, clab, rlab, rdeg2 = _merge_contract(
        base0, out4, tab_c, Wc_0, dvw, Mloc, bn=1000)
    rdeg = rdeg2[0]

    g_arg = (plab
             + clab[jar, 2 * midx][:, None] * dvw[2 * midx]
             + clab[jar, 2 * midx + 1][:, None] * dvw[2 * midx + 1])
    glab = jax.nn.relu(g_arg)
    x1f_lab = glab @ Wf1_1 + bf1_1
    x1f_unlab_at_lab = glab @ Wf0_1 + bf0_1

    agg_main = u @ Wf0_1 + rdeg[:, None] * bf0_1
    rjk0 = rlab[2 * midx, jar]
    rjk1 = rlab[2 * midx + 1, jar]
    diff = x1f_lab - x1f_unlab_at_lab
    fix = ((w[2 * midx] * rjk0)[:, None] * diff[2 * midx]
           + (w[2 * midx + 1] * rjk1)[:, None] * diff[2 * midx + 1])

    out = jax.nn.relu((x1f_lab + agg_main + fix) @ Wc_1)
    return out.reshape(Mloc, 2, F)

# --- scband reference (transcript-rebuilt; emitter-appended) ---
"""Pipeline reference for scband-flabeling-net-41351945126300 (READ-ONLY COPY).

The authoritative reference and input builder live on the scoring server;
editing this copy changes nothing except your own understanding.
"""

import jax, jax.numpy as jnp
import numpy as np

N = 10000
F = 128
M = 16
E = 160000


def setup_inputs(seed: int = 0) -> dict:
    key = jax.random.key(seed)
    ks = jax.random.split(key, 16)
    s = 1.0 / np.sqrt(F)
    inp = {}
    inp["x"] = jax.random.normal(ks[0], (N, F), dtype=jnp.float32)
    inp["edge_index"] = jax.random.randint(ks[1], (2, E), 0, N, dtype=jnp.int32)
    inp["pos"] = jax.random.randint(ks[2], (M, 2), 0, N, dtype=jnp.int32)
    # learned params: per layer i, f0 Linear(F,F), f1 Linear(F,F), conv weight (F,F)
    inp["Wf0_0"] = jax.random.normal(ks[3], (F, F), dtype=jnp.float32) * s
    inp["bf0_0"] = jnp.zeros((F,), dtype=jnp.float32)
    inp["Wf1_0"] = jax.random.normal(ks[4], (F, F), dtype=jnp.float32) * s
    inp["bf1_0"] = jnp.zeros((F,), dtype=jnp.float32)
    inp["Wc_0"] = jax.random.normal(ks[5], (F, F), dtype=jnp.float32) * s
    inp["Wf0_1"] = jax.random.normal(ks[6], (F, F), dtype=jnp.float32) * s
    inp["bf0_1"] = jnp.zeros((F,), dtype=jnp.float32)
    inp["Wf1_1"] = jax.random.normal(ks[7], (F, F), dtype=jnp.float32) * s
    inp["bf1_1"] = jnp.zeros((F,), dtype=jnp.float32)
    inp["Wc_1"] = jax.random.normal(ks[8], (F, F), dtype=jnp.float32) * s
    return inp


def reference(x, edge_index, pos, Wf0_0, bf0_0, Wf1_0, bf1_0, Wc_0, Wf0_1, bf0_1, Wf1_1, bf1_1, Wc_1):
    Mloc = pos.shape[0]
    Nn = x.shape[0]
    idx0 = jnp.repeat(jnp.arange(Mloc), 2)
    idx1 = pos.reshape(-1)
    src = edge_index[0]
    dst = edge_index[1]

    def conv(h, W):
        # batched sum-aggregation graph conv over the M pair-batch dim
        msgs = h[:, src, :]
        agg = jax.vmap(lambda m: jax.ops.segment_sum(m, dst, num_segments=Nn))(msgs)
        return jax.nn.relu((h + agg) @ W)

    # layer 0: x is (N, F); lift to (M, N, F) with labeled pairs overwritten by f1
    x0 = jnp.broadcast_to((x @ Wf0_0 + bf0_0)[None, :, :], (Mloc, Nn, F))
    x1 = x[idx1] @ Wf1_0 + bf1_0
    x0 = x0.at[idx0, idx1].set(x1)
    h = conv(x0, Wc_0)

    # layer 1: h is (M, N, F)
    x0 = h @ Wf0_1 + bf0_1
    x0 = x0.at[idx0, idx1].set(h[idx0, idx1] @ Wf1_1 + bf1_1)
    h = conv(x0, Wc_1)

    out = h[idx0, idx1].reshape(Mloc, 2, -1)
    return out

if __name__ == "__main__":
    import jax
    _d = setup_inputs()
    print(jax.jit(kernel)(*tuple(_d.values())))

</pallas_src>

<mosaic_0001>
#map = affine_map<(d0, d1) -> (0, 0, 0)>
#map1 = affine_map<(d0, d1) -> (0, 0)>
module attributes {stable_mosaic.version = 14 : i64} {
  func.func @k(%arg0: i32, %arg1: i32, %arg2: memref<1250x1x128xi32, #tpu.memory_space<hbm>>, %arg3: memref<1250x1x128xi32, #tpu.memory_space<hbm>>, %arg4: memref<1250x1x128xi32, #tpu.memory_space<hbm>>, %arg5: memref<10000x128xf32, #tpu.memory_space<hbm>>, %arg6: memref<10000x128xf32, #tpu.memory_space<hbm>>, %arg7: memref<10000x128xf32, #tpu.memory_space<hbm>>, %arg8: memref<632x128xf32, #tpu.memory_space<hbm>>, %arg9: memref<4x10112x128xf32, #tpu.memory_space<hbm>>, %arg10: memref<40x1x128xi32, #tpu.memory_space<vmem>>, %arg11: memref<40x1x128xi32, #tpu.memory_space<vmem>>, %arg12: memref<40x1x128xi32, #tpu.memory_space<vmem>>, %arg13: memref<2x128x128xf32, #tpu.memory_space<vmem>>, %arg14: memref<10112x128xf32, #tpu.memory_space<vmem_shared>>, %arg15: memref<!tpu.dma_semaphore, #tpu.memory_space<semaphore_mem>>, %arg16: memref<!tpu.dma_semaphore, #tpu.memory_space<semaphore_mem>>) attributes {dimension_semantics = [#tpu.dimension_semantics<core_parallel>, #tpu.dimension_semantics<subcore_parallel>], iteration_bounds = array<i64: 2, 16>, scalar_prefetch = 0 : i64, scratch_operands = 7 : i64, tpu.core_type = #tpu.core_type<sc_vector_subcore>, window_params = [{transform_indices = #map}, {transform_indices = #map}, {transform_indices = #map}, {transform_indices = #map1}, {transform_indices = #map1}, {transform_indices = #map1}, {transform_indices = #map1}, {transform_indices = #map}]} {
    %mul3A = arith.constant 2 : i32
    %mul3A_0 = arith.muli %arg1, %mul3A : i32
    %add3A = arith.addi %mul3A_0, %arg0 : i32
    %mul3A_1 = arith.constant 632 : i32
    %mul3A_2 = arith.muli %arg1, %mul3A_1 : i32
    %multiple_of3A = tpu.assume_multiple %mul3A_2, 8 : i32
    %mul3A_3 = arith.constant 1250 : i32
    %mul3A_4 = arith.muli %add3A, %mul3A_3 : i32
    %jit3A = arith.constant 32 : i32
    %div3A = arith.divsi %mul3A_4, %jit3A : i32
    %sign3A = arith.constant 0 : i32
    %sign3A_5 = arith.cmpi sgt, %mul3A_4, %sign3A : i32
    %sign3A_6 = arith.extui %sign3A_5 : i1 to i32
    %sign3A_7 = arith.constant 0 : i32
    %sign3A_8 = arith.cmpi slt, %mul3A_4, %sign3A_7 : i32
    %sign3A_9 = arith.extui %sign3A_8 : i1 to i32
    %sign3A_10 = arith.subi %sign3A_6, %sign3A_9 : i32
    %sign3A_11 = arith.constant 0 : i32
    %sign3A_12 = arith.cmpi sgt, %jit3A, %sign3A_11 : i32
    %sign3A_13 = arith.extui %sign3A_12 : i1 to i32
    %sign3A_14 = arith.constant 0 : i32
    %sign3A_15 = arith.cmpi slt, %jit3A, %sign3A_14 : i32
    %sign3A_16 = arith.extui %sign3A_15 : i1 to i32
    %sign3A_17 = arith.subi %sign3A_13, %sign3A_16 : i32
    %ne3A = arith.cmpi ne, %sign3A_10, %sign3A_17 : i32
    %rem3A = arith.remsi %mul3A_4, %jit3A : i32
    %ne3A_18 = arith.constant 0 : i32
    %ne3A_19 = arith.cmpi ne, %rem3A, %ne3A_18 : i32
    %and3A = arith.andi %ne3A, %ne3A_19 : i1
    %sub3A = arith.constant 1 : i32
    %sub3A_20 = arith.subi %div3A, %sub3A : i32
    %select_n3A = arith.select %and3A, %sub3A_20, %div3A : i32
    %add3A_21 = arith.constant 1 : i32
    %add3A_22 = arith.addi %add3A, %add3A_21 : i32
    %mul3A_23 = arith.constant 1250 : i32
    %mul3A_24 = arith.muli %add3A_22, %mul3A_23 : i32
    %jit3A_25 = arith.constant 32 : i32
    %div3A_26 = arith.divsi %mul3A_24, %jit3A_25 : i32
    %sign3A_27 = arith.constant 0 : i32
    %sign3A_28 = arith.cmpi sgt, %mul3A_24, %sign3A_27 : i32
    %sign3A_29 = arith.extui %sign3A_28 : i1 to i32
    %sign3A_30 = arith.constant 0 : i32
    %sign3A_31 = arith.cmpi slt, %mul3A_24, %sign3A_30 : i32
    %sign3A_32 = arith.extui %sign3A_31 : i1 to i32
    %sign3A_33 = arith.subi %sign3A_29, %sign3A_32 : i32
    %sign3A_34 = arith.constant 0 : i32
    %sign3A_35 = arith.cmpi sgt, %jit3A_25, %sign3A_34 : i32
    %sign3A_36 = arith.extui %sign3A_35 : i1 to i32
    %sign3A_37 = arith.constant 0 : i32
    %sign3A_38 = arith.cmpi slt, %jit3A_25, %sign3A_37 : i32
    %sign3A_39 = arith.extui %sign3A_38 : i1 to i32
    %sign3A_40 = arith.subi %sign3A_36, %sign3A_39 : i32
    %ne3A_41 = arith.cmpi ne, %sign3A_33, %sign3A_40 : i32
    %rem3A_42 = arith.remsi %mul3A_24, %jit3A_25 : i32
    %ne3A_43 = arith.constant 0 : i32
    %ne3A_44 = arith.cmpi ne, %rem3A_42, %ne3A_43 : i32
    %and3A_45 = arith.andi %ne3A_41, %ne3A_44 : i1
    %sub3A_46 = arith.constant 1 : i32
    %sub3A_47 = arith.subi %div3A_26, %sub3A_46 : i32
    %select_n3A_48 = arith.select %and3A_45, %sub3A_47, %div3A_26 : i32
    %sub3A_49 = arith.subi %select_n3A_48, %select_n3A : i32
    "tpu.region"() ({
      %run_scoped3A = tpu.sem_alloc : memref<!tpu.dma_semaphore, #tpu.memory_space<semaphore_mem>>
      %dma_start3A = arith.constant 0 : i32
      %dma_start3A_100 = arith.constant 0 : i32
      %dma_start3A_101 = tpu.memref_slice %arg2[%select_n3A, %dma_start3A, %dma_start3A_100] : memref<1250x1x128xi32, #tpu.memory_space<hbm>> -> memref<40x1x128xi32, #tpu.memory_space<hbm>>
      %dma_start3A_102 = arith.constant 0 : i32
      %dma_start3A_103 = arith.constant 0 : i32
      %dma_start3A_104 = tpu.memref_slice %arg2[%select_n3A, %dma_start3A_102, %dma_start3A_103] : memref<1250x1x128xi32, #tpu.memory_space<hbm>> -> memref<40x1x128xi32, #tpu.memory_space<hbm>>
      tpu.enqueue_dma source(%dma_start3A_104 : memref<40x1x128xi32, #tpu.memory_space<hbm>>) target(%arg10 : memref<40x1x128xi32, #tpu.memory_space<vmem>>) target_semaphore(%run_scoped3A : memref<!tpu.dma_semaphore, #tpu.memory_space<semaphore_mem>>)
      %dma_wait3A = arith.constant 0 : i32
      %dma_wait3A_105 = arith.constant 0 : i32
      %dma_wait3A_106 = tpu.memref_slice %arg2[%select_n3A, %dma_wait3A, %dma_wait3A_105] : memref<1250x1x128xi32, #tpu.memory_space<hbm>> -> memref<40x1x128xi32, #tpu.memory_space<hbm>>
      %dma_wait3A_107 = arith.constant 0 : i32
      %dma_wait3A_108 = arith.constant 0 : i32
      %dma_wait3A_109 = tpu.memref_slice %arg2[%select_n3A, %dma_wait3A_107, %dma_wait3A_108] : memref<1250x1x128xi32, #tpu.memory_space<hbm>> -> memref<40x1x128xi32, #tpu.memory_space<hbm>>
      tpu.wait_dma2 semaphore(%run_scoped3A : memref<!tpu.dma_semaphore, #tpu.memory_space<semaphore_mem>>) src(%dma_wait3A_109 : memref<40x1x128xi32, #tpu.memory_space<hbm>>) dst(%arg10 : memref<40x1x128xi32, #tpu.memory_space<vmem>>)
      tpu.yield
    }) : () -> ()
    "tpu.region"() ({
      %run_scoped3A = tpu.sem_alloc : memref<!tpu.dma_semaphore, #tpu.memory_space<semaphore_mem>>
      %dma_start3A = arith.constant 0 : i32
      %dma_start3A_100 = arith.constant 0 : i32
      %dma_start3A_101 = tpu.memref_slice %arg3[%select_n3A, %dma_start3A, %dma_start3A_100] : memref<1250x1x128xi32, #tpu.memory_space<hbm>> -> memref<40x1x128xi32, #tpu.memory_space<hbm>>
      %dma_start3A_102 = arith.constant 0 : i32
      %dma_start3A_103 = arith.constant 0 : i32
      %dma_start3A_104 = tpu.memref_slice %arg3[%select_n3A, %dma_start3A_102, %dma_start3A_103] : memref<1250x1x128xi32, #tpu.memory_space<hbm>> -> memref<40x1x128xi32, #tpu.memory_space<hbm>>
      tpu.enqueue_dma source(%dma_start3A_104 : memref<40x1x128xi32, #tpu.memory_space<hbm>>) target(%arg11 : memref<40x1x128xi32, #tpu.memory_space<vmem>>) target_semaphore(%run_scoped3A : memref<!tpu.dma_semaphore, #tpu.memory_space<semaphore_mem>>)
      %dma_wait3A = arith.constant 0 : i32
      %dma_wait3A_105 = arith.constant 0 : i32
      %dma_wait3A_106 = tpu.memref_slice %arg3[%select_n3A, %dma_wait3A, %dma_wait3A_105] : memref<1250x1x128xi32, #tpu.memory_space<hbm>> -> memref<40x1x128xi32, #tpu.memory_space<hbm>>
      %dma_wait3A_107 = arith.constant 0 : i32
      %dma_wait3A_108 = arith.constant 0 : i32
      %dma_wait3A_109 = tpu.memref_slice %arg3[%select_n3A, %dma_wait3A_107, %dma_wait3A_108] : memref<1250x1x128xi32, #tpu.memory_space<hbm>> -> memref<40x1x128xi32, #tpu.memory_space<hbm>>
      tpu.wait_dma2 semaphore(%run_scoped3A : memref<!tpu.dma_semaphore, #tpu.memory_space<semaphore_mem>>) src(%dma_wait3A_109 : memref<40x1x128xi32, #tpu.memory_space<hbm>>) dst(%arg11 : memref<40x1x128xi32, #tpu.memory_space<vmem>>)
      tpu.yield
    }) : () -> ()
    "tpu.region"() ({
      %run_scoped3A = tpu.sem_alloc : memref<!tpu.dma_semaphore, #tpu.memory_space<semaphore_mem>>
      %dma_start3A = arith.constant 0 : i32
      %dma_start3A_100 = arith.constant 0 : i32
      %dma_start3A_101 = tpu.memref_slice %arg4[%select_n3A, %dma_start3A, %dma_start3A_100] : memref<1250x1x128xi32, #tpu.memory_space<hbm>> -> memref<40x1x128xi32, #tpu.memory_space<hbm>>
      %dma_start3A_102 = arith.constant 0 : i32
      %dma_start3A_103 = arith.constant 0 : i32
      %dma_start3A_104 = tpu.memref_slice %arg4[%select_n3A, %dma_start3A_102, %dma_start3A_103] : memref<1250x1x128xi32, #tpu.memory_space<hbm>> -> memref<40x1x128xi32, #tpu.memory_space<hbm>>
      tpu.enqueue_dma source(%dma_start3A_104 : memref<40x1x128xi32, #tpu.memory_space<hbm>>) target(%arg12 : memref<40x1x128xi32, #tpu.memory_space<vmem>>) target_semaphore(%run_scoped3A : memref<!tpu.dma_semaphore, #tpu.memory_space<semaphore_mem>>)
      %dma_wait3A = arith.constant 0 : i32
      %dma_wait3A_105 = arith.constant 0 : i32
      %dma_wait3A_106 = tpu.memref_slice %arg4[%select_n3A, %dma_wait3A, %dma_wait3A_105] : memref<1250x1x128xi32, #tpu.memory_space<hbm>> -> memref<40x1x128xi32, #tpu.memory_space<hbm>>
      %dma_wait3A_107 = arith.constant 0 : i32
      %dma_wait3A_108 = arith.constant 0 : i32
      %dma_wait3A_109 = tpu.memref_slice %arg4[%select_n3A, %dma_wait3A_107, %dma_wait3A_108] : memref<1250x1x128xi32, #tpu.memory_space<hbm>> -> memref<40x1x128xi32, #tpu.memory_space<hbm>>
      tpu.wait_dma2 semaphore(%run_scoped3A : memref<!tpu.dma_semaphore, #tpu.memory_space<semaphore_mem>>) src(%dma_wait3A_109 : memref<40x1x128xi32, #tpu.memory_space<hbm>>) dst(%arg12 : memref<40x1x128xi32, #tpu.memory_space<vmem>>)
      tpu.yield
    }) : () -> ()
    "tpu.region"() ({
      %run_scoped3A = tpu.sem_alloc : memref<!tpu.dma_semaphore, #tpu.memory_space<semaphore_mem>>
      %dma_start3A = arith.constant 0 : i32
      %dma_start3A_100 = tpu.memref_slice %arg14[%multiple_of3A, %dma_start3A] : memref<10112x128xf32, #tpu.memory_space<vmem_shared>> -> memref<632x128xf32, #tpu.memory_space<vmem_shared>>
      tpu.enqueue_dma source(%arg8 : memref<632x128xf32, #tpu.memory_space<hbm>>) target(%dma_start3A_100 : memref<632x128xf32, #tpu.memory_space<vmem_shared>>) target_semaphore(%run_scoped3A : memref<!tpu.dma_semaphore, #tpu.memory_space<semaphore_mem>>)
      %dma_wait3A = arith.constant 0 : i32
      %dma_wait3A_101 = tpu.memref_slice %arg14[%multiple_of3A, %dma_wait3A] : memref<10112x128xf32, #tpu.memory_space<vmem_shared>> -> memref<632x128xf32, #tpu.memory_space<vmem_shared>>
      tpu.wait_dma2 semaphore(%run_scoped3A : memref<!tpu.dma_semaphore, #tpu.memory_space<semaphore_mem>>) src(%arg8 : memref<632x128xf32, #tpu.memory_space<hbm>>) dst(%dma_wait3A_101 : memref<632x128xf32, #tpu.memory_space<vmem_shared>>)
      tpu.yield
    }) : () -> ()
    %barrier3A = arith.constant 0 : index
    tpu.barrier barrier_id(%barrier3A)
    %gt3A = arith.constant 0 : i32
    %gt3A_50 = arith.cmpi sgt, %sub3A_49, %gt3A : i32
    %convert_element_type3A = arith.extui %gt3A_50 : i1 to i32
    %cond3A = arith.constant 0 : i32
    %cond3A_51 = arith.cmpi ne, %convert_element_type3A, %cond3A : i32
    scf.if %cond3A_51 {
      %dma_start3A = arith.constant 0 : i32
      %dma_start3A_100 = arith.constant 0 : i32
      %dma_start3A_101 = arith.constant 0 : i32
      %dma_start3A_102 = arith.constant 0 : i32
      %dma_start3A_103 = arith.constant 0 : i32
      %dma_start3A_104 = tpu.memref_slice %arg13[%dma_start3A_101, %dma_start3A_102, %dma_start3A_103] : memref<2x128x128xf32, #tpu.memory_space<vmem>> -> memref<1x128x128xf32, #tpu.memory_space<vmem>>
      %dma_start3A_105 = tpu.memref_squeeze %dma_start3A_104 : memref<1x128x128xf32, #tpu.memory_space<vmem>> -> memref<128x128xf32, #tpu.memory_space<vmem>>
      %dma_start3A_106 = arith.constant 0 : i32
      %dma_start3A_107 = tpu.memref_slice %arg10[%dma_start3A, %dma_start3A_100, %dma_start3A_106] : memref<40x1x128xi32, #tpu.memory_space<vmem>> -> memref<1x1x128xi32, #tpu.memory_space<vmem>>
      %dma_start3A_108 = tpu.memref_squeeze %dma_start3A_107 : memref<1x1x128xi32, #tpu.memory_space<vmem>> -> memref<128xi32, #tpu.memory_space<vmem>>
      %dma_start3A_109 = arith.constant 0 : i32
      %dma_start3A_110 = arith.constant 0 : i32
      %dma_start3A_111 = tpu.memref_slice %arg5[%dma_start3A_109, %dma_start3A_110] : memref<10000x128xf32, #tpu.memory_space<hbm>> -> memref<10000x128xf32, #tpu.memory_space<hbm>>
      tpu.enqueue_indirect_dma source(%dma_start3A_111 : memref<10000x128xf32, #tpu.memory_space<hbm>>) target(%dma_start3A_105 : memref<128x128xf32, #tpu.memory_space<vmem>>) offsets(%dma_start3A_108 : memref<128xi32, #tpu.memory_space<vmem>>) semaphore(%arg15 : memref<!tpu.dma_semaphore, #tpu.memory_space<semaphore_mem>>)
    } else {
    }
    %gt3A_52 = arith.constant 1 : i32
    %gt3A_53 = arith.cmpi sgt, %sub3A_49, %gt3A_52 : i32
    %convert_element_type3A_54 = arith.extui %gt3A_53 : i1 to i32
    %cond3A_55 = arith.constant 0 : i32
    %cond3A_56 = arith.cmpi ne, %convert_element_type3A_54, %cond3A_55 : i32
    scf.if %cond3A_56 {
      %dma_start3A = arith.constant 1 : i32
      %dma_start3A_100 = arith.constant 0 : i32
      %dma_start3A_101 = arith.constant 1 : i32
      %dma_start3A_102 = arith.constant 0 : i32
      %dma_start3A_103 = arith.constant 0 : i32
      %dma_start3A_104 = tpu.memref_slice %arg13[%dma_start3A_101, %dma_start3A_102, %dma_start3A_103] : memref<2x128x128xf32, #tpu.memory_space<vmem>> -> memref<1x128x128xf32, #tpu.memory_space<vmem>>
      %dma_start3A_105 = tpu.memref_squeeze %dma_start3A_104 : memref<1x128x128xf32, #tpu.memory_space<vmem>> -> memref<128x128xf32, #tpu.memory_space<vmem>>
      %dma_start3A_106 = arith.constant 0 : i32
      %dma_start3A_107 = tpu.memref_slice %arg10[%dma_start3A, %dma_start3A_100, %dma_start3A_106] : memref<40x1x128xi32, #tpu.memory_space<vmem>> -> memref<1x1x128xi32, #tpu.memory_space<vmem>>
      %dma_start3A_108 = tpu.memref_squeeze %dma_start3A_107 : memref<1x1x128xi32, #tpu.memory_space<vmem>> -> memref<128xi32, #tpu.memory_space<vmem>>
      %dma_start3A_109 = arith.constant 0 : i32
      %dma_start3A_110 = arith.constant 0 : i32
      %dma_start3A_111 = tpu.memref_slice %arg5[%dma_start3A_109, %dma_start3A_110] : memref<10000x128xf32, #tpu.memory_space<hbm>> -> memref<10000x128xf32, #tpu.memory_space<hbm>>
      tpu.enqueue_indirect_dma source(%dma_start3A_111 : memref<10000x128xf32, #tpu.memory_space<hbm>>) target(%dma_start3A_105 : memref<128x128xf32, #tpu.memory_space<vmem>>) offsets(%dma_start3A_108 : memref<128xi32, #tpu.memory_space<vmem>>) semaphore(%arg16 : memref<!tpu.dma_semaphore, #tpu.memory_space<semaphore_mem>>)
    } else {
    }
    "tpu.trace_start"() <{level = 10 : i32, message = "p1loop"}> : () -> ()
    %scan3A = arith.constant 0 : i32
    %scan3A_57 = arith.constant 0 : i32
    %scan3A_58 = arith.constant 20 : i32
    %scan3A_59 = arith.addi %scan3A_57, %scan3A_58 : i32
    %scan3A_60 = arith.constant 1 : i32
    scf.for %scan3A_100 = %scan3A_57 to %scan3A_59 step %scan3A_60  : i32 {
      %mul3A_101 = arith.constant 2 : i32
      %mul3A_102 = arith.muli %mul3A_101, %scan3A_100 : i32
      %lt3A = arith.cmpi slt, %mul3A_102, %sub3A_49 : i32
      %convert_element_type3A_103 = arith.extui %lt3A : i1 to i32
      %cond3A_104 = arith.constant 0 : i32
      %cond3A_105 = arith.cmpi ne, %convert_element_type3A_103, %cond3A_104 : i32
      scf.if %cond3A_105 {
        %dma_wait3A = arith.constant 0 : i32
        %dma_wait3A_126 = arith.constant 0 : i32
        %dma_wait3A_127 = arith.constant 0 : i32
        %dma_wait3A_128 = arith.constant 0 : i32
        %dma_wait3A_129 = tpu.memref_slice %arg13[%dma_wait3A_126, %dma_wait3A_127, %dma_wait3A_128] : memref<2x128x128xf32, #tpu.memory_space<vmem>> -> memref<1x128x128xf32, #tpu.memory_space<vmem>>
        %dma_wait3A_130 = tpu.memref_squeeze %dma_wait3A_129 : memref<1x128x128xf32, #tpu.memory_space<vmem>> -> memref<128x128xf32, #tpu.memory_space<vmem>>
        %dma_wait3A_131 = arith.constant 0 : i32
        %dma_wait3A_132 = tpu.memref_slice %arg10[%mul3A_102, %dma_wait3A, %dma_wait3A_131] : memref<40x1x128xi32, #tpu.memory_space<vmem>> -> memref<1x1x128xi32, #tpu.memory_space<vmem>>
        %dma_wait3A_133 = tpu.memref_squeeze %dma_wait3A_132 : memref<1x1x128xi32, #tpu.memory_space<vmem>> -> memref<128xi32, #tpu.memory_space<vmem>>
        %dma_wait3A_134 = arith.constant 0 : i32
        %dma_wait3A_135 = arith.constant 0 : i32
        %dma_wait3A_136 = tpu.memref_slice %arg5[%dma_wait3A_134, %dma_wait3A_135] : memref<10000x128xf32, #tpu.memory_space<hbm>> -> memref<10000x128xf32, #tpu.memory_space<hbm>>
        tpu.wait_indirect_dma semaphore(%arg15 : memref<!tpu.dma_semaphore, #tpu.memory_space<semaphore_mem>>) src(%dma_wait3A_136 : memref<10000x128xf32, #tpu.memory_space<hbm>>) dst(%dma_wait3A_130 : memref<128x128xf32, #tpu.memory_space<vmem>>)
        %run_scoped3A = arith.constant 0 : i32
        %run_scoped3A_137 = arith.constant 0 : i32
        "tpu.region"() ({
          %run_scoped3A_138 = tpu.sem_alloc : memref<!tpu.dma_semaphore, #tpu.memory_space<semaphore_mem>>
          %dma_start3A = arith.constant 0 : i32
          %dma_start3A_139 = arith.constant 0 : i32
          %dma_start3A_140 = tpu.memref_slice %arg13[%run_scoped3A, %dma_start3A, %dma_start3A_139] : memref<2x128x128xf32, #tpu.memory_space<vmem>> -> memref<1x128x128xf32, #tpu.memory_space<vmem>>
          %dma_start3A_141 = tpu.memref_squeeze %dma_start3A_140 : memref<1x128x128xf32, #tpu.memory_space<vmem>> -> memref<128x128xf32, #tpu.memory_space<vmem>>
          %dma_start3A_142 = arith.constant 0 : i32
          %dma_start3A_143 = tpu.memref_slice %arg11[%mul3A_102, %run_scoped3A_137, %dma_start3A_142] : memref<40x1x128xi32, #tpu.memory_space<vmem>> -> memref<1x1x128xi32, #tpu.memory_space<vmem>>
          %dma_start3A_144 = tpu.memref_squeeze %dma_start3A_143 : memref<1x1x128xi32, #tpu.memory_space<vmem>> -> memref<128xi32, #tpu.memory_space<vmem>>
          %dma_start3A_145 = arith.constant 0 : i32
          %dma_start3A_146 = arith.constant 0 : i32
          %dma_start3A_147 = tpu.memref_slice %arg14[%dma_start3A_145, %dma_start3A_146] : memref<10112x128xf32, #tpu.memory_space<vmem_shared>> -> memref<10112x128xf32, #tpu.memory_space<vmem_shared>>
          tpu.enqueue_indirect_dma source(%dma_start3A_141 : memref<128x128xf32, #tpu.memory_space<vmem>>) target(%dma_start3A_147 : memref<10112x128xf32, #tpu.memory_space<vmem_shared>>) offsets(%dma_start3A_144 : memref<128xi32, #tpu.memory_space<vmem>>) semaphore(%run_scoped3A_138 : memref<!tpu.dma_semaphore, #tpu.memory_space<semaphore_mem>>) {add = true}
          %dma_wait3A_148 = arith.constant 0 : i32
          %dma_wait3A_149 = arith.constant 0 : i32
          %dma_wait3A_150 = tpu.memref_slice %arg13[%run_scoped3A, %dma_wait3A_148, %dma_wait3A_149] : memref<2x128x128xf32, #tpu.memory_space<vmem>> -> memref<1x128x128xf32, #tpu.memory_space<vmem>>
          %dma_wait3A_151 = tpu.memref_squeeze %dma_wait3A_150 : memref<1x128x128xf32, #tpu.memory_space<vmem>> -> memref<128x128xf32, #tpu.memory_space<vmem>>
          %dma_wait3A_152 = arith.constant 0 : i32
          %dma_wait3A_153 = tpu.memref_slice %arg11[%mul3A_102, %run_scoped3A_137, %dma_wait3A_152] : memref<40x1x128xi32, #tpu.memory_space<vmem>> -> memref<1x1x128xi32, #tpu.memory_space<vmem>>
          %dma_wait3A_154 = tpu.memref_squeeze %dma_wait3A_153 : memref<1x1x128xi32, #tpu.memory_space<vmem>> -> memref<128xi32, #tpu.memory_space<vmem>>
          %dma_wait3A_155 = arith.constant 0 : i32
          %dma_wait3A_156 = arith.constant 0 : i32
          %dma_wait3A_157 = tpu.memref_slice %arg14[%dma_wait3A_155, %dma_wait3A_156] : memref<10112x128xf32, #tpu.memory_space<vmem_shared>> -> memref<10112x128xf32, #tpu.memory_space<vmem_shared>>
          tpu.wait_indirect_dma semaphore(%run_scoped3A_138 : memref<!tpu.dma_semaphore, #tpu.memory_space<semaphore_mem>>) src(%dma_wait3A_151 : memref<128x128xf32, #tpu.memory_space<vmem>>) dst(%dma_wait3A_157 : memref<10112x128xf32, #tpu.memory_space<vmem_shared>>)
          tpu.yield
        }) : () -> ()
      } else {
      }
      %add3A_106 = arith.constant 2 : i32
      %add3A_107 = arith.addi %mul3A_102, %add3A_106 : i32
      %lt3A_108 = arith.cmpi slt, %add3A_107, %sub3A_49 : i32
      %convert_element_type3A_109 = arith.extui %lt3A_108 : i1 to i32
      %cond3A_110 = arith.constant 0 : i32
      %cond3A_111 = arith.cmpi ne, %convert_element_type3A_109, %cond3A_110 : i32
      scf.if %cond3A_111 {
        %add3A_126 = arith.constant 2 : i32
        %add3A_127 = arith.addi %mul3A_102, %add3A_126 : i32
        %dma_start3A = arith.constant 0 : i32
        %dma_start3A_128 = arith.constant 0 : i32
        %dma_start3A_129 = arith.constant 0 : i32
        %dma_start3A_130 = arith.constant 0 : i32
        %dma_start3A_131 = tpu.memref_slice %arg13[%dma_start3A_128, %dma_start3A_129, %dma_start3A_130] : memref<2x128x128xf32, #tpu.memory_space<vmem>> -> memref<1x128x128xf32, #tpu.memory_space<vmem>>
        %dma_start3A_132 = tpu.memref_squeeze %dma_start3A_131 : memref<1x128x128xf32, #tpu.memory_space<vmem>> -> memref<128x128xf32, #tpu.memory_space<vmem>>
        %dma_start3A_133 = arith.constant 0 : i32
        %dma_start3A_134 = tpu.memref_slice %arg10[%add3A_127, %dma_start3A, %dma_start3A_133] : memref<40x1x128xi32, #tpu.memory_space<vmem>> -> memref<1x1x128xi32, #tpu.memory_space<vmem>>
        %dma_start3A_135 = tpu.memref_squeeze %dma_start3A_134 : memref<1x1x128xi32, #tpu.memory_space<vmem>> -> memref<128xi32, #tpu.memory_space<vmem>>
        %dma_start3A_136 = arith.constant 0 : i32
        %dma_start3A_137 = arith.constant 0 : i32
        %dma_start3A_138 = tpu.memref_slice %arg5[%dma_start3A_136, %dma_start3A_137] : memref<10000x128xf32, #tpu.memory_space<hbm>> -> memref<10000x128xf32, #tpu.memory_space<hbm>>
        tpu.enqueue_indirect_dma source(%dma_start3A_138 : memref<10000x128xf32, #tpu.memory_space<hbm>>) target(%dma_start3A_132 : memref<128x128xf32, #tpu.memory_space<vmem>>) offsets(%dma_start3A_135 : memref<128xi32, #tpu.memory_space<vmem>>) semaphore(%arg15 : memref<!tpu.dma_semaphore, #tpu.memory_space<semaphore_mem>>)
      } else {
      }
      %mul3A_112 = arith.constant 2 : i32
      %mul3A_113 = arith.muli %mul3A_112, %scan3A_100 : i32
      %add3A_114 = arith.constant 1 : i32
      %add3A_115 = arith.addi %mul3A_113, %add3A_114 : i32
      %lt3A_116 = arith.cmpi slt, %add3A_115, %sub3A_49 : i32
      %convert_element_type3A_117 = arith.extui %lt3A_116 : i1 to i32
      %cond3A_118 = arith.constant 0 : i32
      %cond3A_119 = arith.cmpi ne, %convert_element_type3A_117, %cond3A_118 : i32
      scf.if %cond3A_119 {
        %dma_wait3A = arith.constant 0 : i32
        %dma_wait3A_126 = arith.constant 1 : i32
        %dma_wait3A_127 = arith.constant 0 : i32
        %dma_wait3A_128 = arith.constant 0 : i32
        %dma_wait3A_129 = tpu.memref_slice %arg13[%dma_wait3A_126, %dma_wait3A_127, %dma_wait3A_128] : memref<2x128x128xf32, #tpu.memory_space<vmem>> -> memref<1x128x128xf32, #tpu.memory_space<vmem>>
        %dma_wait3A_130 = tpu.memref_squeeze %dma_wait3A_129 : memref<1x128x128xf32, #tpu.memory_space<vmem>> -> memref<128x128xf32, #tpu.memory_space<vmem>>
        %dma_wait3A_131 = arith.constant 0 : i32
        %dma_wait3A_132 = tpu.memref_slice %arg10[%add3A_115, %dma_wait3A, %dma_wait3A_131] : memref<40x1x128xi32, #tpu.memory_space<vmem>> -> memref<1x1x128xi32, #tpu.memory_space<vmem>>
        %dma_wait3A_133 = tpu.memref_squeeze %dma_wait3A_132 : memref<1x1x128xi32, #tpu.memory_space<vmem>> -> memref<128xi32, #tpu.memory_space<vmem>>
        %dma_wait3A_134 = arith.constant 0 : i32
        %dma_wait3A_135 = arith.constant 0 : i32
        %dma_wait3A_136 = tpu.memref_slice %arg5[%dma_wait3A_134, %dma_wait3A_135] : memref<10000x128xf32, #tpu.memory_space<hbm>> -> memref<10000x128xf32, #tpu.memory_space<hbm>>
        tpu.wait_indirect_dma semaphore(%arg16 : memref<!tpu.dma_semaphore, #tpu.memory_space<semaphore_mem>>) src(%dma_wait3A_136 : memref<10000x128xf32, #tpu.memory_space<hbm>>) dst(%dma_wait3A_130 : memref<128x128xf32, #tpu.memory_space<vmem>>)
        %run_scoped3A = arith.constant 1 : i32
        %run_scoped3A_137 = arith.constant 0 : i32
        "tpu.region"() ({
          %run_scoped3A_138 = tpu.sem_alloc : memref<!tpu.dma_semaphore, #tpu.memory_space<semaphore_mem>>
          %dma_start3A = arith.constant 0 : i32
          %dma_start3A_139 = arith.constant 0 : i32
          %dma_start3A_140 = tpu.memref_slice %arg13[%run_scoped3A, %dma_start3A, %dma_start3A_139] : memref<2x128x128xf32, #tpu.memory_space<vmem>> -> memref<1x128x128xf32, #tpu.memory_space<vmem>>
          %dma_start3A_141 = tpu.memref_squeeze %dma_start3A_140 : memref<1x128x128xf32, #tpu.memory_space<vmem>> -> memref<128x128xf32, #tpu.memory_space<vmem>>
          %dma_start3A_142 = arith.constant 0 : i32
          %dma_start3A_143 = tpu.memref_slice %arg11[%add3A_115, %run_scoped3A_137, %dma_start3A_142] : memref<40x1x128xi32, #tpu.memory_space<vmem>> -> memref<1x1x128xi32, #tpu.memory_space<vmem>>
          %dma_start3A_144 = tpu.memref_squeeze %dma_start3A_143 : memref<1x1x128xi32, #tpu.memory_space<vmem>> -> memref<128xi32, #tpu.memory_space<vmem>>
          %dma_start3A_145 = arith.constant 0 : i32
          %dma_start3A_146 = arith.constant 0 : i32
          %dma_start3A_147 = tpu.memref_slice %arg14[%dma_start3A_145, %dma_start3A_146] : memref<10112x128xf32, #tpu.memory_space<vmem_shared>> -> memref<10112x128xf32, #tpu.memory_space<vmem_shared>>
          tpu.enqueue_indirect_dma source(%dma_start3A_141 : memref<128x128xf32, #tpu.memory_space<vmem>>) target(%dma_start3A_147 : memref<10112x128xf32, #tpu.memory_space<vmem_shared>>) offsets(%dma_start3A_144 : memref<128xi32, #tpu.memory_space<vmem>>) semaphore(%run_scoped3A_138 : memref<!tpu.dma_semaphore, #tpu.memory_space<semaphore_mem>>) {add = true}
          %dma_wait3A_148 = arith.constant 0 : i32
          %dma_wait3A_149 = arith.constant 0 : i32
          %dma_wait3A_150 = tpu.memref_slice %arg13[%run_scoped3A, %dma_wait3A_148, %dma_wait3A_149] : memref<2x128x128xf32, #tpu.memory_space<vmem>> -> memref<1x128x128xf32, #tpu.memory_space<vmem>>
          %dma_wait3A_151 = tpu.memref_squeeze %dma_wait3A_150 : memref<1x128x128xf32, #tpu.memory_space<vmem>> -> memref<128x128xf32, #tpu.memory_space<vmem>>
          %dma_wait3A_152 = arith.constant 0 : i32
          %dma_wait3A_153 = tpu.memref_slice %arg11[%add3A_115, %run_scoped3A_137, %dma_wait3A_152] : memref<40x1x128xi32, #tpu.memory_space<vmem>> -> memref<1x1x128xi32, #tpu.memory_space<vmem>>
          %dma_wait3A_154 = tpu.memref_squeeze %dma_wait3A_153 : memref<1x1x128xi32, #tpu.memory_space<vmem>> -> memref<128xi32, #tpu.memory_space<vmem>>
          %dma_wait3A_155 = arith.constant 0 : i32
          %dma_wait3A_156 = arith.constant 0 : i32
          %dma_wait3A_157 = tpu.memref_slice %arg14[%dma_wait3A_155, %dma_wait3A_156] : memref<10112x128xf32, #tpu.memory_space<vmem_shared>> -> memref<10112x128xf32, #tpu.memory_space<vmem_shared>>
          tpu.wait_indirect_dma semaphore(%run_scoped3A_138 : memref<!tpu.dma_semaphore, #tpu.memory_space<semaphore_mem>>) src(%dma_wait3A_151 : memref<128x128xf32, #tpu.memory_space<vmem>>) dst(%dma_wait3A_157 : memref<10112x128xf32, #tpu.memory_space<vmem_shared>>)
          tpu.yield
        }) : () -> ()
      } else {
      }
      %add3A_120 = arith.constant 2 : i32
      %add3A_121 = arith.addi %add3A_115, %add3A_120 : i32
      %lt3A_122 = arith.cmpi slt, %add3A_121, %sub3A_49 : i32
      %convert_element_type3A_123 = arith.extui %lt3A_122 : i1 to i32
      %cond3A_124 = arith.constant 0 : i32
      %cond3A_125 = arith.cmpi ne, %convert_element_type3A_123, %cond3A_124 : i32
      scf.if %cond3A_125 {
        %add3A_126 = arith.constant 2 : i32
        %add3A_127 = arith.addi %add3A_115, %add3A_126 : i32
        %dma_start3A = arith.constant 0 : i32
        %dma_start3A_128 = arith.constant 1 : i32
        %dma_start3A_129 = arith.constant 0 : i32
        %dma_start3A_130 = arith.constant 0 : i32
        %dma_start3A_131 = tpu.memref_slice %arg13[%dma_start3A_128, %dma_start3A_129, %dma_start3A_130] : memref<2x128x128xf32, #tpu.memory_space<vmem>> -> memref<1x128x128xf32, #tpu.memory_space<vmem>>
        %dma_start3A_132 = tpu.memref_squeeze %dma_start3A_131 : memref<1x128x128xf32, #tpu.memory_space<vmem>> -> memref<128x128xf32, #tpu.memory_space<vmem>>
        %dma_start3A_133 = arith.constant 0 : i32
        %dma_start3A_134 = tpu.memref_slice %arg10[%add3A_127, %dma_start3A, %dma_start3A_133] : memref<40x1x128xi32, #tpu.memory_space<vmem>> -> memref<1x1x128xi32, #tpu.memory_space<vmem>>
        %dma_start3A_135 = tpu.memref_squeeze %dma_start3A_134 : memref<1x1x128xi32, #tpu.memory_space<vmem>> -> memref<128xi32, #tpu.memory_space<vmem>>
        %dma_start3A_136 = arith.constant 0 : i32
        %dma_start3A_137 = arith.constant 0 : i32
        %dma_start3A_138 = tpu.memref_slice %arg5[%dma_start3A_136, %dma_start3A_137] : memref<10000x128xf32, #tpu.memory_space<hbm>> -> memref<10000x128xf32, #tpu.memory_space<hbm>>
        tpu.enqueue_indirect_dma source(%dma_start3A_138 : memref<10000x128xf32, #tpu.memory_space<hbm>>) target(%dma_start3A_132 : memref<128x128xf32, #tpu.memory_space<vmem>>) offsets(%dma_start3A_135 : memref<128xi32, #tpu.memory_space<vmem>>) semaphore(%arg16 : memref<!tpu.dma_semaphore, #tpu.memory_space<semaphore_mem>>)
      } else {
      }
    }
    %scan3A_61 = arith.constant 20 : i32
    "tpu.trace_stop"() : () -> ()
    %barrier3A_62 = arith.constant 0 : index
    tpu.barrier barrier_id(%barrier3A_62)
    "tpu.trace_start"() <{level = 10 : i32, message = "p1wb"}> : () -> ()
    "tpu.region"() ({
      %run_scoped3A = tpu.sem_alloc : memref<!tpu.dma_semaphore, #tpu.memory_space<semaphore_mem>>
      %dma_start3A = arith.constant 0 : i32
      %dma_start3A_100 = tpu.memref_slice %arg9[%arg0, %multiple_of3A, %dma_start3A] : memref<4x10112x128xf32, #tpu.memory_space<hbm>> -> memref<1x632x128xf32, #tpu.memory_space<hbm>>
      %dma_start3A_101 = tpu.memref_squeeze %dma_start3A_100 : memref<1x632x128xf32, #tpu.memory_space<hbm>> -> memref<632x128xf32, #tpu.memory_space<hbm>>
      %dma_start3A_102 = arith.constant 0 : i32
      %dma_start3A_103 = tpu.memref_slice %arg14[%multiple_of3A, %dma_start3A_102] : memref<10112x128xf32, #tpu.memory_space<vmem_shared>> -> memref<632x128xf32, #tpu.memory_space<vmem_shared>>
      tpu.enqueue_dma source(%dma_start3A_103 : memref<632x128xf32, #tpu.memory_space<vmem_shared>>) target(%dma_start3A_101 : memref<632x128xf32, #tpu.memory_space<hbm>>) target_semaphore(%run_scoped3A : memref<!tpu.dma_semaphore, #tpu.memory_space<semaphore_mem>>)
      %dma_wait3A = arith.constant 0 : i32
      %dma_wait3A_104 = tpu.memref_slice %arg9[%arg0, %multiple_of3A, %dma_wait3A] : memref<4x10112x128xf32, #tpu.memory_space<hbm>> -> memref<1x632x128xf32, #tpu.memory_space<hbm>>
      %dma_wait3A_105 = tpu.memref_squeeze %dma_wait3A_104 : memref<1x632x128xf32, #tpu.memory_space<hbm>> -> memref<632x128xf32, #tpu.memory_space<hbm>>
      %dma_wait3A_106 = arith.constant 0 : i32
      %dma_wait3A_107 = tpu.memref_slice %arg14[%multiple_of3A, %dma_wait3A_106] : memref<10112x128xf32, #tpu.memory_space<vmem_shared>> -> memref<632x128xf32, #tpu.memory_space<vmem_shared>>
      tpu.wait_dma2 semaphore(%run_scoped3A : memref<!tpu.dma_semaphore, #tpu.memory_space<semaphore_mem>>) src(%dma_wait3A_107 : memref<632x128xf32, #tpu.memory_space<vmem_shared>>) dst(%dma_wait3A_105 : memref<632x128xf32, #tpu.memory_space<hbm>>)
      tpu.yield
    }) : () -> ()
    "tpu.trace_stop"() : () -> ()
    %barrier3A_63 = arith.constant 0 : index
    tpu.barrier barrier_id(%barrier3A_63)
    "tpu.region"() ({
      %run_scoped3A = tpu.sem_alloc : memref<!tpu.dma_semaphore, #tpu.memory_space<semaphore_mem>>
      %dma_start3A = arith.constant 0 : i32
      %dma_start3A_100 = tpu.memref_slice %arg14[%multiple_of3A, %dma_start3A] : memref<10112x128xf32, #tpu.memory_space<vmem_shared>> -> memref<632x128xf32, #tpu.memory_space<vmem_shared>>
      tpu.enqueue_dma source(%arg8 : memref<632x128xf32, #tpu.memory_space<hbm>>) target(%dma_start3A_100 : memref<632x128xf32, #tpu.memory_space<vmem_shared>>) target_semaphore(%run_scoped3A : memref<!tpu.dma_semaphore, #tpu.memory_space<semaphore_mem>>)
      %dma_wait3A = arith.constant 0 : i32
      %dma_wait3A_101 = tpu.memref_slice %arg14[%multiple_of3A, %dma_wait3A] : memref<10112x128xf32, #tpu.memory_space<vmem_shared>> -> memref<632x128xf32, #tpu.memory_space<vmem_shared>>
      tpu.wait_dma2 semaphore(%run_scoped3A : memref<!tpu.dma_semaphore, #tpu.memory_space<semaphore_mem>>) src(%arg8 : memref<632x128xf32, #tpu.memory_space<hbm>>) dst(%dma_wait3A_101 : memref<632x128xf32, #tpu.memory_space<vmem_shared>>)
      tpu.yield
    }) : () -> ()
    %barrier3A_64 = arith.constant 0 : index
    tpu.barrier barrier_id(%barrier3A_64)
    %gt3A_65 = arith.constant 0 : i32
    %gt3A_66 = arith.cmpi sgt, %sub3A_49, %gt3A_65 : i32
    %convert_element_type3A_67 = arith.extui %gt3A_66 : i1 to i32
    %cond3A_68 = arith.constant 0 : i32
    %cond3A_69 = arith.cmpi ne, %convert_element_type3A_67, %cond3A_68 : i32
    scf.if %cond3A_69 {
      %get3A = arith.constant 0 : i32
      %get3A_100 = arith.constant 0 : i32
      %get3A_101 = arith.index_cast %get3A : i32 to index
      %get3A_102 = arith.index_cast %get3A_100 : i32 to index
      %get3A_103 = arith.constant 0 : index
      %get3A_104 = tpu.vector_load %arg12[%get3A_101, %get3A_102, %get3A_103] {strides = array<i32>} : memref<40x1x128xi32, #tpu.memory_space<vmem>>, vector<1x1x16xi32>,
      %get3A_105 = vector.shape_cast %get3A_104 : vector<1x1x16xi32> to vector<16xi32>
      %slice3A = vector.extract_strided_slice %get3A_105 {offsets = [0], sizes = [1], strides = [1]} : vector<16xi32> to vector<1xi32>
      %squeeze3A = vector.extract %slice3A[0] : i32 from vector<1xi32>
      %and3A_106 = arith.constant 1 : i32
      %and3A_107 = arith.andi %squeeze3A, %and3A_106 : i32
      %gt3A_108 = arith.constant 0 : i32
      %gt3A_109 = arith.cmpi sgt, %and3A_107, %gt3A_108 : i32
      %convert_element_type3A_110 = arith.extui %gt3A_109 : i1 to i32
      %cond3A_111 = arith.constant 0 : i32
      %cond3A_112 = arith.cmpi ne, %convert_element_type3A_110, %cond3A_111 : i32
      scf.if %cond3A_112 {
        %dma_start3A = arith.constant 0 : i32
        %dma_start3A_113 = arith.constant 0 : i32
        %dma_start3A_114 = arith.constant 0 : i32
        %dma_start3A_115 = arith.constant 0 : i32
        %dma_start3A_116 = arith.constant 0 : i32
        %dma_start3A_117 = tpu.memref_slice %arg13[%dma_start3A_114, %dma_start3A_115, %dma_start3A_116] : memref<2x128x128xf32, #tpu.memory_space<vmem>> -> memref<1x128x128xf32, #tpu.memory_space<vmem>>
        %dma_start3A_118 = tpu.memref_squeeze %dma_start3A_117 : memref<1x128x128xf32, #tpu.memory_space<vmem>> -> memref<128x128xf32, #tpu.memory_space<vmem>>
        %dma_start3A_119 = arith.constant 0 : i32
        %dma_start3A_120 = tpu.memref_slice %arg10[%dma_start3A, %dma_start3A_113, %dma_start3A_119] : memref<40x1x128xi32, #tpu.memory_space<vmem>> -> memref<1x1x128xi32, #tpu.memory_space<vmem>>
        %dma_start3A_121 = tpu.memref_squeeze %dma_start3A_120 : memref<1x1x128xi32, #tpu.memory_space<vmem>> -> memref<128xi32, #tpu.memory_space<vmem>>
        %dma_start3A_122 = arith.constant 0 : i32
        %dma_start3A_123 = arith.constant 0 : i32
        %dma_start3A_124 = tpu.memref_slice %arg6[%dma_start3A_122, %dma_start3A_123] : memref<10000x128xf32, #tpu.memory_space<hbm>> -> memref<10000x128xf32, #tpu.memory_space<hbm>>
        tpu.enqueue_indirect_dma source(%dma_start3A_124 : memref<10000x128xf32, #tpu.memory_space<hbm>>) target(%dma_start3A_118 : memref<128x128xf32, #tpu.memory_space<vmem>>) offsets(%dma_start3A_121 : memref<128xi32, #tpu.memory_space<vmem>>) semaphore(%arg15 : memref<!tpu.dma_semaphore, #tpu.memory_space<semaphore_mem>>)
      } else {
      }
    } else {
    }
    %gt3A_70 = arith.constant 1 : i32
    %gt3A_71 = arith.cmpi sgt, %sub3A_49, %gt3A_70 : i32
    %convert_element_type3A_72 = arith.extui %gt3A_71 : i1 to i32
    %cond3A_73 = arith.constant 0 : i32
    %cond3A_74 = arith.cmpi ne, %convert_element_type3A_72, %cond3A_73 : i32
    scf.if %cond3A_74 {
      %get3A = arith.constant 1 : i32
      %get3A_100 = arith.constant 0 : i32
      %get3A_101 = arith.index_cast %get3A : i32 to index
      %get3A_102 = arith.index_cast %get3A_100 : i32 to index
      %get3A_103 = arith.constant 0 : index
      %get3A_104 = tpu.vector_load %arg12[%get3A_101, %get3A_102, %get3A_103] {strides = array<i32>} : memref<40x1x128xi32, #tpu.memory_space<vmem>>, vector<1x1x16xi32>,
      %get3A_105 = vector.shape_cast %get3A_104 : vector<1x1x16xi32> to vector<16xi32>
      %slice3A = vector.extract_strided_slice %get3A_105 {offsets = [0], sizes = [1], strides = [1]} : vector<16xi32> to vector<1xi32>
      %squeeze3A = vector.extract %slice3A[0] : i32 from vector<1xi32>
      %and3A_106 = arith.constant 1 : i32
      %and3A_107 = arith.andi %squeeze3A, %and3A_106 : i32
      %gt3A_108 = arith.constant 0 : i32
      %gt3A_109 = arith.cmpi sgt, %and3A_107, %gt3A_108 : i32
      %convert_element_type3A_110 = arith.extui %gt3A_109 : i1 to i32
      %cond3A_111 = arith.constant 0 : i32
      %cond3A_112 = arith.cmpi ne, %convert_element_type3A_110, %cond3A_111 : i32
      scf.if %cond3A_112 {
        %dma_start3A = arith.constant 1 : i32
        %dma_start3A_113 = arith.constant 0 : i32
        %dma_start3A_114 = arith.constant 1 : i32
        %dma_start3A_115 = arith.constant 0 : i32
        %dma_start3A_116 = arith.constant 0 : i32
        %dma_start3A_117 = tpu.memref_slice %arg13[%dma_start3A_114, %dma_start3A_115, %dma_start3A_116] : memref<2x128x128xf32, #tpu.memory_space<vmem>> -> memref<1x128x128xf32, #tpu.memory_space<vmem>>
        %dma_start3A_118 = tpu.memref_squeeze %dma_start3A_117 : memref<1x128x128xf32, #tpu.memory_space<vmem>> -> memref<128x128xf32, #tpu.memory_space<vmem>>
        %dma_start3A_119 = arith.constant 0 : i32
        %dma_start3A_120 = tpu.memref_slice %arg10[%dma_start3A, %dma_start3A_113, %dma_start3A_119] : memref<40x1x128xi32, #tpu.memory_space<vmem>> -> memref<1x1x128xi32, #tpu.memory_space<vmem>>
        %dma_start3A_121 = tpu.memref_squeeze %dma_start3A_120 : memref<1x1x128xi32, #tpu.memory_space<vmem>> -> memref<128xi32, #tpu.memory_space<vmem>>
        %dma_start3A_122 = arith.constant 0 : i32
        %dma_start3A_123 = arith.constant 0 : i32
        %dma_start3A_124 = tpu.memref_slice %arg6[%dma_start3A_122, %dma_start3A_123] : memref<10000x128xf32, #tpu.memory_space<hbm>> -> memref<10000x128xf32, #tpu.memory_space<hbm>>
        tpu.enqueue_indirect_dma source(%dma_start3A_124 : memref<10000x128xf32, #tpu.memory_space<hbm>>) target(%dma_start3A_118 : memref<128x128xf32, #tpu.memory_space<vmem>>) offsets(%dma_start3A_121 : memref<128xi32, #tpu.memory_space<vmem>>) semaphore(%arg16 : memref<!tpu.dma_semaphore, #tpu.memory_space<semaphore_mem>>)
      } else {
      }
    } else {
    }
    "tpu.trace_start"() <{level = 10 : i32, message = "p2loop"}> : () -> ()
    %scan3A_75 = arith.constant 0 : i32
    %scan3A_76 = arith.constant 0 : i32
    %scan3A_77 = arith.constant 20 : i32
    %scan3A_78 = arith.addi %scan3A_76, %scan3A_77 : i32
    %scan3A_79 = arith.constant 1 : i32
    scf.for %scan3A_100 = %scan3A_76 to %scan3A_78 step %scan3A_79  : i32 {
      %mul3A_101 = arith.constant 2 : i32
      %mul3A_102 = arith.muli %mul3A_101, %scan3A_100 : i32
      %lt3A = arith.cmpi slt, %mul3A_102, %sub3A_49 : i32
      %convert_element_type3A_103 = arith.extui %lt3A : i1 to i32
      %cond3A_104 = arith.constant 0 : i32
      %cond3A_105 = arith.cmpi ne, %convert_element_type3A_103, %cond3A_104 : i32
      scf.if %cond3A_105 {
        %get3A = arith.constant 0 : i32
        %get3A_126 = arith.index_cast %mul3A_102 : i32 to index
        %get3A_127 = arith.index_cast %get3A : i32 to index
        %get3A_128 = arith.constant 0 : index
        %get3A_129 = tpu.vector_load %arg12[%get3A_126, %get3A_127, %get3A_128] {strides = array<i32>} : memref<40x1x128xi32, #tpu.memory_space<vmem>>, vector<1x1x16xi32>,
        %get3A_130 = vector.shape_cast %get3A_129 : vector<1x1x16xi32> to vector<16xi32>
        %slice3A = vector.extract_strided_slice %get3A_130 {offsets = [0], sizes = [1], strides = [1]} : vector<16xi32> to vector<1xi32>
        %squeeze3A = vector.extract %slice3A[0] : i32 from vector<1xi32>
        %and3A_131 = arith.constant 1 : i32
        %and3A_132 = arith.andi %squeeze3A, %and3A_131 : i32
        %gt3A_133 = arith.constant 0 : i32
        %gt3A_134 = arith.cmpi sgt, %and3A_132, %gt3A_133 : i32
        %convert_element_type3A_135 = arith.extui %gt3A_134 : i1 to i32
        %cond3A_136 = arith.constant 0 : i32
        %cond3A_137 = arith.cmpi ne, %convert_element_type3A_135, %cond3A_136 : i32
        scf.if %cond3A_137 {
          %dma_wait3A = arith.constant 0 : i32
          %dma_wait3A_138 = arith.constant 0 : i32
          %dma_wait3A_139 = arith.constant 0 : i32
          %dma_wait3A_140 = arith.constant 0 : i32
          %dma_wait3A_141 = tpu.memref_slice %arg13[%dma_wait3A_138, %dma_wait3A_139, %dma_wait3A_140] : memref<2x128x128xf32, #tpu.memory_space<vmem>> -> memref<1x128x128xf32, #tpu.memory_space<vmem>>
          %dma_wait3A_142 = tpu.memref_squeeze %dma_wait3A_141 : memref<1x128x128xf32, #tpu.memory_space<vmem>> -> memref<128x128xf32, #tpu.memory_space<vmem>>
          %dma_wait3A_143 = arith.constant 0 : i32
          %dma_wait3A_144 = tpu.memref_slice %arg10[%mul3A_102, %dma_wait3A, %dma_wait3A_143] : memref<40x1x128xi32, #tpu.memory_space<vmem>> -> memref<1x1x128xi32, #tpu.memory_space<vmem>>
          %dma_wait3A_145 = tpu.memref_squeeze %dma_wait3A_144 : memref<1x1x128xi32, #tpu.memory_space<vmem>> -> memref<128xi32, #tpu.memory_space<vmem>>
          %dma_wait3A_146 = arith.constant 0 : i32
          %dma_wait3A_147 = arith.constant 0 : i32
          %dma_wait3A_148 = tpu.memref_slice %arg6[%dma_wait3A_146, %dma_wait3A_147] : memref<10000x128xf32, #tpu.memory_space<hbm>> -> memref<10000x128xf32, #tpu.memory_space<hbm>>
          tpu.wait_indirect_dma semaphore(%arg15 : memref<!tpu.dma_semaphore, #tpu.memory_space<semaphore_mem>>) src(%dma_wait3A_148 : memref<10000x128xf32, #tpu.memory_space<hbm>>) dst(%dma_wait3A_142 : memref<128x128xf32, #tpu.memory_space<vmem>>)
          %run_scoped3A = arith.constant 0 : i32
          %run_scoped3A_149 = arith.constant 0 : i32
          "tpu.region"() ({
            %run_scoped3A_150 = tpu.sem_alloc : memref<!tpu.dma_semaphore, #tpu.memory_space<semaphore_mem>>
            %dma_start3A = arith.constant 0 : i32
            %dma_start3A_151 = arith.constant 0 : i32
            %dma_start3A_152 = tpu.memref_slice %arg13[%run_scoped3A, %dma_start3A, %dma_start3A_151] : memref<2x128x128xf32, #tpu.memory_space<vmem>> -> memref<1x128x128xf32, #tpu.memory_space<vmem>>
            %dma_start3A_153 = tpu.memref_squeeze %dma_start3A_152 : memref<1x128x128xf32, #tpu.memory_space<vmem>> -> memref<128x128xf32, #tpu.memory_space<vmem>>
            %dma_start3A_154 = arith.constant 0 : i32
            %dma_start3A_155 = tpu.memref_slice %arg11[%mul3A_102, %run_scoped3A_149, %dma_start3A_154] : memref<40x1x128xi32, #tpu.memory_space<vmem>> -> memref<1x1x128xi32, #tpu.memory_space<vmem>>
            %dma_start3A_156 = tpu.memref_squeeze %dma_start3A_155 : memref<1x1x128xi32, #tpu.memory_space<vmem>> -> memref<128xi32, #tpu.memory_space<vmem>>
            %dma_start3A_157 = arith.constant 0 : i32
            %dma_start3A_158 = arith.constant 0 : i32
            %dma_start3A_159 = tpu.memref_slice %arg14[%dma_start3A_157, %dma_start3A_158] : memref<10112x128xf32, #tpu.memory_space<vmem_shared>> -> memref<10112x128xf32, #tpu.memory_space<vmem_shared>>
            tpu.enqueue_indirect_dma source(%dma_start3A_153 : memref<128x128xf32, #tpu.memory_space<vmem>>) target(%dma_start3A_159 : memref<10112x128xf32, #tpu.memory_space<vmem_shared>>) offsets(%dma_start3A_156 : memref<128xi32, #tpu.memory_space<vmem>>) semaphore(%run_scoped3A_150 : memref<!tpu.dma_semaphore, #tpu.memory_space<semaphore_mem>>) {add = true}
            %dma_wait3A_160 = arith.constant 0 : i32
            %dma_wait3A_161 = arith.constant 0 : i32
            %dma_wait3A_162 = tpu.memref_slice %arg13[%run_scoped3A, %dma_wait3A_160, %dma_wait3A_161] : memref<2x128x128xf32, #tpu.memory_space<vmem>> -> memref<1x128x128xf32, #tpu.memory_space<vmem>>
            %dma_wait3A_163 = tpu.memref_squeeze %dma_wait3A_162 : memref<1x128x128xf32, #tpu.memory_space<vmem>> -> memref<128x128xf32, #tpu.memory_space<vmem>>
            %dma_wait3A_164 = arith.constant 0 : i32
            %dma_wait3A_165 = tpu.memref_slice %arg11[%mul3A_102, %run_scoped3A_149, %dma_wait3A_164] : memref<40x1x128xi32, #tpu.memory_space<vmem>> -> memref<1x1x128xi32, #tpu.memory_space<vmem>>
            %dma_wait3A_166 = tpu.memref_squeeze %dma_wait3A_165 : memref<1x1x128xi32, #tpu.memory_space<vmem>> -> memref<128xi32, #tpu.memory_space<vmem>>
            %dma_wait3A_167 = arith.constant 0 : i32
            %dma_wait3A_168 = arith.constant 0 : i32
            %dma_wait3A_169 = tpu.memref_slice %arg14[%dma_wait3A_167, %dma_wait3A_168] : memref<10112x128xf32, #tpu.memory_space<vmem_shared>> -> memref<10112x128xf32, #tpu.memory_space<vmem_shared>>
            tpu.wait_indirect_dma semaphore(%run_scoped3A_150 : memref<!tpu.dma_semaphore, #tpu.memory_space<semaphore_mem>>) src(%dma_wait3A_163 : memref<128x128xf32, #tpu.memory_space<vmem>>) dst(%dma_wait3A_169 : memref<10112x128xf32, #tpu.memory_space<vmem_shared>>)
            tpu.yield
          }) : () -> ()
        } else {
        }
      } else {
      }
      %add3A_106 = arith.constant 2 : i32
      %add3A_107 = arith.addi %mul3A_102, %add3A_106 : i32
      %lt3A_108 = arith.cmpi slt, %add3A_107, %sub3A_49 : i32
      %convert_element_type3A_109 = arith.extui %lt3A_108 : i1 to i32
      %cond3A_110 = arith.constant 0 : i32
      %cond3A_111 = arith.cmpi ne, %convert_element_type3A_109, %cond3A_110 : i32
      scf.if %cond3A_111 {
        %add3A_126 = arith.constant 2 : i32
        %add3A_127 = arith.addi %mul3A_102, %add3A_126 : i32
        %get3A = arith.constant 0 : i32
        %get3A_128 = arith.index_cast %add3A_127 : i32 to index
        %get3A_129 = arith.index_cast %get3A : i32 to index
        %get3A_130 = arith.constant 0 : index
        %get3A_131 = tpu.vector_load %arg12[%get3A_128, %get3A_129, %get3A_130] {strides = array<i32>} : memref<40x1x128xi32, #tpu.memory_space<vmem>>, vector<1x1x16xi32>,
        %get3A_132 = vector.shape_cast %get3A_131 : vector<1x1x16xi32> to vector<16xi32>
        %slice3A = vector.extract_strided_slice %get3A_132 {offsets = [0], sizes = [1], strides = [1]} : vector<16xi32> to vector<1xi32>
        %squeeze3A = vector.extract %slice3A[0] : i32 from vector<1xi32>
        %and3A_133 = arith.constant 1 : i32
        %and3A_134 = arith.andi %squeeze3A, %and3A_133 : i32
        %gt3A_135 = arith.constant 0 : i32
        %gt3A_136 = arith.cmpi sgt, %and3A_134, %gt3A_135 : i32
        %convert_element_type3A_137 = arith.extui %gt3A_136 : i1 to i32
        %cond3A_138 = arith.constant 0 : i32
        %cond3A_139 = arith.cmpi ne, %convert_element_type3A_137, %cond3A_138 : i32
        scf.if %cond3A_139 {
          %dma_start3A = arith.constant 0 : i32
          %dma_start3A_140 = arith.constant 0 : i32
          %dma_start3A_141 = arith.constant 0 : i32
          %dma_start3A_142 = arith.constant 0 : i32
          %dma_start3A_143 = tpu.memref_slice %arg13[%dma_start3A_140, %dma_start3A_141, %dma_start3A_142] : memref<2x128x128xf32, #tpu.memory_space<vmem>> -> memref<1x128x128xf32, #tpu.memory_space<vmem>>
          %dma_start3A_144 = tpu.memref_squeeze %dma_start3A_143 : memref<1x128x128xf32, #tpu.memory_space<vmem>> -> memref<128x128xf32, #tpu.memory_space<vmem>>
          %dma_start3A_145 = arith.constant 0 : i32
          %dma_start3A_146 = tpu.memref_slice %arg10[%add3A_127, %dma_start3A, %dma_start3A_145] : memref<40x1x128xi32, #tpu.memory_space<vmem>> -> memref<1x1x128xi32, #tpu.memory_space<vmem>>
          %dma_start3A_147 = tpu.memref_squeeze %dma_start3A_146 : memref<1x1x128xi32, #tpu.memory_space<vmem>> -> memref<128xi32, #tpu.memory_space<vmem>>
          %dma_start3A_148 = arith.constant 0 : i32
          %dma_start3A_149 = arith.constant 0 : i32
          %dma_start3A_150 = tpu.memref_slice %arg6[%dma_start3A_148, %dma_start3A_149] : memref<10000x128xf32, #tpu.memory_space<hbm>> -> memref<10000x128xf32, #tpu.memory_space<hbm>>
          tpu.enqueue_indirect_dma source(%dma_start3A_150 : memref<10000x128xf32, #tpu.memory_space<hbm>>) target(%dma_start3A_144 : memref<128x128xf32, #tpu.memory_space<vmem>>) offsets(%dma_start3A_147 : memref<128xi32, #tpu.memory_space<vmem>>) semaphore(%arg15 : memref<!tpu.dma_semaphore, #tpu.memory_space<semaphore_mem>>)
        } else {
        }
      } else {
      }
      %mul3A_112 = arith.constant 2 : i32
      %mul3A_113 = arith.muli %mul3A_112, %scan3A_100 : i32
      %add3A_114 = arith.constant 1 : i32
      %add3A_115 = arith.addi %mul3A_113, %add3A_114 : i32
      %lt3A_116 = arith.cmpi slt, %add3A_115, %sub3A_49 : i32
      %convert_element_type3A_117 = arith.extui %lt3A_116 : i1 to i32
      %cond3A_118 = arith.constant 0 : i32
      %cond3A_119 = arith.cmpi ne, %convert_element_type3A_117, %cond3A_118 : i32
      scf.if %cond3A_119 {
        %get3A = arith.constant 0 : i32
        %get3A_126 = arith.index_cast %add3A_115 : i32 to index
        %get3A_127 = arith.index_cast %get3A : i32 to index
        %get3A_128 = arith.constant 0 : index
        %get3A_129 = tpu.vector_load %arg12[%get3A_126, %get3A_127, %get3A_128] {strides = array<i32>} : memref<40x1x128xi32, #tpu.memory_space<vmem>>, vector<1x1x16xi32>,
        %get3A_130 = vector.shape_cast %get3A_129 : vector<1x1x16xi32> to vector<16xi32>
        %slice3A = vector.extract_strided_slice %get3A_130 {offsets = [0], sizes = [1], strides = [1]} : vector<16xi32> to vector<1xi32>
        %squeeze3A = vector.extract %slice3A[0] : i32 from vector<1xi32>
        %and3A_131 = arith.constant 1 : i32
        %and3A_132 = arith.andi %squeeze3A, %and3A_131 : i32
        %gt3A_133 = arith.constant 0 : i32
        %gt3A_134 = arith.cmpi sgt, %and3A_132, %gt3A_133 : i32
        %convert_element_type3A_135 = arith.extui %gt3A_134 : i1 to i32
        %cond3A_136 = arith.constant 0 : i32
        %cond3A_137 = arith.cmpi ne, %convert_element_type3A_135, %cond3A_136 : i32
        scf.if %cond3A_137 {
          %dma_wait3A = arith.constant 0 : i32
          %dma_wait3A_138 = arith.constant 1 : i32
          %dma_wait3A_139 = arith.constant 0 : i32
          %dma_wait3A_140 = arith.constant 0 : i32
          %dma_wait3A_141 = tpu.memref_slice %arg13[%dma_wait3A_138, %dma_wait3A_139, %dma_wait3A_140] : memref<2x128x128xf32, #tpu.memory_space<vmem>> -> memref<1x128x128xf32, #tpu.memory_space<vmem>>
          %dma_wait3A_142 = tpu.memref_squeeze %dma_wait3A_141 : memref<1x128x128xf32, #tpu.memory_space<vmem>> -> memref<128x128xf32, #tpu.memory_space<vmem>>
          %dma_wait3A_143 = arith.constant 0 : i32
          %dma_wait3A_144 = tpu.memref_slice %arg10[%add3A_115, %dma_wait3A, %dma_wait3A_143] : memref<40x1x128xi32, #tpu.memory_space<vmem>> -> memref<1x1x128xi32, #tpu.memory_space<vmem>>
          %dma_wait3A_145 = tpu.memref_squeeze %dma_wait3A_144 : memref<1x1x128xi32, #tpu.memory_space<vmem>> -> memref<128xi32, #tpu.memory_space<vmem>>
          %dma_wait3A_146 = arith.constant 0 : i32
          %dma_wait3A_147 = arith.constant 0 : i32
          %dma_wait3A_148 = tpu.memref_slice %arg6[%dma_wait3A_146, %dma_wait3A_147] : memref<10000x128xf32, #tpu.memory_space<hbm>> -> memref<10000x128xf32, #tpu.memory_space<hbm>>
          tpu.wait_indirect_dma semaphore(%arg16 : memref<!tpu.dma_semaphore, #tpu.memory_space<semaphore_mem>>) src(%dma_wait3A_148 : memref<10000x128xf32, #tpu.memory_space<hbm>>) dst(%dma_wait3A_142 : memref<128x128xf32, #tpu.memory_space<vmem>>)
          %run_scoped3A = arith.constant 1 : i32
          %run_scoped3A_149 = arith.constant 0 : i32
          "tpu.region"() ({
            %run_scoped3A_150 = tpu.sem_alloc : memref<!tpu.dma_semaphore, #tpu.memory_space<semaphore_mem>>
            %dma_start3A = arith.constant 0 : i32
            %dma_start3A_151 = arith.constant 0 : i32
            %dma_start3A_152 = tpu.memref_slice %arg13[%run_scoped3A, %dma_start3A, %dma_start3A_151] : memref<2x128x128xf32, #tpu.memory_space<vmem>> -> memref<1x128x128xf32, #tpu.memory_space<vmem>>
            %dma_start3A_153 = tpu.memref_squeeze %dma_start3A_152 : memref<1x128x128xf32, #tpu.memory_space<vmem>> -> memref<128x128xf32, #tpu.memory_space<vmem>>
            %dma_start3A_154 = arith.constant 0 : i32
            %dma_start3A_155 = tpu.memref_slice %arg11[%add3A_115, %run_scoped3A_149, %dma_start3A_154] : memref<40x1x128xi32, #tpu.memory_space<vmem>> -> memref<1x1x128xi32, #tpu.memory_space<vmem>>
            %dma_start3A_156 = tpu.memref_squeeze %dma_start3A_155 : memref<1x1x128xi32, #tpu.memory_space<vmem>> -> memref<128xi32, #tpu.memory_space<vmem>>
            %dma_start3A_157 = arith.constant 0 : i32
            %dma_start3A_158 = arith.constant 0 : i32
            %dma_start3A_159 = tpu.memref_slice %arg14[%dma_start3A_157, %dma_start3A_158] : memref<10112x128xf32, #tpu.memory_space<vmem_shared>> -> memref<10112x128xf32, #tpu.memory_space<vmem_shared>>
            tpu.enqueue_indirect_dma source(%dma_start3A_153 : memref<128x128xf32, #tpu.memory_space<vmem>>) target(%dma_start3A_159 : memref<10112x128xf32, #tpu.memory_space<vmem_shared>>) offsets(%dma_start3A_156 : memref<128xi32, #tpu.memory_space<vmem>>) semaphore(%run_scoped3A_150 : memref<!tpu.dma_semaphore, #tpu.memory_space<semaphore_mem>>) {add = true}
            %dma_wait3A_160 = arith.constant 0 : i32
            %dma_wait3A_161 = arith.constant 0 : i32
            %dma_wait3A_162 = tpu.memref_slice %arg13[%run_scoped3A, %dma_wait3A_160, %dma_wait3A_161] : memref<2x128x128xf32, #tpu.memory_space<vmem>> -> memref<1x128x128xf32, #tpu.memory_space<vmem>>
            %dma_wait3A_163 = tpu.memref_squeeze %dma_wait3A_162 : memref<1x128x128xf32, #tpu.memory_space<vmem>> -> memref<128x128xf32, #tpu.memory_space<vmem>>
            %dma_wait3A_164 = arith.constant 0 : i32
            %dma_wait3A_165 = tpu.memref_slice %arg11[%add3A_115, %run_scoped3A_149, %dma_wait3A_164] : memref<40x1x128xi32, #tpu.memory_space<vmem>> -> memref<1x1x128xi32, #tpu.memory_space<vmem>>
            %dma_wait3A_166 = tpu.memref_squeeze %dma_wait3A_165 : memref<1x1x128xi32, #tpu.memory_space<vmem>> -> memref<128xi32, #tpu.memory_space<vmem>>
            %dma_wait3A_167 = arith.constant 0 : i32
            %dma_wait3A_168 = arith.constant 0 : i32
            %dma_wait3A_169 = tpu.memref_slice %arg14[%dma_wait3A_167, %dma_wait3A_168] : memref<10112x128xf32, #tpu.memory_space<vmem_shared>> -> memref<10112x128xf32, #tpu.memory_space<vmem_shared>>
            tpu.wait_indirect_dma semaphore(%run_scoped3A_150 : memref<!tpu.dma_semaphore, #tpu.memory_space<semaphore_mem>>) src(%dma_wait3A_163 : memref<128x128xf32, #tpu.memory_space<vmem>>) dst(%dma_wait3A_169 : memref<10112x128xf32, #tpu.memory_space<vmem_shared>>)
            tpu.yield
          }) : () -> ()
        } else {
        }
      } else {
      }
      %add3A_120 = arith.constant 2 : i32
      %add3A_121 = arith.addi %add3A_115, %add3A_120 : i32
      %lt3A_122 = arith.cmpi slt, %add3A_121, %sub3A_49 : i32
      %convert_element_type3A_123 = arith.extui %lt3A_122 : i1 to i32
      %cond3A_124 = arith.constant 0 : i32
      %cond3A_125 = arith.cmpi ne, %convert_element_type3A_123, %cond3A_124 : i32
      scf.if %cond3A_125 {
        %add3A_126 = arith.constant 2 : i32
        %add3A_127 = arith.addi %add3A_115, %add3A_126 : i32
        %get3A = arith.constant 0 : i32
        %get3A_128 = arith.index_cast %add3A_127 : i32 to index
        %get3A_129 = arith.index_cast %get3A : i32 to index
        %get3A_130 = arith.constant 0 : index
        %get3A_131 = tpu.vector_load %arg12[%get3A_128, %get3A_129, %get3A_130] {strides = array<i32>} : memref<40x1x128xi32, #tpu.memory_space<vmem>>, vector<1x1x16xi32>,
        %get3A_132 = vector.shape_cast %get3A_131 : vector<1x1x16xi32> to vector<16xi32>
        %slice3A = vector.extract_strided_slice %get3A_132 {offsets = [0], sizes = [1], strides = [1]} : vector<16xi32> to vector<1xi32>
        %squeeze3A = vector.extract %slice3A[0] : i32 from vector<1xi32>
        %and3A_133 = arith.constant 1 : i32
        %and3A_134 = arith.andi %squeeze3A, %and3A_133 : i32
        %gt3A_135 = arith.constant 0 : i32
        %gt3A_136 = arith.cmpi sgt, %and3A_134, %gt3A_135 : i32
        %convert_element_type3A_137 = arith.extui %gt3A_136 : i1 to i32
        %cond3A_138 = arith.constant 0 : i32
        %cond3A_139 = arith.cmpi ne, %convert_element_type3A_137, %cond3A_138 : i32
        scf.if %cond3A_139 {
          %dma_start3A = arith.constant 0 : i32
          %dma_start3A_140 = arith.constant 1 : i32
          %dma_start3A_141 = arith.constant 0 : i32
          %dma_start3A_142 = arith.constant 0 : i32
          %dma_start3A_143 = tpu.memref_slice %arg13[%dma_start3A_140, %dma_start3A_141, %dma_start3A_142] : memref<2x128x128xf32, #tpu.memory_space<vmem>> -> memref<1x128x128xf32, #tpu.memory_space<vmem>>
          %dma_start3A_144 = tpu.memref_squeeze %dma_start3A_143 : memref<1x128x128xf32, #tpu.memory_space<vmem>> -> memref<128x128xf32, #tpu.memory_space<vmem>>
          %dma_start3A_145 = arith.constant 0 : i32
          %dma_start3A_146 = tpu.memref_slice %arg10[%add3A_127, %dma_start3A, %dma_start3A_145] : memref<40x1x128xi32, #tpu.memory_space<vmem>> -> memref<1x1x128xi32, #tpu.memory_space<vmem>>
          %dma_start3A_147 = tpu.memref_squeeze %dma_start3A_146 : memref<1x1x128xi32, #tpu.memory_space<vmem>> -> memref<128xi32, #tpu.memory_space<vmem>>
          %dma_start3A_148 = arith.constant 0 : i32
          %dma_start3A_149 = arith.constant 0 : i32
          %dma_start3A_150 = tpu.memref_slice %arg6[%dma_start3A_148, %dma_start3A_149] : memref<10000x128xf32, #tpu.memory_space<hbm>> -> memref<10000x128xf32, #tpu.memory_space<hbm>>
          tpu.enqueue_indirect_dma source(%dma_start3A_150 : memref<10000x128xf32, #tpu.memory_space<hbm>>) target(%dma_start3A_144 : memref<128x128xf32, #tpu.memory_space<vmem>>) offsets(%dma_start3A_147 : memref<128xi32, #tpu.memory_space<vmem>>) semaphore(%arg16 : memref<!tpu.dma_semaphore, #tpu.memory_space<semaphore_mem>>)
        } else {
        }
      } else {
      }
    }
    %scan3A_80 = arith.constant 20 : i32
    %gt3A_81 = arith.constant 0 : i32
    "tpu.trace_stop"() : () -> ()
    %gt3A_82 = arith.cmpi sgt, %sub3A_49, %gt3A_81 : i32
    %convert_element_type3A_83 = arith.extui %gt3A_82 : i1 to i32
    %cond3A_84 = arith.constant 0 : i32
    %cond3A_85 = arith.cmpi ne, %convert_element_type3A_83, %cond3A_84 : i32
    scf.if %cond3A_85 {
      %get3A = arith.constant 0 : i32
      %get3A_100 = arith.constant 0 : i32
      %get3A_101 = arith.index_cast %get3A : i32 to index
      %get3A_102 = arith.index_cast %get3A_100 : i32 to index
      %get3A_103 = arith.constant 0 : index
      %get3A_104 = tpu.vector_load %arg12[%get3A_101, %get3A_102, %get3A_103] {strides = array<i32>} : memref<40x1x128xi32, #tpu.memory_space<vmem>>, vector<1x1x16xi32>,
      %get3A_105 = vector.shape_cast %get3A_104 : vector<1x1x16xi32> to vector<16xi32>
      %slice3A = vector.extract_strided_slice %get3A_105 {offsets = [0], sizes = [1], strides = [1]} : vector<16xi32> to vector<1xi32>
      %squeeze3A = vector.extract %slice3A[0] : i32 from vector<1xi32>
      %and3A_106 = arith.constant 2 : i32
      %and3A_107 = arith.andi %squeeze3A, %and3A_106 : i32
      %gt3A_108 = arith.constant 0 : i32
      %gt3A_109 = arith.cmpi sgt, %and3A_107, %gt3A_108 : i32
      %convert_element_type3A_110 = arith.extui %gt3A_109 : i1 to i32
      %cond3A_111 = arith.constant 0 : i32
      %cond3A_112 = arith.cmpi ne, %convert_element_type3A_110, %cond3A_111 : i32
      scf.if %cond3A_112 {
        %dma_start3A = arith.constant 0 : i32
        %dma_start3A_113 = arith.constant 0 : i32
        %dma_start3A_114 = arith.constant 0 : i32
        %dma_start3A_115 = arith.constant 0 : i32
        %dma_start3A_116 = arith.constant 0 : i32
        %dma_start3A_117 = tpu.memref_slice %arg13[%dma_start3A_114, %dma_start3A_115, %dma_start3A_116] : memref<2x128x128xf32, #tpu.memory_space<vmem>> -> memref<1x128x128xf32, #tpu.memory_space<vmem>>
        %dma_start3A_118 = tpu.memref_squeeze %dma_start3A_117 : memref<1x128x128xf32, #tpu.memory_space<vmem>> -> memref<128x128xf32, #tpu.memory_space<vmem>>
        %dma_start3A_119 = arith.constant 0 : i32
        %dma_start3A_120 = tpu.memref_slice %arg11[%dma_start3A, %dma_start3A_113, %dma_start3A_119] : memref<40x1x128xi32, #tpu.memory_space<vmem>> -> memref<1x1x128xi32, #tpu.memory_space<vmem>>
        %dma_start3A_121 = tpu.memref_squeeze %dma_start3A_120 : memref<1x1x128xi32, #tpu.memory_space<vmem>> -> memref<128xi32, #tpu.memory_space<vmem>>
        %dma_start3A_122 = arith.constant 0 : i32
        %dma_start3A_123 = arith.constant 0 : i32
        %dma_start3A_124 = tpu.memref_slice %arg7[%dma_start3A_122, %dma_start3A_123] : memref<10000x128xf32, #tpu.memory_space<hbm>> -> memref<10000x128xf32, #tpu.memory_space<hbm>>
        tpu.enqueue_indirect_dma source(%dma_start3A_124 : memref<10000x128xf32, #tpu.memory_space<hbm>>) target(%dma_start3A_118 : memref<128x128xf32, #tpu.memory_space<vmem>>) offsets(%dma_start3A_121 : memref<128xi32, #tpu.memory_space<vmem>>) semaphore(%arg15 : memref<!tpu.dma_semaphore, #tpu.memory_space<semaphore_mem>>)
      } else {
      }
    } else {
    }
    %gt3A_86 = arith.constant 1 : i32
    %gt3A_87 = arith.cmpi sgt, %sub3A_49, %gt3A_86 : i32
    %convert_element_type3A_88 = arith.extui %gt3A_87 : i1 to i32
    %cond3A_89 = arith.constant 0 : i32
    %cond3A_90 = arith.cmpi ne, %convert_element_type3A_88, %cond3A_89 : i32
    scf.if %cond3A_90 {
      %get3A = arith.constant 1 : i32
      %get3A_100 = arith.constant 0 : i32
      %get3A_101 = arith.index_cast %get3A : i32 to index
      %get3A_102 = arith.index_cast %get3A_100 : i32 to index
      %get3A_103 = arith.constant 0 : index
      %get3A_104 = tpu.vector_load %arg12[%get3A_101, %get3A_102, %get3A_103] {strides = array<i32>} : memref<40x1x128xi32, #tpu.memory_space<vmem>>, vector<1x1x16xi32>,
      %get3A_105 = vector.shape_cast %get3A_104 : vector<1x1x16xi32> to vector<16xi32>
      %slice3A = vector.extract_strided_slice %get3A_105 {offsets = [0], sizes = [1], strides = [1]} : vector<16xi32> to vector<1xi32>
      %squeeze3A = vector.extract %slice3A[0] : i32 from vector<1xi32>
      %and3A_106 = arith.constant 2 : i32
      %and3A_107 = arith.andi %squeeze3A, %and3A_106 : i32
      %gt3A_108 = arith.constant 0 : i32
      %gt3A_109 = arith.cmpi sgt, %and3A_107, %gt3A_108 : i32
      %convert_element_type3A_110 = arith.extui %gt3A_109 : i1 to i32
      %cond3A_111 = arith.constant 0 : i32
      %cond3A_112 = arith.cmpi ne, %convert_element_type3A_110, %cond3A_111 : i32
      scf.if %cond3A_112 {
        %dma_start3A = arith.constant 1 : i32
        %dma_start3A_113 = arith.constant 0 : i32
        %dma_start3A_114 = arith.constant 1 : i32
        %dma_start3A_115 = arith.constant 0 : i32
        %dma_start3A_116 = arith.constant 0 : i32
        %dma_start3A_117 = tpu.memref_slice %arg13[%dma_start3A_114, %dma_start3A_115, %dma_start3A_116] : memref<2x128x128xf32, #tpu.memory_space<vmem>> -> memref<1x128x128xf32, #tpu.memory_space<vmem>>
        %dma_start3A_118 = tpu.memref_squeeze %dma_start3A_117 : memref<1x128x128xf32, #tpu.memory_space<vmem>> -> memref<128x128xf32, #tpu.memory_space<vmem>>
        %dma_start3A_119 = arith.constant 0 : i32
        %dma_start3A_120 = tpu.memref_slice %arg11[%dma_start3A, %dma_start3A_113, %dma_start3A_119] : memref<40x1x128xi32, #tpu.memory_space<vmem>> -> memref<1x1x128xi32, #tpu.memory_space<vmem>>
        %dma_start3A_121 = tpu.memref_squeeze %dma_start3A_120 : memref<1x1x128xi32, #tpu.memory_space<vmem>> -> memref<128xi32, #tpu.memory_space<vmem>>
        %dma_start3A_122 = arith.constant 0 : i32
        %dma_start3A_123 = arith.constant 0 : i32
        %dma_start3A_124 = tpu.memref_slice %arg7[%dma_start3A_122, %dma_start3A_123] : memref<10000x128xf32, #tpu.memory_space<hbm>> -> memref<10000x128xf32, #tpu.memory_space<hbm>>
        tpu.enqueue_indirect_dma source(%dma_start3A_124 : memref<10000x128xf32, #tpu.memory_space<hbm>>) target(%dma_start3A_118 : memref<128x128xf32, #tpu.memory_space<vmem>>) offsets(%dma_start3A_121 : memref<128xi32, #tpu.memory_space<vmem>>) semaphore(%arg16 : memref<!tpu.dma_semaphore, #tpu.memory_space<semaphore_mem>>)
      } else {
      }
    } else {
    }
    "tpu.trace_start"() <{level = 10 : i32, message = "p2loop"}> : () -> ()
    %scan3A_91 = arith.constant 0 : i32
    %scan3A_92 = arith.constant 0 : i32
    %scan3A_93 = arith.constant 20 : i32
    %scan3A_94 = arith.addi %scan3A_92, %scan3A_93 : i32
    %scan3A_95 = arith.constant 1 : i32
    scf.for %scan3A_100 = %scan3A_92 to %scan3A_94 step %scan3A_95  : i32 {
      %mul3A_101 = arith.constant 2 : i32
      %mul3A_102 = arith.muli %mul3A_101, %scan3A_100 : i32
      %lt3A = arith.cmpi slt, %mul3A_102, %sub3A_49 : i32
      %convert_element_type3A_103 = arith.extui %lt3A : i1 to i32
      %cond3A_104 = arith.constant 0 : i32
      %cond3A_105 = arith.cmpi ne, %convert_element_type3A_103, %cond3A_104 : i32
      scf.if %cond3A_105 {
        %get3A = arith.constant 0 : i32
        %get3A_126 = arith.index_cast %mul3A_102 : i32 to index
        %get3A_127 = arith.index_cast %get3A : i32 to index
        %get3A_128 = arith.constant 0 : index
        %get3A_129 = tpu.vector_load %arg12[%get3A_126, %get3A_127, %get3A_128] {strides = array<i32>} : memref<40x1x128xi32, #tpu.memory_space<vmem>>, vector<1x1x16xi32>,
        %get3A_130 = vector.shape_cast %get3A_129 : vector<1x1x16xi32> to vector<16xi32>
        %slice3A = vector.extract_strided_slice %get3A_130 {offsets = [0], sizes = [1], strides = [1]} : vector<16xi32> to vector<1xi32>
        %squeeze3A = vector.extract %slice3A[0] : i32 from vector<1xi32>
        %and3A_131 = arith.constant 2 : i32
        %and3A_132 = arith.andi %squeeze3A, %and3A_131 : i32
        %gt3A_133 = arith.constant 0 : i32
        %gt3A_134 = arith.cmpi sgt, %and3A_132, %gt3A_133 : i32
        %convert_element_type3A_135 = arith.extui %gt3A_134 : i1 to i32
        %cond3A_136 = arith.constant 0 : i32
        %cond3A_137 = arith.cmpi ne, %convert_element_type3A_135, %cond3A_136 : i32
        scf.if %cond3A_137 {
          %dma_wait3A = arith.constant 0 : i32
          %dma_wait3A_138 = arith.constant 0 : i32
          %dma_wait3A_139 = arith.constant 0 : i32
          %dma_wait3A_140 = arith.constant 0 : i32
          %dma_wait3A_141 = tpu.memref_slice %arg13[%dma_wait3A_138, %dma_wait3A_139, %dma_wait3A_140] : memref<2x128x128xf32, #tpu.memory_space<vmem>> -> memref<1x128x128xf32, #tpu.memory_space<vmem>>
          %dma_wait3A_142 = tpu.memref_squeeze %dma_wait3A_141 : memref<1x128x128xf32, #tpu.memory_space<vmem>> -> memref<128x128xf32, #tpu.memory_space<vmem>>
          %dma_wait3A_143 = arith.constant 0 : i32
          %dma_wait3A_144 = tpu.memref_slice %arg11[%mul3A_102, %dma_wait3A, %dma_wait3A_143] : memref<40x1x128xi32, #tpu.memory_space<vmem>> -> memref<1x1x128xi32, #tpu.memory_space<vmem>>
          %dma_wait3A_145 = tpu.memref_squeeze %dma_wait3A_144 : memref<1x1x128xi32, #tpu.memory_space<vmem>> -> memref<128xi32, #tpu.memory_space<vmem>>
          %dma_wait3A_146 = arith.constant 0 : i32
          %dma_wait3A_147 = arith.constant 0 : i32
          %dma_wait3A_148 = tpu.memref_slice %arg7[%dma_wait3A_146, %dma_wait3A_147] : memref<10000x128xf32, #tpu.memory_space<hbm>> -> memref<10000x128xf32, #tpu.memory_space<hbm>>
          tpu.wait_indirect_dma semaphore(%arg15 : memref<!tpu.dma_semaphore, #tpu.memory_space<semaphore_mem>>) src(%dma_wait3A_148 : memref<10000x128xf32, #tpu.memory_space<hbm>>) dst(%dma_wait3A_142 : memref<128x128xf32, #tpu.memory_space<vmem>>)
          %run_scoped3A = arith.constant 0 : i32
          %run_scoped3A_149 = arith.constant 0 : i32
          "tpu.region"() ({
            %run_scoped3A_150 = tpu.sem_alloc : memref<!tpu.dma_semaphore, #tpu.memory_space<semaphore_mem>>
            %dma_start3A = arith.constant 0 : i32
            %dma_start3A_151 = arith.constant 0 : i32
            %dma_start3A_152 = tpu.memref_slice %arg13[%run_scoped3A, %dma_start3A, %dma_start3A_151] : memref<2x128x128xf32, #tpu.memory_space<vmem>> -> memref<1x128x128xf32, #tpu.memory_space<vmem>>
            %dma_start3A_153 = tpu.memref_squeeze %dma_start3A_152 : memref<1x128x128xf32, #tpu.memory_space<vmem>> -> memref<128x128xf32, #tpu.memory_space<vmem>>
            %dma_start3A_154 = arith.constant 0 : i32
            %dma_start3A_155 = tpu.memref_slice %arg10[%mul3A_102, %run_scoped3A_149, %dma_start3A_154] : memref<40x1x128xi32, #tpu.memory_space<vmem>> -> memref<1x1x128xi32, #tpu.memory_space<vmem>>
            %dma_start3A_156 = tpu.memref_squeeze %dma_start3A_155 : memref<1x1x128xi32, #tpu.memory_space<vmem>> -> memref<128xi32, #tpu.memory_space<vmem>>
            %dma_start3A_157 = arith.constant 0 : i32
            %dma_start3A_158 = arith.constant 0 : i32
            %dma_start3A_159 = tpu.memref_slice %arg14[%dma_start3A_157, %dma_start3A_158] : memref<10112x128xf32, #tpu.memory_space<vmem_shared>> -> memref<10112x128xf32, #tpu.memory_space<vmem_shared>>
            tpu.enqueue_indirect_dma source(%dma_start3A_153 : memref<128x128xf32, #tpu.memory_space<vmem>>) target(%dma_start3A_159 : memref<10112x128xf32, #tpu.memory_space<vmem_shared>>) offsets(%dma_start3A_156 : memref<128xi32, #tpu.memory_space<vmem>>) semaphore(%run_scoped3A_150 : memref<!tpu.dma_semaphore, #tpu.memory_space<semaphore_mem>>) {add = true}
            %dma_wait3A_160 = arith.constant 0 : i32
            %dma_wait3A_161 = arith.constant 0 : i32
            %dma_wait3A_162 = tpu.memref_slice %arg13[%run_scoped3A, %dma_wait3A_160, %dma_wait3A_161] : memref<2x128x128xf32, #tpu.memory_space<vmem>> -> memref<1x128x128xf32, #tpu.memory_space<vmem>>
            %dma_wait3A_163 = tpu.memref_squeeze %dma_wait3A_162 : memref<1x128x128xf32, #tpu.memory_space<vmem>> -> memref<128x128xf32, #tpu.memory_space<vmem>>
            %dma_wait3A_164 = arith.constant 0 : i32
            %dma_wait3A_165 = tpu.memref_slice %arg10[%mul3A_102, %run_scoped3A_149, %dma_wait3A_164] : memref<40x1x128xi32, #tpu.memory_space<vmem>> -> memref<1x1x128xi32, #tpu.memory_space<vmem>>
            %dma_wait3A_166 = tpu.memref_squeeze %dma_wait3A_165 : memref<1x1x128xi32, #tpu.memory_space<vmem>> -> memref<128xi32, #tpu.memory_space<vmem>>
            %dma_wait3A_167 = arith.constant 0 : i32
            %dma_wait3A_168 = arith.constant 0 : i32
            %dma_wait3A_169 = tpu.memref_slice %arg14[%dma_wait3A_167, %dma_wait3A_168] : memref<10112x128xf32, #tpu.memory_space<vmem_shared>> -> memref<10112x128xf32, #tpu.memory_space<vmem_shared>>
            tpu.wait_indirect_dma semaphore(%run_scoped3A_150 : memref<!tpu.dma_semaphore, #tpu.memory_space<semaphore_mem>>) src(%dma_wait3A_163 : memref<128x128xf32, #tpu.memory_space<vmem>>) dst(%dma_wait3A_169 : memref<10112x128xf32, #tpu.memory_space<vmem_shared>>)
            tpu.yield
          }) : () -> ()
        } else {
        }
      } else {
      }
      %add3A_106 = arith.constant 2 : i32
      %add3A_107 = arith.addi %mul3A_102, %add3A_106 : i32
      %lt3A_108 = arith.cmpi slt, %add3A_107, %sub3A_49 : i32
      %convert_element_type3A_109 = arith.extui %lt3A_108 : i1 to i32
      %cond3A_110 = arith.constant 0 : i32
      %cond3A_111 = arith.cmpi ne, %convert_element_type3A_109, %cond3A_110 : i32
      scf.if %cond3A_111 {
        %add3A_126 = arith.constant 2 : i32
        %add3A_127 = arith.addi %mul3A_102, %add3A_126 : i32
        %get3A = arith.constant 0 : i32
        %get3A_128 = arith.index_cast %add3A_127 : i32 to index
        %get3A_129 = arith.index_cast %get3A : i32 to index
        %get3A_130 = arith.constant 0 : index
        %get3A_131 = tpu.vector_load %arg12[%get3A_128, %get3A_129, %get3A_130] {strides = array<i32>} : memref<40x1x128xi32, #tpu.memory_space<vmem>>, vector<1x1x16xi32>,
        %get3A_132 = vector.shape_cast %get3A_131 : vector<1x1x16xi32> to vector<16xi32>
        %slice3A = vector.extract_strided_slice %get3A_132 {offsets = [0], sizes = [1], strides = [1]} : vector<16xi32> to vector<1xi32>
        %squeeze3A = vector.extract %slice3A[0] : i32 from vector<1xi32>
        %and3A_133 = arith.constant 2 : i32
        %and3A_134 = arith.andi %squeeze3A, %and3A_133 : i32
        %gt3A_135 = arith.constant 0 : i32
        %gt3A_136 = arith.cmpi sgt, %and3A_134, %gt3A_135 : i32
        %convert_element_type3A_137 = arith.extui %gt3A_136 : i1 to i32
        %cond3A_138 = arith.constant 0 : i32
        %cond3A_139 = arith.cmpi ne, %convert_element_type3A_137, %cond3A_138 : i32
        scf.if %cond3A_139 {
          %dma_start3A = arith.constant 0 : i32
          %dma_start3A_140 = arith.constant 0 : i32
          %dma_start3A_141 = arith.constant 0 : i32
          %dma_start3A_142 = arith.constant 0 : i32
          %dma_start3A_143 = tpu.memref_slice %arg13[%dma_start3A_140, %dma_start3A_141, %dma_start3A_142] : memref<2x128x128xf32, #tpu.memory_space<vmem>> -> memref<1x128x128xf32, #tpu.memory_space<vmem>>
          %dma_start3A_144 = tpu.memref_squeeze %dma_start3A_143 : memref<1x128x128xf32, #tpu.memory_space<vmem>> -> memref<128x128xf32, #tpu.memory_space<vmem>>
          %dma_start3A_145 = arith.constant 0 : i32
          %dma_start3A_146 = tpu.memref_slice %arg11[%add3A_127, %dma_start3A, %dma_start3A_145] : memref<40x1x128xi32, #tpu.memory_space<vmem>> -> memref<1x1x128xi32, #tpu.memory_space<vmem>>
          %dma_start3A_147 = tpu.memref_squeeze %dma_start3A_146 : memref<1x1x128xi32, #tpu.memory_space<vmem>> -> memref<128xi32, #tpu.memory_space<vmem>>
          %dma_start3A_148 = arith.constant 0 : i32
          %dma_start3A_149 = arith.constant 0 : i32
          %dma_start3A_150 = tpu.memref_slice %arg7[%dma_start3A_148, %dma_start3A_149] : memref<10000x128xf32, #tpu.memory_space<hbm>> -> memref<10000x128xf32, #tpu.memory_space<hbm>>
          tpu.enqueue_indirect_dma source(%dma_start3A_150 : memref<10000x128xf32, #tpu.memory_space<hbm>>) target(%dma_start3A_144 : memref<128x128xf32, #tpu.memory_space<vmem>>) offsets(%dma_start3A_147 : memref<128xi32, #tpu.memory_space<vmem>>) semaphore(%arg15 : memref<!tpu.dma_semaphore, #tpu.memory_space<semaphore_mem>>)
        } else {
        }
      } else {
      }
      %mul3A_112 = arith.constant 2 : i32
      %mul3A_113 = arith.muli %mul3A_112, %scan3A_100 : i32
      %add3A_114 = arith.constant 1 : i32
      %add3A_115 = arith.addi %mul3A_113, %add3A_114 : i32
      %lt3A_116 = arith.cmpi slt, %add3A_115, %sub3A_49 : i32
      %convert_element_type3A_117 = arith.extui %lt3A_116 : i1 to i32
      %cond3A_118 = arith.constant 0 : i32
      %cond3A_119 = arith.cmpi ne, %convert_element_type3A_117, %cond3A_118 : i32
      scf.if %cond3A_119 {
        %get3A = arith.constant 0 : i32
        %get3A_126 = arith.index_cast %add3A_115 : i32 to index
        %get3A_127 = arith.index_cast %get3A : i32 to index
        %get3A_128 = arith.constant 0 : index
        %get3A_129 = tpu.vector_load %arg12[%get3A_126, %get3A_127, %get3A_128] {strides = array<i32>} : memref<40x1x128xi32, #tpu.memory_space<vmem>>, vector<1x1x16xi32>,
        %get3A_130 = vector.shape_cast %get3A_129 : vector<1x1x16xi32> to vector<16xi32>
        %slice3A = vector.extract_strided_slice %get3A_130 {offsets = [0], sizes = [1], strides = [1]} : vector<16xi32> to vector<1xi32>
        %squeeze3A = vector.extract %slice3A[0] : i32 from vector<1xi32>
        %and3A_131 = arith.constant 2 : i32
        %and3A_132 = arith.andi %squeeze3A, %and3A_131 : i32
        %gt3A_133 = arith.constant 0 : i32
        %gt3A_134 = arith.cmpi sgt, %and3A_132, %gt3A_133 : i32
        %convert_element_type3A_135 = arith.extui %gt3A_134 : i1 to i32
        %cond3A_136 = arith.constant 0 : i32
        %cond3A_137 = arith.cmpi ne, %convert_element_type3A_135, %cond3A_136 : i32
        scf.if %cond3A_137 {
          %dma_wait3A = arith.constant 0 : i32
          %dma_wait3A_138 = arith.constant 1 : i32
          %dma_wait3A_139 = arith.constant 0 : i32
          %dma_wait3A_140 = arith.constant 0 : i32
          %dma_wait3A_141 = tpu.memref_slice %arg13[%dma_wait3A_138, %dma_wait3A_139, %dma_wait3A_140] : memref<2x128x128xf32, #tpu.memory_space<vmem>> -> memref<1x128x128xf32, #tpu.memory_space<vmem>>
          %dma_wait3A_142 = tpu.memref_squeeze %dma_wait3A_141 : memref<1x128x128xf32, #tpu.memory_space<vmem>> -> memref<128x128xf32, #tpu.memory_space<vmem>>
          %dma_wait3A_143 = arith.constant 0 : i32
          %dma_wait3A_144 = tpu.memref_slice %arg11[%add3A_115, %dma_wait3A, %dma_wait3A_143] : memref<40x1x128xi32, #tpu.memory_space<vmem>> -> memref<1x1x128xi32, #tpu.memory_space<vmem>>
          %dma_wait3A_145 = tpu.memref_squeeze %dma_wait3A_144 : memref<1x1x128xi32, #tpu.memory_space<vmem>> -> memref<128xi32, #tpu.memory_space<vmem>>
          %dma_wait3A_146 = arith.constant 0 : i32
          %dma_wait3A_147 = arith.constant 0 : i32
          %dma_wait3A_148 = tpu.memref_slice %arg7[%dma_wait3A_146, %dma_wait3A_147] : memref<10000x128xf32, #tpu.memory_space<hbm>> -> memref<10000x128xf32, #tpu.memory_space<hbm>>
          tpu.wait_indirect_dma semaphore(%arg16 : memref<!tpu.dma_semaphore, #tpu.memory_space<semaphore_mem>>) src(%dma_wait3A_148 : memref<10000x128xf32, #tpu.memory_space<hbm>>) dst(%dma_wait3A_142 : memref<128x128xf32, #tpu.memory_space<vmem>>)
          %run_scoped3A = arith.constant 1 : i32
          %run_scoped3A_149 = arith.constant 0 : i32
          "tpu.region"() ({
            %run_scoped3A_150 = tpu.sem_alloc : memref<!tpu.dma_semaphore, #tpu.memory_space<semaphore_mem>>
            %dma_start3A = arith.constant 0 : i32
            %dma_start3A_151 = arith.constant 0 : i32
            %dma_start3A_152 = tpu.memref_slice %arg13[%run_scoped3A, %dma_start3A, %dma_start3A_151] : memref<2x128x128xf32, #tpu.memory_space<vmem>> -> memref<1x128x128xf32, #tpu.memory_space<vmem>>
            %dma_start3A_153 = tpu.memref_squeeze %dma_start3A_152 : memref<1x128x128xf32, #tpu.memory_space<vmem>> -> memref<128x128xf32, #tpu.memory_space<vmem>>
            %dma_start3A_154 = arith.constant 0 : i32
            %dma_start3A_155 = tpu.memref_slice %arg10[%add3A_115, %run_scoped3A_149, %dma_start3A_154] : memref<40x1x128xi32, #tpu.memory_space<vmem>> -> memref<1x1x128xi32, #tpu.memory_space<vmem>>
            %dma_start3A_156 = tpu.memref_squeeze %dma_start3A_155 : memref<1x1x128xi32, #tpu.memory_space<vmem>> -> memref<128xi32, #tpu.memory_space<vmem>>
            %dma_start3A_157 = arith.constant 0 : i32
            %dma_start3A_158 = arith.constant 0 : i32
            %dma_start3A_159 = tpu.memref_slice %arg14[%dma_start3A_157, %dma_start3A_158] : memref<10112x128xf32, #tpu.memory_space<vmem_shared>> -> memref<10112x128xf32, #tpu.memory_space<vmem_shared>>
            tpu.enqueue_indirect_dma source(%dma_start3A_153 : memref<128x128xf32, #tpu.memory_space<vmem>>) target(%dma_start3A_159 : memref<10112x128xf32, #tpu.memory_space<vmem_shared>>) offsets(%dma_start3A_156 : memref<128xi32, #tpu.memory_space<vmem>>) semaphore(%run_scoped3A_150 : memref<!tpu.dma_semaphore, #tpu.memory_space<semaphore_mem>>) {add = true}
            %dma_wait3A_160 = arith.constant 0 : i32
            %dma_wait3A_161 = arith.constant 0 : i32
            %dma_wait3A_162 = tpu.memref_slice %arg13[%run_scoped3A, %dma_wait3A_160, %dma_wait3A_161] : memref<2x128x128xf32, #tpu.memory_space<vmem>> -> memref<1x128x128xf32, #tpu.memory_space<vmem>>
            %dma_wait3A_163 = tpu.memref_squeeze %dma_wait3A_162 : memref<1x128x128xf32, #tpu.memory_space<vmem>> -> memref<128x128xf32, #tpu.memory_space<vmem>>
            %dma_wait3A_164 = arith.constant 0 : i32
            %dma_wait3A_165 = tpu.memref_slice %arg10[%add3A_115, %run_scoped3A_149, %dma_wait3A_164] : memref<40x1x128xi32, #tpu.memory_space<vmem>> -> memref<1x1x128xi32, #tpu.memory_space<vmem>>
            %dma_wait3A_166 = tpu.memref_squeeze %dma_wait3A_165 : memref<1x1x128xi32, #tpu.memory_space<vmem>> -> memref<128xi32, #tpu.memory_space<vmem>>
            %dma_wait3A_167 = arith.constant 0 : i32
            %dma_wait3A_168 = arith.constant 0 : i32
            %dma_wait3A_169 = tpu.memref_slice %arg14[%dma_wait3A_167, %dma_wait3A_168] : memref<10112x128xf32, #tpu.memory_space<vmem_shared>> -> memref<10112x128xf32, #tpu.memory_space<vmem_shared>>
            tpu.wait_indirect_dma semaphore(%run_scoped3A_150 : memref<!tpu.dma_semaphore, #tpu.memory_space<semaphore_mem>>) src(%dma_wait3A_163 : memref<128x128xf32, #tpu.memory_space<vmem>>) dst(%dma_wait3A_169 : memref<10112x128xf32, #tpu.memory_space<vmem_shared>>)
            tpu.yield
          }) : () -> ()
        } else {
        }
      } else {
      }
      %add3A_120 = arith.constant 2 : i32
      %add3A_121 = arith.addi %add3A_115, %add3A_120 : i32
      %lt3A_122 = arith.cmpi slt, %add3A_121, %sub3A_49 : i32
      %convert_element_type3A_123 = arith.extui %lt3A_122 : i1 to i32
      %cond3A_124 = arith.constant 0 : i32
      %cond3A_125 = arith.cmpi ne, %convert_element_type3A_123, %cond3A_124 : i32
      scf.if %cond3A_125 {
        %add3A_126 = arith.constant 2 : i32
        %add3A_127 = arith.addi %add3A_115, %add3A_126 : i32
        %get3A = arith.constant 0 : i32
        %get3A_128 = arith.index_cast %add3A_127 : i32 to index
        %get3A_129 = arith.index_cast %get3A : i32 to index
        %get3A_130 = arith.constant 0 : index
        %get3A_131 = tpu.vector_load %arg12[%get3A_128, %get3A_129, %get3A_130] {strides = array<i32>} : memref<40x1x128xi32, #tpu.memory_space<vmem>>, vector<1x1x16xi32>,
        %get3A_132 = vector.shape_cast %get3A_131 : vector<1x1x16xi32> to vector<16xi32>
        %slice3A = vector.extract_strided_slice %get3A_132 {offsets = [0], sizes = [1], strides = [1]} : vector<16xi32> to vector<1xi32>
        %squeeze3A = vector.extract %slice3A[0] : i32 from vector<1xi32>
        %and3A_133 = arith.constant 2 : i32
        %and3A_134 = arith.andi %squeeze3A, %and3A_133 : i32
        %gt3A_135 = arith.constant 0 : i32
        %gt3A_136 = arith.cmpi sgt, %and3A_134, %gt3A_135 : i32
        %convert_element_type3A_137 = arith.extui %gt3A_136 : i1 to i32
        %cond3A_138 = arith.constant 0 : i32
        %cond3A_139 = arith.cmpi ne, %convert_element_type3A_137, %cond3A_138 : i32
        scf.if %cond3A_139 {
          %dma_start3A = arith.constant 0 : i32
          %dma_start3A_140 = arith.constant 1 : i32
          %dma_start3A_141 = arith.constant 0 : i32
          %dma_start3A_142 = arith.constant 0 : i32
          %dma_start3A_143 = tpu.memref_slice %arg13[%dma_start3A_140, %dma_start3A_141, %dma_start3A_142] : memref<2x128x128xf32, #tpu.memory_space<vmem>> -> memref<1x128x128xf32, #tpu.memory_space<vmem>>
          %dma_start3A_144 = tpu.memref_squeeze %dma_start3A_143 : memref<1x128x128xf32, #tpu.memory_space<vmem>> -> memref<128x128xf32, #tpu.memory_space<vmem>>
          %dma_start3A_145 = arith.constant 0 : i32
          %dma_start3A_146 = tpu.memref_slice %arg11[%add3A_127, %dma_start3A, %dma_start3A_145] : memref<40x1x128xi32, #tpu.memory_space<vmem>> -> memref<1x1x128xi32, #tpu.memory_space<vmem>>
          %dma_start3A_147 = tpu.memref_squeeze %dma_start3A_146 : memref<1x1x128xi32, #tpu.memory_space<vmem>> -> memref<128xi32, #tpu.memory_space<vmem>>
          %dma_start3A_148 = arith.constant 0 : i32
          %dma_start3A_149 = arith.constant 0 : i32
          %dma_start3A_150 = tpu.memref_slice %arg7[%dma_start3A_148, %dma_start3A_149] : memref<10000x128xf32, #tpu.memory_space<hbm>> -> memref<10000x128xf32, #tpu.memory_space<hbm>>
          tpu.enqueue_indirect_dma source(%dma_start3A_150 : memref<10000x128xf32, #tpu.memory_space<hbm>>) target(%dma_start3A_144 : memref<128x128xf32, #tpu.memory_space<vmem>>) offsets(%dma_start3A_147 : memref<128xi32, #tpu.memory_space<vmem>>) semaphore(%arg16 : memref<!tpu.dma_semaphore, #tpu.memory_space<semaphore_mem>>)
        } else {
        }
      } else {
      }
    }
    %scan3A_96 = arith.constant 20 : i32
    "tpu.trace_stop"() : () -> ()
    %barrier3A_97 = arith.constant 0 : index
    tpu.barrier barrier_id(%barrier3A_97)
    %add3A_98 = arith.constant 2 : i32
    %add3A_99 = arith.addi %add3A_98, %arg0 : i32
    "tpu.region"() ({
      %run_scoped3A = tpu.sem_alloc : memref<!tpu.dma_semaphore, #tpu.memory_space<semaphore_mem>>
      %dma_start3A = arith.constant 0 : i32
      %dma_start3A_100 = tpu.memref_slice %arg9[%add3A_99, %multiple_of3A, %dma_start3A] : memref<4x10112x128xf32, #tpu.memory_space<hbm>> -> memref<1x632x128xf32, #tpu.memory_space<hbm>>
      %dma_start3A_101 = tpu.memref_squeeze %dma_start3A_100 : memref<1x632x128xf32, #tpu.memory_space<hbm>> -> memref<632x128xf32, #tpu.memory_space<hbm>>
      %dma_start3A_102 = arith.constant 0 : i32
      %dma_start3A_103 = tpu.memref_slice %arg14[%multiple_of3A, %dma_start3A_102] : memref<10112x128xf32, #tpu.memory_space<vmem_shared>> -> memref<632x128xf32, #tpu.memory_space<vmem_shared>>
      tpu.enqueue_dma source(%dma_start3A_103 : memref<632x128xf32, #tpu.memory_space<vmem_shared>>) target(%dma_start3A_101 : memref<632x128xf32, #tpu.memory_space<hbm>>) target_semaphore(%run_scoped3A : memref<!tpu.dma_semaphore, #tpu.memory_space<semaphore_mem>>)
      %dma_wait3A = arith.constant 0 : i32
      %dma_wait3A_104 = tpu.memref_slice %arg9[%add3A_99, %multiple_of3A, %dma_wait3A] : memref<4x10112x128xf32, #tpu.memory_space<hbm>> -> memref<1x632x128xf32, #tpu.memory_space<hbm>>
      %dma_wait3A_105 = tpu.memref_squeeze %dma_wait3A_104 : memref<1x632x128xf32, #tpu.memory_space<hbm>> -> memref<632x128xf32, #tpu.memory_space<hbm>>
      %dma_wait3A_106 = arith.constant 0 : i32
      %dma_wait3A_107 = tpu.memref_slice %arg14[%multiple_of3A, %dma_wait3A_106] : memref<10112x128xf32, #tpu.memory_space<vmem_shared>> -> memref<632x128xf32, #tpu.memory_space<vmem_shared>>
      tpu.wait_dma2 semaphore(%run_scoped3A : memref<!tpu.dma_semaphore, #tpu.memory_space<semaphore_mem>>) src(%dma_wait3A_107 : memref<632x128xf32, #tpu.memory_space<vmem_shared>>) dst(%dma_wait3A_105 : memref<632x128xf32, #tpu.memory_space<hbm>>)
      tpu.yield
    }) : () -> ()
    return
  }
}

module attributes {stable_mosaic.version = 14 : i64} {
  func.func @_flags_body(%arg0: i32, %arg1: memref<1250x128xi32, #tpu.memory_space<vmem>>, %arg2: memref<1250x128xi32, #tpu.memory_space<vmem>>, %arg3: memref<1x32xi32, #tpu.memory_space<vmem>>, %arg4: memref<1250x128xi32, #tpu.memory_space<vmem>>) attributes {dimension_semantics = [#tpu.dimension_semantics<arbitrary>], iteration_bounds = array<i64: 1>, scalar_prefetch = 0 : i64, scratch_operands = 0 : i64, tpu.core_type = #tpu.core_type<tc>, window_params = [{pipeline_mode = #tpu.pipeline_mode<synchronous>, transform_indices = @transform_0, window_bounds = array<i64: 1250, 128>}, {pipeline_mode = #tpu.pipeline_mode<synchronous>, transform_indices = @transform_1, window_bounds = array<i64: 1250, 128>}, {pipeline_mode = #tpu.pipeline_mode<synchronous>, transform_indices = @transform_2, window_bounds = array<i64: 1, 32>}, {pipeline_mode = #tpu.pipeline_mode<synchronous>, transform_indices = @transform_3, window_bounds = array<i64: 1250, 128>}]} {
    %get3A = arith.constant 0 : index
    %get3A_0 = arith.constant 0 : index
    %get3A_1 = vector.load %arg1[%get3A, %get3A_0] : memref<1250x128xi32, #tpu.memory_space<vmem>>, vector<1250x128xi32>
    %get3A_2 = arith.constant 0 : index
    %get3A_3 = arith.constant 0 : index
    %get3A_4 = vector.load %arg2[%get3A_2, %get3A_3] : memref<1250x128xi32, #tpu.memory_space<vmem>>, vector<1250x128xi32>
    %broadcast_in_dim3A = arith.constant false
    %broadcast_in_dim3A_5 = vector.broadcast %broadcast_in_dim3A : i1 to vector<1250x128xi1>
    %broadcast_in_dim3A_6 = arith.constant false
    %broadcast_in_dim3A_7 = vector.broadcast %broadcast_in_dim3A_6 : i1 to vector<1250x128xi1>
    %get3A_8 = arith.constant 0 : index
    %get3A_9 = arith.constant 0 : index
    %get3A_10 = vector.load %arg3[%get3A_8, %get3A_9] : memref<1x32xi32, #tpu.memory_space<vmem>>, vector<1x1xi32>
    %get3A_11 = vector.extract %get3A_10[0, 0] : i32 from vector<1x1xi32>
    %eq3A = vector.broadcast %get3A_11 : i32 to vector<1250x128xi32>
    %eq3A_12 = arith.cmpi eq, %get3A_1, %eq3A : vector<1250x128xi32>
    %or3A = arith.ori %broadcast_in_dim3A_5, %eq3A_12 : vector<1250x128xi1>
    %eq3A_13 = vector.broadcast %get3A_11 : i32 to vector<1250x128xi32>
    %eq3A_14 = arith.cmpi eq, %get3A_4, %eq3A_13 : vector<1250x128xi32>
    %or3A_15 = arith.ori %broadcast_in_dim3A_7, %eq3A_14 : vector<1250x128xi1>
    %get3A_16 = arith.constant 0 : index
    %get3A_17 = arith.constant 1 : index
    %get3A_18 = vector.load %arg3[%get3A_16, %get3A_17] : memref<1x32xi32, #tpu.memory_space<vmem>>, vector<1x1xi32>
    %get3A_19 = vector.extract %get3A_18[0, 0] : i32 from vector<1x1xi32>
    %eq3A_20 = vector.broadcast %get3A_19 : i32 to vector<1250x128xi32>
    %eq3A_21 = arith.cmpi eq, %get3A_1, %eq3A_20 : vector<1250x128xi32>
    %or3A_22 = arith.ori %or3A, %eq3A_21 : vector<1250x128xi1>
    %eq3A_23 = vector.broadcast %get3A_19 : i32 to vector<1250x128xi32>
    %eq3A_24 = arith.cmpi eq, %get3A_4, %eq3A_23 : vector<1250x128xi32>
    %or3A_25 = arith.ori %or3A_15, %eq3A_24 : vector<1250x128xi1>
    %get3A_26 = arith.constant 0 : index
    %get3A_27 = arith.constant 2 : index
    %get3A_28 = vector.load %arg3[%get3A_26, %get3A_27] : memref<1x32xi32, #tpu.memory_space<vmem>>, vector<1x1xi32>
    %get3A_29 = vector.extract %get3A_28[0, 0] : i32 from vector<1x1xi32>
    %eq3A_30 = vector.broadcast %get3A_29 : i32 to vector<1250x128xi32>
    %eq3A_31 = arith.cmpi eq, %get3A_1, %eq3A_30 : vector<1250x128xi32>
    %or3A_32 = arith.ori %or3A_22, %eq3A_31 : vector<1250x128xi1>
    %eq3A_33 = vector.broadcast %get3A_29 : i32 to vector<1250x128xi32>
    %eq3A_34 = arith.cmpi eq, %get3A_4, %eq3A_33 : vector<1250x128xi32>
    %or3A_35 = arith.ori %or3A_25, %eq3A_34 : vector<1250x128xi1>
    %get3A_36 = arith.constant 0 : index
    %get3A_37 = arith.constant 3 : index
    %get3A_38 = vector.load %arg3[%get3A_36, %get3A_37] : memref<1x32xi32, #tpu.memory_space<vmem>>, vector<1x1xi32>
    %get3A_39 = vector.extract %get3A_38[0, 0] : i32 from vector<1x1xi32>
    %eq3A_40 = vector.broadcast %get3A_39 : i32 to vector<1250x128xi32>
    %eq3A_41 = arith.cmpi eq, %get3A_1, %eq3A_40 : vector<1250x128xi32>
    %or3A_42 = arith.ori %or3A_32, %eq3A_41 : vector<1250x128xi1>
    %eq3A_43 = vector.broadcast %get3A_39 : i32 to vector<1250x128xi32>
    %eq3A_44 = arith.cmpi eq, %get3A_4, %eq3A_43 : vector<1250x128xi32>
    %or3A_45 = arith.ori %or3A_35, %eq3A_44 : vector<1250x128xi1>
    %get3A_46 = arith.constant 0 : index
    %get3A_47 = arith.constant 4 : index
    %get3A_48 = vector.load %arg3[%get3A_46, %get3A_47] : memref<1x32xi32, #tpu.memory_space<vmem>>, vector<1x1xi32>
    %get3A_49 = vector.extract %get3A_48[0, 0] : i32 from vector<1x1xi32>
    %eq3A_50 = vector.broadcast %get3A_49 : i32 to vector<1250x128xi32>
    %eq3A_51 = arith.cmpi eq, %get3A_1, %eq3A_50 : vector<1250x128xi32>
    %or3A_52 = arith.ori %or3A_42, %eq3A_51 : vector<1250x128xi1>
    %eq3A_53 = vector.broadcast %get3A_49 : i32 to vector<1250x128xi32>
    %eq3A_54 = arith.cmpi eq, %get3A_4, %eq3A_53 : vector<1250x128xi32>
    %or3A_55 = arith.ori %or3A_45, %eq3A_54 : vector<1250x128xi1>
    %get3A_56 = arith.constant 0 : index
    %get3A_57 = arith.constant 5 : index
    %get3A_58 = vector.load %arg3[%get3A_56, %get3A_57] : memref<1x32xi32, #tpu.memory_space<vmem>>, vector<1x1xi32>
    %get3A_59 = vector.extract %get3A_58[0, 0] : i32 from vector<1x1xi32>
    %eq3A_60 = vector.broadcast %get3A_59 : i32 to vector<1250x128xi32>
    %eq3A_61 = arith.cmpi eq, %get3A_1, %eq3A_60 : vector<1250x128xi32>
    %or3A_62 = arith.ori %or3A_52, %eq3A_61 : vector<1250x128xi1>
    %eq3A_63 = vector.broadcast %get3A_59 : i32 to vector<1250x128xi32>
    %eq3A_64 = arith.cmpi eq, %get3A_4, %eq3A_63 : vector<1250x128xi32>
    %or3A_65 = arith.ori %or3A_55, %eq3A_64 : vector<1250x128xi1>
    %get3A_66 = arith.constant 0 : index
    %get3A_67 = arith.constant 6 : index
    %get3A_68 = vector.load %arg3[%get3A_66, %get3A_67] : memref<1x32xi32, #tpu.memory_space<vmem>>, vector<1x1xi32>
    %get3A_69 = vector.extract %get3A_68[0, 0] : i32 from vector<1x1xi32>
    %eq3A_70 = vector.broadcast %get3A_69 : i32 to vector<1250x128xi32>
    %eq3A_71 = arith.cmpi eq, %get3A_1, %eq3A_70 : vector<1250x128xi32>
    %or3A_72 = arith.ori %or3A_62, %eq3A_71 : vector<1250x128xi1>
    %eq3A_73 = vector.broadcast %get3A_69 : i32 to vector<1250x128xi32>
    %eq3A_74 = arith.cmpi eq, %get3A_4, %eq3A_73 : vector<1250x128xi32>
    %or3A_75 = arith.ori %or3A_65, %eq3A_74 : vector<1250x128xi1>
    %get3A_76 = arith.constant 0 : index
    %get3A_77 = arith.constant 7 : index
    %get3A_78 = vector.load %arg3[%get3A_76, %get3A_77] : memref<1x32xi32, #tpu.memory_space<vmem>>, vector<1x1xi32>
    %get3A_79 = vector.extract %get3A_78[0, 0] : i32 from vector<1x1xi32>
    %eq3A_80 = vector.broadcast %get3A_79 : i32 to vector<1250x128xi32>
    %eq3A_81 = arith.cmpi eq, %get3A_1, %eq3A_80 : vector<1250x128xi32>
    %or3A_82 = arith.ori %or3A_72, %eq3A_81 : vector<1250x128xi1>
    %eq3A_83 = vector.broadcast %get3A_79 : i32 to vector<1250x128xi32>
    %eq3A_84 = arith.cmpi eq, %get3A_4, %eq3A_83 : vector<1250x128xi32>
    %or3A_85 = arith.ori %or3A_75, %eq3A_84 : vector<1250x128xi1>
    %get3A_86 = arith.constant 0 : index
    %get3A_87 = arith.constant 8 : index
    %get3A_88 = vector.load %arg3[%get3A_86, %get3A_87] : memref<1x32xi32, #tpu.memory_space<vmem>>, vector<1x1xi32>
    %get3A_89 = vector.extract %get3A_88[0, 0] : i32 from vector<1x1xi32>
    %eq3A_90 = vector.broadcast %get3A_89 : i32 to vector<1250x128xi32>
    %eq3A_91 = arith.cmpi eq, %get3A_1, %eq3A_90 : vector<1250x128xi32>
    %or3A_92 = arith.ori %or3A_82, %eq3A_91 : vector<1250x128xi1>
    %eq3A_93 = vector.broadcast %get3A_89 : i32 to vector<1250x128xi32>
    %eq3A_94 = arith.cmpi eq, %get3A_4, %eq3A_93 : vector<1250x128xi32>
    %or3A_95 = arith.ori %or3A_85, %eq3A_94 : vector<1250x128xi1>
    %get3A_96 = arith.constant 0 : index
    %get3A_97 = arith.constant 9 : index
    %get3A_98 = vector.load %arg3[%get3A_96, %get3A_97] : memref<1x32xi32, #tpu.memory_space<vmem>>, vector<1x1xi32>
    %get3A_99 = vector.extract %get3A_98[0, 0] : i32 from vector<1x1xi32>
    %eq3A_100 = vector.broadcast %get3A_99 : i32 to vector<1250x128xi32>
    %eq3A_101 = arith.cmpi eq, %get3A_1, %eq3A_100 : vector<1250x128xi32>
    %or3A_102 = arith.ori %or3A_92, %eq3A_101 : vector<1250x128xi1>
    %eq3A_103 = vector.broadcast %get3A_99 : i32 to vector<1250x128xi32>
    %eq3A_104 = arith.cmpi eq, %get3A_4, %eq3A_103 : vector<1250x128xi32>
    %or3A_105 = arith.ori %or3A_95, %eq3A_104 : vector<1250x128xi1>
    %get3A_106 = arith.constant 0 : index
    %get3A_107 = arith.constant 10 : index
    %get3A_108 = vector.load %arg3[%get3A_106, %get3A_107] : memref<1x32xi32, #tpu.memory_space<vmem>>, vector<1x1xi32>
    %get3A_109 = vector.extract %get3A_108[0, 0] : i32 from vector<1x1xi32>
    %eq3A_110 = vector.broadcast %get3A_109 : i32 to vector<1250x128xi32>
    %eq3A_111 = arith.cmpi eq, %get3A_1, %eq3A_110 : vector<1250x128xi32>
    %or3A_112 = arith.ori %or3A_102, %eq3A_111 : vector<1250x128xi1>
    %eq3A_113 = vector.broadcast %get3A_109 : i32 to vector<1250x128xi32>
    %eq3A_114 = arith.cmpi eq, %get3A_4, %eq3A_113 : vector<1250x128xi32>
    %or3A_115 = arith.ori %or3A_105, %eq3A_114 : vector<1250x128xi1>
    %get3A_116 = arith.constant 0 : index
    %get3A_117 = arith.constant 11 : index
    %get3A_118 = vector.load %arg3[%get3A_116, %get3A_117] : memref<1x32xi32, #tpu.memory_space<vmem>>, vector<1x1xi32>
    %get3A_119 = vector.extract %get3A_118[0, 0] : i32 from vector<1x1xi32>
    %eq3A_120 = vector.broadcast %get3A_119 : i32 to vector<1250x128xi32>
    %eq3A_121 = arith.cmpi eq, %get3A_1, %eq3A_120 : vector<1250x128xi32>
    %or3A_122 = arith.ori %or3A_112, %eq3A_121 : vector<1250x128xi1>
    %eq3A_123 = vector.broadcast %get3A_119 : i32 to vector<1250x128xi32>
    %eq3A_124 = arith.cmpi eq, %get3A_4, %eq3A_123 : vector<1250x128xi32>
    %or3A_125 = arith.ori %or3A_115, %eq3A_124 : vector<1250x128xi1>
    %get3A_126 = arith.constant 0 : index
    %get3A_127 = arith.constant 12 : index
    %get3A_128 = vector.load %arg3[%get3A_126, %get3A_127] : memref<1x32xi32, #tpu.memory_space<vmem>>, vector<1x1xi32>
    %get3A_129 = vector.extract %get3A_128[0, 0] : i32 from vector<1x1xi32>
    %eq3A_130 = vector.broadcast %get3A_129 : i32 to vector<1250x128xi32>
    %eq3A_131 = arith.cmpi eq, %get3A_1, %eq3A_130 : vector<1250x128xi32>
    %or3A_132 = arith.ori %or3A_122, %eq3A_131 : vector<1250x128xi1>
    %eq3A_133 = vector.broadcast %get3A_129 : i32 to vector<1250x128xi32>
    %eq3A_134 = arith.cmpi eq, %get3A_4, %eq3A_133 : vector<1250x128xi32>
    %or3A_135 = arith.ori %or3A_125, %eq3A_134 : vector<1250x128xi1>
    %get3A_136 = arith.constant 0 : index
    %get3A_137 = arith.constant 13 : index
    %get3A_138 = vector.load %arg3[%get3A_136, %get3A_137] : memref<1x32xi32, #tpu.memory_space<vmem>>, vector<1x1xi32>
    %get3A_139 = vector.extract %get3A_138[0, 0] : i32 from vector<1x1xi32>
    %eq3A_140 = vector.broadcast %get3A_139 : i32 to vector<1250x128xi32>
    %eq3A_141 = arith.cmpi eq, %get3A_1, %eq3A_140 : vector<1250x128xi32>
    %or3A_142 = arith.ori %or3A_132, %eq3A_141 : vector<1250x128xi1>
    %eq3A_143 = vector.broadcast %get3A_139 : i32 to vector<1250x128xi32>
    %eq3A_144 = arith.cmpi eq, %get3A_4, %eq3A_143 : vector<1250x128xi32>
    %or3A_145 = arith.ori %or3A_135, %eq3A_144 : vector<1250x128xi1>
    %get3A_146 = arith.constant 0 : index
    %get3A_147 = arith.constant 14 : index
    %get3A_148 = vector.load %arg3[%get3A_146, %get3A_147] : memref<1x32xi32, #tpu.memory_space<vmem>>, vector<1x1xi32>
    %get3A_149 = vector.extract %get3A_148[0, 0] : i32 from vector<1x1xi32>
    %eq3A_150 = vector.broadcast %get3A_149 : i32 to vector<1250x128xi32>
    %eq3A_151 = arith.cmpi eq, %get3A_1, %eq3A_150 : vector<1250x128xi32>
    %or3A_152 = arith.ori %or3A_142, %eq3A_151 : vector<1250x128xi1>
    %eq3A_153 = vector.broadcast %get3A_149 : i32 to vector<1250x128xi32>
    %eq3A_154 = arith.cmpi eq, %get3A_4, %eq3A_153 : vector<1250x128xi32>
    %or3A_155 = arith.ori %or3A_145, %eq3A_154 : vector<1250x128xi1>
    %get3A_156 = arith.constant 0 : index
    %get3A_157 = arith.constant 15 : index
    %get3A_158 = vector.load %arg3[%get3A_156, %get3A_157] : memref<1x32xi32, #tpu.memory_space<vmem>>, vector<1x1xi32>
    %get3A_159 = vector.extract %get3A_158[0, 0] : i32 from vector<1x1xi32>
    %eq3A_160 = vector.broadcast %get3A_159 : i32 to vector<1250x128xi32>
    %eq3A_161 = arith.cmpi eq, %get3A_1, %eq3A_160 : vector<1250x128xi32>
    %or3A_162 = arith.ori %or3A_152, %eq3A_161 : vector<1250x128xi1>
    %eq3A_163 = vector.broadcast %get3A_159 : i32 to vector<1250x128xi32>
    %eq3A_164 = arith.cmpi eq, %get3A_4, %eq3A_163 : vector<1250x128xi32>
    %or3A_165 = arith.ori %or3A_155, %eq3A_164 : vector<1250x128xi1>
    %get3A_166 = arith.constant 0 : index
    %get3A_167 = arith.constant 16 : index
    %get3A_168 = vector.load %arg3[%get3A_166, %get3A_167] : memref<1x32xi32, #tpu.memory_space<vmem>>, vector<1x1xi32>
    %get3A_169 = vector.extract %get3A_168[0, 0] : i32 from vector<1x1xi32>
    %eq3A_170 = vector.broadcast %get3A_169 : i32 to vector<1250x128xi32>
    %eq3A_171 = arith.cmpi eq, %get3A_1, %eq3A_170 : vector<1250x128xi32>
    %or3A_172 = arith.ori %or3A_162, %eq3A_171 : vector<1250x128xi1>
    %eq3A_173 = vector.broadcast %get3A_169 : i32 to vector<1250x128xi32>
    %eq3A_174 = arith.cmpi eq, %get3A_4, %eq3A_173 : vector<1250x128xi32>
    %or3A_175 = arith.ori %or3A_165, %eq3A_174 : vector<1250x128xi1>
    %get3A_176 = arith.constant 0 : index
    %get3A_177 = arith.constant 17 : index
    %get3A_178 = vector.load %arg3[%get3A_176, %get3A_177] : memref<1x32xi32, #tpu.memory_space<vmem>>, vector<1x1xi32>
    %get3A_179 = vector.extract %get3A_178[0, 0] : i32 from vector<1x1xi32>
    %eq3A_180 = vector.broadcast %get3A_179 : i32 to vector<1250x128xi32>
    %eq3A_181 = arith.cmpi eq, %get3A_1, %eq3A_180 : vector<1250x128xi32>
    %or3A_182 = arith.ori %or3A_172, %eq3A_181 : vector<1250x128xi1>
    %eq3A_183 = vector.broadcast %get3A_179 : i32 to vector<1250x128xi32>
    %eq3A_184 = arith.cmpi eq, %get3A_4, %eq3A_183 : vector<1250x128xi32>
    %or3A_185 = arith.ori %or3A_175, %eq3A_184 : vector<1250x128xi1>
    %get3A_186 = arith.constant 0 : index
    %get3A_187 = arith.constant 18 : index
    %get3A_188 = vector.load %arg3[%get3A_186, %get3A_187] : memref<1x32xi32, #tpu.memory_space<vmem>>, vector<1x1xi32>
    %get3A_189 = vector.extract %get3A_188[0, 0] : i32 from vector<1x1xi32>
    %eq3A_190 = vector.broadcast %get3A_189 : i32 to vector<1250x128xi32>
    %eq3A_191 = arith.cmpi eq, %get3A_1, %eq3A_190 : vector<1250x128xi32>
    %or3A_192 = arith.ori %or3A_182, %eq3A_191 : vector<1250x128xi1>
    %eq3A_193 = vector.broadcast %get3A_189 : i32 to vector<1250x128xi32>
    %eq3A_194 = arith.cmpi eq, %get3A_4, %eq3A_193 : vector<1250x128xi32>
    %or3A_195 = arith.ori %or3A_185, %eq3A_194 : vector<1250x128xi1>
    %get3A_196 = arith.constant 0 : index
    %get3A_197 = arith.constant 19 : index
    %get3A_198 = vector.load %arg3[%get3A_196, %get3A_197] : memref<1x32xi32, #tpu.memory_space<vmem>>, vector<1x1xi32>
    %get3A_199 = vector.extract %get3A_198[0, 0] : i32 from vector<1x1xi32>
    %eq3A_200 = vector.broadcast %get3A_199 : i32 to vector<1250x128xi32>
    %eq3A_201 = arith.cmpi eq, %get3A_1, %eq3A_200 : vector<1250x128xi32>
    %or3A_202 = arith.ori %or3A_192, %eq3A_201 : vector<1250x128xi1>
    %eq3A_203 = vector.broadcast %get3A_199 : i32 to vector<1250x128xi32>
    %eq3A_204 = arith.cmpi eq, %get3A_4, %eq3A_203 : vector<1250x128xi32>
    %or3A_205 = arith.ori %or3A_195, %eq3A_204 : vector<1250x128xi1>
    %get3A_206 = arith.constant 0 : index
    %get3A_207 = arith.constant 20 : index
    %get3A_208 = vector.load %arg3[%get3A_206, %get3A_207] : memref<1x32xi32, #tpu.memory_space<vmem>>, vector<1x1xi32>
    %get3A_209 = vector.extract %get3A_208[0, 0] : i32 from vector<1x1xi32>
    %eq3A_210 = vector.broadcast %get3A_209 : i32 to vector<1250x128xi32>
    %eq3A_211 = arith.cmpi eq, %get3A_1, %eq3A_210 : vector<1250x128xi32>
    %or3A_212 = arith.ori %or3A_202, %eq3A_211 : vector<1250x128xi1>
    %eq3A_213 = vector.broadcast %get3A_209 : i32 to vector<1250x128xi32>
    %eq3A_214 = arith.cmpi eq, %get3A_4, %eq3A_213 : vector<1250x128xi32>
    %or3A_215 = arith.ori %or3A_205, %eq3A_214 : vector<1250x128xi1>
    %get3A_216 = arith.constant 0 : index
    %get3A_217 = arith.constant 21 : index
    %get3A_218 = vector.load %arg3[%get3A_216, %get3A_217] : memref<1x32xi32, #tpu.memory_space<vmem>>, vector<1x1xi32>
    %get3A_219 = vector.extract %get3A_218[0, 0] : i32 from vector<1x1xi32>
    %eq3A_220 = vector.broadcast %get3A_219 : i32 to vector<1250x128xi32>
    %eq3A_221 = arith.cmpi eq, %get3A_1, %eq3A_220 : vector<1250x128xi32>
    %or3A_222 = arith.ori %or3A_212, %eq3A_221 : vector<1250x128xi1>
    %eq3A_223 = vector.broadcast %get3A_219 : i32 to vector<1250x128xi32>
    %eq3A_224 = arith.cmpi eq, %get3A_4, %eq3A_223 : vector<1250x128xi32>
    %or3A_225 = arith.ori %or3A_215, %eq3A_224 : vector<1250x128xi1>
    %get3A_226 = arith.constant 0 : index
    %get3A_227 = arith.constant 22 : index
    %get3A_228 = vector.load %arg3[%get3A_226, %get3A_227] : memref<1x32xi32, #tpu.memory_space<vmem>>, vector<1x1xi32>
    %get3A_229 = vector.extract %get3A_228[0, 0] : i32 from vector<1x1xi32>
    %eq3A_230 = vector.broadcast %get3A_229 : i32 to vector<1250x128xi32>
    %eq3A_231 = arith.cmpi eq, %get3A_1, %eq3A_230 : vector<1250x128xi32>
    %or3A_232 = arith.ori %or3A_222, %eq3A_231 : vector<1250x128xi1>
    %eq3A_233 = vector.broadcast %get3A_229 : i32 to vector<1250x128xi32>
    %eq3A_234 = arith.cmpi eq, %get3A_4, %eq3A_233 : vector<1250x128xi32>
    %or3A_235 = arith.ori %or3A_225, %eq3A_234 : vector<1250x128xi1>
    %get3A_236 = arith.constant 0 : index
    %get3A_237 = arith.constant 23 : index
    %get3A_238 = vector.load %arg3[%get3A_236, %get3A_237] : memref<1x32xi32, #tpu.memory_space<vmem>>, vector<1x1xi32>
    %get3A_239 = vector.extract %get3A_238[0, 0] : i32 from vector<1x1xi32>
    %eq3A_240 = vector.broadcast %get3A_239 : i32 to vector<1250x128xi32>
    %eq3A_241 = arith.cmpi eq, %get3A_1, %eq3A_240 : vector<1250x128xi32>
    %or3A_242 = arith.ori %or3A_232, %eq3A_241 : vector<1250x128xi1>
    %eq3A_243 = vector.broadcast %get3A_239 : i32 to vector<1250x128xi32>
    %eq3A_244 = arith.cmpi eq, %get3A_4, %eq3A_243 : vector<1250x128xi32>
    %or3A_245 = arith.ori %or3A_235, %eq3A_244 : vector<1250x128xi1>
    %get3A_246 = arith.constant 0 : index
    %get3A_247 = arith.constant 24 : index
    %get3A_248 = vector.load %arg3[%get3A_246, %get3A_247] : memref<1x32xi32, #tpu.memory_space<vmem>>, vector<1x1xi32>
    %get3A_249 = vector.extract %get3A_248[0, 0] : i32 from vector<1x1xi32>
    %eq3A_250 = vector.broadcast %get3A_249 : i32 to vector<1250x128xi32>
    %eq3A_251 = arith.cmpi eq, %get3A_1, %eq3A_250 : vector<1250x128xi32>
    %or3A_252 = arith.ori %or3A_242, %eq3A_251 : vector<1250x128xi1>
    %eq3A_253 = vector.broadcast %get3A_249 : i32 to vector<1250x128xi32>
    %eq3A_254 = arith.cmpi eq, %get3A_4, %eq3A_253 : vector<1250x128xi32>
    %or3A_255 = arith.ori %or3A_245, %eq3A_254 : vector<1250x128xi1>
    %get3A_256 = arith.constant 0 : index
    %get3A_257 = arith.constant 25 : index
    %get3A_258 = vector.load %arg3[%get3A_256, %get3A_257] : memref<1x32xi32, #tpu.memory_space<vmem>>, vector<1x1xi32>
    %get3A_259 = vector.extract %get3A_258[0, 0] : i32 from vector<1x1xi32>
    %eq3A_260 = vector.broadcast %get3A_259 : i32 to vector<1250x128xi32>
    %eq3A_261 = arith.cmpi eq, %get3A_1, %eq3A_260 : vector<1250x128xi32>
    %or3A_262 = arith.ori %or3A_252, %eq3A_261 : vector<1250x128xi1>
    %eq3A_263 = vector.broadcast %get3A_259 : i32 to vector<1250x128xi32>
    %eq3A_264 = arith.cmpi eq, %get3A_4, %eq3A_263 : vector<1250x128xi32>
    %or3A_265 = arith.ori %or3A_255, %eq3A_264 : vector<1250x128xi1>
    %get3A_266 = arith.constant 0 : index
    %get3A_267 = arith.constant 26 : index
    %get3A_268 = vector.load %arg3[%get3A_266, %get3A_267] : memref<1x32xi32, #tpu.memory_space<vmem>>, vector<1x1xi32>
    %get3A_269 = vector.extract %get3A_268[0, 0] : i32 from vector<1x1xi32>
    %eq3A_270 = vector.broadcast %get3A_269 : i32 to vector<1250x128xi32>
    %eq3A_271 = arith.cmpi eq, %get3A_1, %eq3A_270 : vector<1250x128xi32>
    %or3A_272 = arith.ori %or3A_262, %eq3A_271 : vector<1250x128xi1>
    %eq3A_273 = vector.broadcast %get3A_269 : i32 to vector<1250x128xi32>
    %eq3A_274 = arith.cmpi eq, %get3A_4, %eq3A_273 : vector<1250x128xi32>
    %or3A_275 = arith.ori %or3A_265, %eq3A_274 : vector<1250x128xi1>
    %get3A_276 = arith.constant 0 : index
    %get3A_277 = arith.constant 27 : index
    %get3A_278 = vector.load %arg3[%get3A_276, %get3A_277] : memref<1x32xi32, #tpu.memory_space<vmem>>, vector<1x1xi32>
    %get3A_279 = vector.extract %get3A_278[0, 0] : i32 from vector<1x1xi32>
    %eq3A_280 = vector.broadcast %get3A_279 : i32 to vector<1250x128xi32>
    %eq3A_281 = arith.cmpi eq, %get3A_1, %eq3A_280 : vector<1250x128xi32>
    %or3A_282 = arith.ori %or3A_272, %eq3A_281 : vector<1250x128xi1>
    %eq3A_283 = vector.broadcast %get3A_279 : i32 to vector<1250x128xi32>
    %eq3A_284 = arith.cmpi eq, %get3A_4, %eq3A_283 : vector<1250x128xi32>
    %or3A_285 = arith.ori %or3A_275, %eq3A_284 : vector<1250x128xi1>
    %get3A_286 = arith.constant 0 : index
    %get3A_287 = arith.constant 28 : index
    %get3A_288 = vector.load %arg3[%get3A_286, %get3A_287] : memref<1x32xi32, #tpu.memory_space<vmem>>, vector<1x1xi32>
    %get3A_289 = vector.extract %get3A_288[0, 0] : i32 from vector<1x1xi32>
    %eq3A_290 = vector.broadcast %get3A_289 : i32 to vector<1250x128xi32>
    %eq3A_291 = arith.cmpi eq, %get3A_1, %eq3A_290 : vector<1250x128xi32>
    %or3A_292 = arith.ori %or3A_282, %eq3A_291 : vector<1250x128xi1>
    %eq3A_293 = vector.broadcast %get3A_289 : i32 to vector<1250x128xi32>
    %eq3A_294 = arith.cmpi eq, %get3A_4, %eq3A_293 : vector<1250x128xi32>
    %or3A_295 = arith.ori %or3A_285, %eq3A_294 : vector<1250x128xi1>
    %get3A_296 = arith.constant 0 : index
    %get3A_297 = arith.constant 29 : index
    %get3A_298 = vector.load %arg3[%get3A_296, %get3A_297] : memref<1x32xi32, #tpu.memory_space<vmem>>, vector<1x1xi32>
    %get3A_299 = vector.extract %get3A_298[0, 0] : i32 from vector<1x1xi32>
    %eq3A_300 = vector.broadcast %get3A_299 : i32 to vector<1250x128xi32>
    %eq3A_301 = arith.cmpi eq, %get3A_1, %eq3A_300 : vector<1250x128xi32>
    %or3A_302 = arith.ori %or3A_292, %eq3A_301 : vector<1250x128xi1>
    %eq3A_303 = vector.broadcast %get3A_299 : i32 to vector<1250x128xi32>
    %eq3A_304 = arith.cmpi eq, %get3A_4, %eq3A_303 : vector<1250x128xi32>
    %or3A_305 = arith.ori %or3A_295, %eq3A_304 : vector<1250x128xi1>
    %get3A_306 = arith.constant 0 : index
    %get3A_307 = arith.constant 30 : index
    %get3A_308 = vector.load %arg3[%get3A_306, %get3A_307] : memref<1x32xi32, #tpu.memory_space<vmem>>, vector<1x1xi32>
    %get3A_309 = vector.extract %get3A_308[0, 0] : i32 from vector<1x1xi32>
    %eq3A_310 = vector.broadcast %get3A_309 : i32 to vector<1250x128xi32>
    %eq3A_311 = arith.cmpi eq, %get3A_1, %eq3A_310 : vector<1250x128xi32>
    %or3A_312 = arith.ori %or3A_302, %eq3A_311 : vector<1250x128xi1>
    %eq3A_313 = vector.broadcast %get3A_309 : i32 to vector<1250x128xi32>
    %eq3A_314 = arith.cmpi eq, %get3A_4, %eq3A_313 : vector<1250x128xi32>
    %or3A_315 = arith.ori %or3A_305, %eq3A_314 : vector<1250x128xi1>
    %get3A_316 = arith.constant 0 : index
    %get3A_317 = arith.constant 31 : index
    %get3A_318 = vector.load %arg3[%get3A_316, %get3A_317] : memref<1x32xi32, #tpu.memory_space<vmem>>, vector<1x1xi32>
    %get3A_319 = vector.extract %get3A_318[0, 0] : i32 from vector<1x1xi32>
    %eq3A_320 = vector.broadcast %get3A_319 : i32 to vector<1250x128xi32>
    %eq3A_321 = arith.cmpi eq, %get3A_1, %eq3A_320 : vector<1250x128xi32>
    %or3A_322 = arith.ori %or3A_312, %eq3A_321 : vector<1250x128xi1>
    %eq3A_323 = vector.broadcast %get3A_319 : i32 to vector<1250x128xi32>
    %eq3A_324 = arith.cmpi eq, %get3A_4, %eq3A_323 : vector<1250x128xi32>
    %or3A_325 = arith.ori %or3A_315, %eq3A_324 : vector<1250x128xi1>
    %reduce_or3A = arith.constant 1.000000e+00 : f32
    %reduce_or3A_326 = arith.constant 0.000000e+00 : f32
    %reduce_or3A_327 = vector.broadcast %reduce_or3A : f32 to vector<1250x128xf32>
    %reduce_or3A_328 = vector.broadcast %reduce_or3A_326 : f32 to vector<1250x128xf32>
    %reduce_or3A_329 = arith.select %or3A_322, %reduce_or3A_327, %reduce_or3A_328 : vector<1250x128xi1>, vector<1250x128xf32>
    %reduce_or3A_330 = arith.constant dense<0xFF800000> : vector<1250xf32>
    %reduce_or3A_331 = vector.multi_reduction <maximumf>, %reduce_or3A_329, %reduce_or3A_330 [1] : vector<1250x128xf32> to vector<1250xf32>
    %reduce_or3A_332 = arith.constant 0.000000e+00 : f32
    %reduce_or3A_333 = vector.broadcast %reduce_or3A_332 : f32 to vector<1250xf32>
    %reduce_or3A_334 = arith.cmpf ogt, %reduce_or3A_331, %reduce_or3A_333 : vector<1250xf32>
    %broadcast_in_dim3A_335 = vector.shape_cast %reduce_or3A_334 : vector<1250xi1> to vector<1250x1xi1>
    %convert_element_type3A = arith.extui %broadcast_in_dim3A_335 : vector<1250x1xi1> to vector<1250x1xi32>
    %reduce_or3A_336 = arith.constant 1.000000e+00 : f32
    %reduce_or3A_337 = arith.constant 0.000000e+00 : f32
    %reduce_or3A_338 = vector.broadcast %reduce_or3A_336 : f32 to vector<1250x128xf32>
    %reduce_or3A_339 = vector.broadcast %reduce_or3A_337 : f32 to vector<1250x128xf32>
    %reduce_or3A_340 = arith.select %or3A_325, %reduce_or3A_338, %reduce_or3A_339 : vector<1250x128xi1>, vector<1250x128xf32>
    %reduce_or3A_341 = arith.constant dense<0xFF800000> : vector<1250xf32>
    %reduce_or3A_342 = vector.multi_reduction <maximumf>, %reduce_or3A_340, %reduce_or3A_341 [1] : vector<1250x128xf32> to vector<1250xf32>
    %reduce_or3A_343 = arith.constant 0.000000e+00 : f32
    %reduce_or3A_344 = vector.broadcast %reduce_or3A_343 : f32 to vector<1250xf32>
    %reduce_or3A_345 = arith.cmpf ogt, %reduce_or3A_342, %reduce_or3A_344 : vector<1250xf32>
    %broadcast_in_dim3A_346 = vector.shape_cast %reduce_or3A_345 : vector<1250xi1> to vector<1250x1xi1>
    %convert_element_type3A_347 = arith.extui %broadcast_in_dim3A_346 : vector<1250x1xi1> to vector<1250x1xi32>
    %mul3A = arith.constant 2 : i32
    %mul3A_348 = vector.broadcast %mul3A : i32 to vector<1250x1xi32>
    %mul3A_349 = arith.muli %mul3A_348, %convert_element_type3A_347 : vector<1250x1xi32>
    %add3A = arith.addi %convert_element_type3A, %mul3A_349 : vector<1250x1xi32>
    %broadcast_in_dim3A_350 = vector.shape_cast %add3A : vector<1250x1xi32> to vector<1250x1xi32>
    %broadcast_in_dim3A_351 = vector.broadcast %broadcast_in_dim3A_350 : vector<1250x1xi32> to vector<1250x128xi32>
    %swap3A = arith.constant 0 : index
    %swap3A_352 = arith.constant 0 : index
    %swap3A_353 = vector.load %arg4[%swap3A, %swap3A_352] : memref<1250x128xi32, #tpu.memory_space<vmem>>, vector<1250x128xi32>
    tpu.vector_store %arg4[%swap3A, %swap3A_352], %broadcast_in_dim3A_351 {strides = array<i32>} : memref<1250x128xi32, #tpu.memory_space<vmem>>, vector<1250x128xi32>,
    return
  }
  func.func @transform_0(%arg0: i32) -> (i32, i32) {
    %c0_i32 = arith.constant 0 : i32
    %c0_i32_0 = arith.constant 0 : i32
    %c0_i32_1 = arith.constant 0 : i32
    return %c0_i32, %c0_i32_0 : i32, i32
  }
  func.func @transform_1(%arg0: i32) -> (i32, i32) {
    %c0_i32 = arith.constant 0 : i32
    %c0_i32_0 = arith.constant 0 : i32
    %c0_i32_1 = arith.constant 0 : i32
    return %c0_i32, %c0_i32_0 : i32, i32
  }
  func.func @transform_2(%arg0: i32) -> (i32, i32) {
    %c0_i32 = arith.constant 0 : i32
    %c0_i32_0 = arith.constant 0 : i32
    %c0_i32_1 = arith.constant 0 : i32
    return %c0_i32, %c0_i32_0 : i32, i32
  }
  func.func @transform_3(%arg0: i32) -> (i32, i32) {
    %c0_i32 = arith.constant 0 : i32
    %c0_i32_0 = arith.constant 0 : i32
    %c0_i32_1 = arith.constant 0 : i32
    return %c0_i32, %c0_i32_0 : i32, i32
  }
}

module attributes {stable_mosaic.version = 14 : i64} {
  func.func @_mmtab_body(%arg0: i32, %arg1: memref<1000x128xf32, #tpu.memory_space<vmem>>, %arg2: memref<128x128xf32, #tpu.memory_space<vmem>>, %arg3: memref<1x128xf32, #tpu.memory_space<vmem>>, %arg4: memref<1x32xi32, #tpu.memory_space<vmem>>, %arg5: memref<1000x128xf32, #tpu.memory_space<vmem>>, %arg6: memref<1000x128xf32, #tpu.memory_space<vmem>>, %arg7: memref<1000x128xf32, #tpu.memory_space<vmem>>) attributes {dimension_semantics = [#tpu.dimension_semantics<arbitrary>], iteration_bounds = array<i64: 10>, scalar_prefetch = 0 : i64, scratch_operands = 0 : i64, tpu.core_type = #tpu.core_type<tc>, window_params = [{transform_indices = @transform_0, window_bounds = array<i64: 1000, 128>}, {pipeline_mode = #tpu.pipeline_mode<synchronous>, transform_indices = @transform_1, window_bounds = array<i64: 128, 128>}, {pipeline_mode = #tpu.pipeline_mode<synchronous>, transform_indices = @transform_2, window_bounds = array<i64: 1, 128>}, {pipeline_mode = #tpu.pipeline_mode<synchronous>, transform_indices = @transform_3, window_bounds = array<i64: 1, 32>}, {transform_indices = @transform_4, window_bounds = array<i64: 1000, 128>}, {transform_indices = @transform_5, window_bounds = array<i64: 1000, 128>}, {transform_indices = @transform_6, window_bounds = array<i64: 1000, 128>}]} {
    %get3A = arith.constant 0 : index
    %get3A_0 = arith.constant 0 : index
    %get3A_1 = vector.load %arg1[%get3A, %get3A_0] : memref<1000x128xf32, #tpu.memory_space<vmem>>, vector<1000x128xf32>
    %get3A_2 = arith.constant 0 : index
    %get3A_3 = arith.constant 0 : index
    %get3A_4 = vector.load %arg2[%get3A_2, %get3A_3] : memref<128x128xf32, #tpu.memory_space<vmem>>, vector<128x128xf32>
    %dot_general3A = arith.constant dense<0.000000e+00> : vector<1000x128xf32>
    %dot_general3A_5 = tpu.matmul %get3A_1, %get3A_4, %dot_general3A {dimension_numbers = #tpu.dot_dimension_numbers<[1], [0], [0], [1], [0, 0, 1, 1], [], []>, transpose_lhs_hint = false} : vector<1000x128xf32>, vector<128x128xf32>, vector<1000x128xf32> -> vector<1000x128xf32>
    %get3A_6 = arith.constant 0 : index
    %get3A_7 = arith.constant 0 : index
    %get3A_8 = vector.load %arg3[%get3A_6, %get3A_7] : memref<1x128xf32, #tpu.memory_space<vmem>>, vector<1x128xf32>
    %add3A = vector.broadcast %get3A_8 : vector<1x128xf32> to vector<1000x128xf32>
    %add3A_9 = arith.addf %dot_general3A_5, %add3A : vector<1000x128xf32>
    %swap3A = arith.constant 0 : index
    %swap3A_10 = arith.constant 0 : index
    %swap3A_11 = vector.load %arg5[%swap3A, %swap3A_10] : memref<1000x128xf32, #tpu.memory_space<vmem>>, vector<1000x128xf32>
    tpu.vector_store %arg5[%swap3A, %swap3A_10], %add3A_9 {strides = array<i32>} : memref<1000x128xf32, #tpu.memory_space<vmem>>, vector<1000x128xf32>,
    %mul3A = arith.constant 1000 : i32
    %mul3A_12 = arith.muli %arg0, %mul3A : i32
    %iota3A = tpu.iota {dimensions = array<i32: 0>} : vector<1000x32xi32>
    %add3A_13 = vector.broadcast %mul3A_12 : i32 to vector<1000x32xi32>
    %add3A_14 = arith.addi %add3A_13, %iota3A : vector<1000x32xi32>
    %get3A_15 = arith.constant 0 : index
    %get3A_16 = arith.constant 0 : index
    %get3A_17 = vector.load %arg4[%get3A_15, %get3A_16] : memref<1x32xi32, #tpu.memory_space<vmem>>, vector<1x32xi32>
    %eq3A = vector.broadcast %get3A_17 : vector<1x32xi32> to vector<1000x32xi32>
    %eq3A_18 = arith.cmpi eq, %add3A_14, %eq3A : vector<1000x32xi32>
    %convert_element_type3A = arith.extui %eq3A_18 : vector<1000x32xi1> to vector<1000x32xi32>
    %convert_element_type3A_19 = arith.sitofp %convert_element_type3A : vector<1000x32xi32> to vector<1000x32xf32>
    %broadcast_in_dim3A = arith.constant 0.000000e+00 : f32
    %broadcast_in_dim3A_20 = vector.broadcast %broadcast_in_dim3A : f32 to vector<1000x32xf32>
    %broadcast_in_dim3A_21 = arith.constant 0.000000e+00 : f32
    %broadcast_in_dim3A_22 = vector.broadcast %broadcast_in_dim3A_21 : f32 to vector<1000x64xf32>
    %concatenate3A = tpu.concatenate %convert_element_type3A_19, %broadcast_in_dim3A_20, %broadcast_in_dim3A_22 in 1 : vector<1000x32xf32>, vector<1000x32xf32>, vector<1000x64xf32> -> vector<1000x128xf32>
    %swap3A_23 = arith.constant 0 : index
    %swap3A_24 = arith.constant 0 : index
    %swap3A_25 = vector.load %arg6[%swap3A_23, %swap3A_24] : memref<1000x128xf32, #tpu.memory_space<vmem>>, vector<1000x128xf32>
    tpu.vector_store %arg6[%swap3A_23, %swap3A_24], %concatenate3A {strides = array<i32>} : memref<1000x128xf32, #tpu.memory_space<vmem>>, vector<1000x128xf32>,
    %concatenate3A_26 = tpu.concatenate %broadcast_in_dim3A_20, %convert_element_type3A_19, %broadcast_in_dim3A_22 in 1 : vector<1000x32xf32>, vector<1000x32xf32>, vector<1000x64xf32> -> vector<1000x128xf32>
    %swap3A_27 = arith.constant 0 : index
    %swap3A_28 = arith.constant 0 : index
    %swap3A_29 = vector.load %arg7[%swap3A_27, %swap3A_28] : memref<1000x128xf32, #tpu.memory_space<vmem>>, vector<1000x128xf32>
    tpu.vector_store %arg7[%swap3A_27, %swap3A_28], %concatenate3A_26 {strides = array<i32>} : memref<1000x128xf32, #tpu.memory_space<vmem>>, vector<1000x128xf32>,
    return
  }
  func.func @transform_0(%arg0: i32) -> (i32, i32) {
    %c0_i32 = arith.constant 0 : i32
    %c0_i32_0 = arith.constant 0 : i32
    return %arg0, %c0_i32 : i32, i32
  }
  func.func @transform_1(%arg0: i32) -> (i32, i32) {
    %c0_i32 = arith.constant 0 : i32
    %c0_i32_0 = arith.constant 0 : i32
    %c0_i32_1 = arith.constant 0 : i32
    return %c0_i32, %c0_i32_0 : i32, i32
  }
  func.func @transform_2(%arg0: i32) -> (i32, i32) {
    %c0_i32 = arith.constant 0 : i32
    %c0_i32_0 = arith.constant 0 : i32
    %c0_i32_1 = arith.constant 0 : i32
    return %c0_i32, %c0_i32_0 : i32, i32
  }
  func.func @transform_3(%arg0: i32) -> (i32, i32) {
    %c0_i32 = arith.constant 0 : i32
    %c0_i32_0 = arith.constant 0 : i32
    %c0_i32_1 = arith.constant 0 : i32
    return %c0_i32, %c0_i32_0 : i32, i32
  }
  func.func @transform_4(%arg0: i32) -> (i32, i32) {
    %c0_i32 = arith.constant 0 : i32
    %c0_i32_0 = arith.constant 0 : i32
    return %arg0, %c0_i32 : i32, i32
  }
  func.func @transform_5(%arg0: i32) -> (i32, i32) {
    %c0_i32 = arith.constant 0 : i32
    %c0_i32_0 = arith.constant 0 : i32
    return %arg0, %c0_i32 : i32, i32
  }
  func.func @transform_6(%arg0: i32) -> (i32, i32) {
    %c0_i32 = arith.constant 0 : i32
    %c0_i32_0 = arith.constant 0 : i32
    return %arg0, %c0_i32 : i32, i32
  }
}

module attributes {stable_mosaic.version = 14 : i64} {
  func.func @_mc_body(%arg0: i32, %arg1: memref<1000x128xf32, #tpu.memory_space<vmem>>, %arg2: memref<2x1000x128xf32, #tpu.memory_space<vmem>>, %arg3: memref<2x1000x128xf32, #tpu.memory_space<vmem>>, %arg4: memref<1000x128xf32, #tpu.memory_space<vmem>>, %arg5: memref<128x128xf32, #tpu.memory_space<vmem>>, %arg6: memref<32x128xf32, #tpu.memory_space<vmem>>, %arg7: memref<32x128xf32, #tpu.memory_space<vmem>>, %arg8: memref<32x128xf32, #tpu.memory_space<vmem>>, %arg9: memref<32x32xf32, #tpu.memory_space<vmem>>, %arg10: memref<32x32xf32, #tpu.memory_space<vmem>>, %arg11: memref<1x32xf32, #tpu.memory_space<vmem>>, %arg12: memref<32x128xf32, #tpu.memory_space<vmem>>, %arg13: memref<32x128xf32, #tpu.memory_space<vmem>>, %arg14: memref<32x32xf32, #tpu.memory_space<vmem>>, %arg15: memref<32x32xf32, #tpu.memory_space<vmem>>, %arg16: memref<1x32xf32, #tpu.memory_space<vmem>>) attributes {dimension_semantics = [#tpu.dimension_semantics<arbitrary>], iteration_bounds = array<i64: 10>, scalar_prefetch = 0 : i64, scratch_operands = 5 : i64, tpu.core_type = #tpu.core_type<tc>, window_params = [{transform_indices = @transform_0, window_bounds = array<i64: 1000, 128>}, {transform_indices = @transform_1, window_bounds = array<i64: 2, 1000, 128>}, {transform_indices = @transform_2, window_bounds = array<i64: 2, 1000, 128>}, {transform_indices = @transform_3, window_bounds = array<i64: 1000, 128>}, {pipeline_mode = #tpu.pipeline_mode<synchronous>, transform_indices = @transform_4, window_bounds = array<i64: 128, 128>}, {pipeline_mode = #tpu.pipeline_mode<synchronous>, transform_indices = @transform_5, window_bounds = array<i64: 32, 128>}, {pipeline_mode = #tpu.pipeline_mode<synchronous>, transform_indices = @transform_6, window_bounds = array<i64: 32, 128>}, {pipeline_mode = #tpu.pipeline_mode<synchronous>, transform_indices = @transform_7, window_bounds = array<i64: 32, 128>}, {pipeline_mode = #tpu.pipeline_mode<synchronous>, transform_indices = @transform_8, window_bounds = array<i64: 32, 32>}, {pipeline_mode = #tpu.pipeline_mode<synchronous>, transform_indices = @transform_9, window_bounds = array<i64: 32, 32>}, {pipeline_mode = #tpu.pipeline_mode<synchronous>, transform_indices = @transform_10, window_bounds = array<i64: 1, 32>}]} {
    %eq3A = arith.constant 0 : i32
    %eq3A_0 = arith.cmpi eq, %arg0, %eq3A : i32
    %convert_element_type3A = arith.extui %eq3A_0 : i1 to i32
    %cond3A = arith.constant 0 : i32
    %cond3A_1 = arith.cmpi ne, %convert_element_type3A, %cond3A : i32
    scf.if %cond3A_1 {
      %broadcast_in_dim3A_536 = arith.constant 0.000000e+00 : f32
      %broadcast_in_dim3A_537 = vector.broadcast %broadcast_in_dim3A_536 : f32 to vector<32x128xf32>
      %swap3A_538 = arith.constant 0 : index
      %swap3A_539 = arith.constant 0 : index
      %swap3A_540 = vector.load %arg12[%swap3A_538, %swap3A_539] : memref<32x128xf32, #tpu.memory_space<vmem>>, vector<32x128xf32>
      tpu.vector_store %arg12[%swap3A_538, %swap3A_539], %broadcast_in_dim3A_537 {strides = array<i32>} : memref<32x128xf32, #tpu.memory_space<vmem>>, vector<32x128xf32>,
      %broadcast_in_dim3A_541 = arith.constant 0.000000e+00 : f32
      %broadcast_in_dim3A_542 = vector.broadcast %broadcast_in_dim3A_541 : f32 to vector<32x128xf32>
      %swap3A_543 = arith.constant 0 : index
      %swap3A_544 = arith.constant 0 : index
      %swap3A_545 = vector.load %arg13[%swap3A_543, %swap3A_544] : memref<32x128xf32, #tpu.memory_space<vmem>>, vector<32x128xf32>
      tpu.vector_store %arg13[%swap3A_543, %swap3A_544], %broadcast_in_dim3A_542 {strides = array<i32>} : memref<32x128xf32, #tpu.memory_space<vmem>>, vector<32x128xf32>,
      %broadcast_in_dim3A_546 = arith.constant 0.000000e+00 : f32
      %broadcast_in_dim3A_547 = vector.broadcast %broadcast_in_dim3A_546 : f32 to vector<32x32xf32>
      %swap3A_548 = arith.constant 0 : index
      %swap3A_549 = arith.constant 0 : index
      %swap3A_550 = vector.load %arg14[%swap3A_548, %swap3A_549] : memref<32x32xf32, #tpu.memory_space<vmem>>, vector<32x32xf32>
      tpu.vector_store %arg14[%swap3A_548, %swap3A_549], %broadcast_in_dim3A_547 {strides = array<i32>} : memref<32x32xf32, #tpu.memory_space<vmem>>, vector<32x32xf32>,
      %broadcast_in_dim3A_551 = arith.constant 0.000000e+00 : f32
      %broadcast_in_dim3A_552 = vector.broadcast %broadcast_in_dim3A_551 : f32 to vector<32x32xf32>
      %swap3A_553 = arith.constant 0 : index
      %swap3A_554 = arith.constant 0 : index
      %swap3A_555 = vector.load %arg15[%swap3A_553, %swap3A_554] : memref<32x32xf32, #tpu.memory_space<vmem>>, vector<32x32xf32>
      tpu.vector_store %arg15[%swap3A_553, %swap3A_554], %broadcast_in_dim3A_552 {strides = array<i32>} : memref<32x32xf32, #tpu.memory_space<vmem>>, vector<32x32xf32>,
      %broadcast_in_dim3A_556 = arith.constant 0.000000e+00 : f32
      %broadcast_in_dim3A_557 = vector.broadcast %broadcast_in_dim3A_556 : f32 to vector<1x32xf32>
      %swap3A_558 = arith.constant 0 : index
      %swap3A_559 = arith.constant 0 : index
      %swap3A_560 = vector.load %arg16[%swap3A_558, %swap3A_559] : memref<1x32xf32, #tpu.memory_space<vmem>>, vector<1x32xf32>
      tpu.vector_store %arg16[%swap3A_558, %swap3A_559], %broadcast_in_dim3A_557 {strides = array<i32>} : memref<1x32xf32, #tpu.memory_space<vmem>>, vector<1x32xf32>,
    } else {
    }
    %get3A = arith.constant 0 : index
    %get3A_2 = arith.constant 0 : index
    %get3A_3 = vector.load %arg1[%get3A, %get3A_2] : memref<1000x128xf32, #tpu.memory_space<vmem>>, vector<1000x128xf32>
    %get3A_4 = arith.constant 0 : index
    %get3A_5 = arith.constant 0 : index
    %get3A_6 = arith.constant 0 : index
    %get3A_7 = vector.load %arg2[%get3A_4, %get3A_5, %get3A_6] : memref<2x1000x128xf32, #tpu.memory_space<vmem>>, vector<1x1000x128xf32>
    %get3A_8 = vector.shape_cast %get3A_7 : vector<1x1000x128xf32> to vector<1000x128xf32>
    %add3A = arith.addf %get3A_3, %get3A_8 : vector<1000x128xf32>
    %get3A_9 = arith.constant 1 : index
    %get3A_10 = arith.constant 0 : index
    %get3A_11 = arith.constant 0 : index
    %get3A_12 = vector.load %arg2[%get3A_9, %get3A_10, %get3A_11] : memref<2x1000x128xf32, #tpu.memory_space<vmem>>, vector<1x1000x128xf32>
    %get3A_13 = vector.shape_cast %get3A_12 : vector<1x1000x128xf32> to vector<1000x128xf32>
    %add3A_14 = arith.addf %add3A, %get3A_13 : vector<1000x128xf32>
    %get3A_15 = arith.constant 0 : index
    %get3A_16 = arith.constant 0 : index
    %get3A_17 = vector.load %arg5[%get3A_15, %get3A_16] : memref<128x128xf32, #tpu.memory_space<vmem>>, vector<128x128xf32>
    %dot_general3A = arith.constant dense<0.000000e+00> : vector<1000x128xf32>
    %dot_general3A_18 = tpu.matmul %add3A_14, %get3A_17, %dot_general3A {dimension_numbers = #tpu.dot_dimension_numbers<[1], [0], [0], [1], [0, 0, 1, 1], [], []>, transpose_lhs_hint = false} : vector<1000x128xf32>, vector<128x128xf32>, vector<1000x128xf32> -> vector<1000x128xf32>
    %get3A_19 = arith.constant 0 : index
    %get3A_20 = arith.constant 0 : index
    %get3A_21 = arith.constant 0 : index
    %get3A_22 = vector.load %arg3[%get3A_19, %get3A_20, %get3A_21] : memref<2x1000x128xf32, #tpu.memory_space<vmem>>, vector<1x1000x128xf32>
    %get3A_23 = vector.shape_cast %get3A_22 : vector<1x1000x128xf32> to vector<1000x128xf32>
    %get3A_24 = arith.constant 1 : index
    %get3A_25 = arith.constant 0 : index
    %get3A_26 = arith.constant 0 : index
    %get3A_27 = vector.load %arg3[%get3A_24, %get3A_25, %get3A_26] : memref<2x1000x128xf32, #tpu.memory_space<vmem>>, vector<1x1000x128xf32>
    %get3A_28 = vector.shape_cast %get3A_27 : vector<1x1000x128xf32> to vector<1000x128xf32>
    %add3A_29 = arith.addf %get3A_23, %get3A_28 : vector<1000x128xf32>
    %get3A_30 = arith.constant 0 : index
    %get3A_31 = arith.constant 0 : index
    %get3A_32 = vector.load %arg4[%get3A_30, %get3A_31] : memref<1000x128xf32, #tpu.memory_space<vmem>>, vector<1000x32xf32>
    %slice3A = vector.extract_strided_slice %add3A_29 {offsets = [0, 0], sizes = [1000, 32], strides = [1, 1]} : vector<1000x128xf32> to vector<1000x32xf32>
    %add3A_33 = arith.addf %slice3A, %get3A_32 : vector<1000x32xf32>
    %slice3A_34 = vector.extract_strided_slice %add3A_29 {offsets = [0, 32], sizes = [1000, 32], strides = [1, 1]} : vector<1000x128xf32> to vector<1000x32xf32>
    %slice3A_35 = vector.extract_strided_slice %add3A_33 {offsets = [0, 0], sizes = [1000, 1], strides = [1, 1]} : vector<1000x32xf32> to vector<1000x1xf32>
    %get3A_36 = arith.constant 0 : index
    %get3A_37 = arith.constant 0 : index
    %get3A_38 = vector.load %arg6[%get3A_36, %get3A_37] : memref<32x128xf32, #tpu.memory_space<vmem>>, vector<1x128xf32>
    %mul3A = vector.broadcast %slice3A_35 : vector<1000x1xf32> to vector<1000x128xf32>
    %mul3A_39 = vector.broadcast %get3A_38 : vector<1x128xf32> to vector<1000x128xf32>
    %mul3A_40 = arith.mulf %mul3A, %mul3A_39 : vector<1000x128xf32>
    %add3A_41 = arith.addf %dot_general3A_18, %mul3A_40 : vector<1000x128xf32>
    %slice3A_42 = vector.extract_strided_slice %add3A_33 {offsets = [0, 1], sizes = [1000, 1], strides = [1, 1]} : vector<1000x32xf32> to vector<1000x1xf32>
    %get3A_43 = arith.constant 1 : index
    %get3A_44 = arith.constant 0 : index
    %get3A_45 = vector.load %arg6[%get3A_43, %get3A_44] : memref<32x128xf32, #tpu.memory_space<vmem>>, vector<1x128xf32>
    %mul3A_46 = vector.broadcast %slice3A_42 : vector<1000x1xf32> to vector<1000x128xf32>
    %mul3A_47 = vector.broadcast %get3A_45 : vector<1x128xf32> to vector<1000x128xf32>
    %mul3A_48 = arith.mulf %mul3A_46, %mul3A_47 : vector<1000x128xf32>
    %add3A_49 = arith.addf %add3A_41, %mul3A_48 : vector<1000x128xf32>
    %max3A = arith.constant 0.000000e+00 : f32
    %max3A_50 = vector.broadcast %max3A : f32 to vector<1000x128xf32>
    %max3A_51 = arith.maximumf %add3A_49, %max3A_50 : vector<1000x128xf32>
    %get3A_52 = arith.constant 0 : index
    %get3A_53 = arith.constant 0 : index
    %get3A_54 = vector.load %arg12[%get3A_52, %get3A_53] : memref<32x128xf32, #tpu.memory_space<vmem>>, vector<2x128xf32>
    %slice3A_55 = vector.extract_strided_slice %slice3A_34 {offsets = [0, 0], sizes = [1000, 2], strides = [1, 1]} : vector<1000x32xf32> to vector<1000x2xf32>
    %dot_general3A_56 = arith.constant dense<0.000000e+00> : vector<2x128xf32>
    %dot_general3A_57 = tpu.matmul %slice3A_55, %max3A_51, %dot_general3A_56 {dimension_numbers = #tpu.dot_dimension_numbers<[0], [0], [1], [1], [0, 1, 1, 1], [], []>, transpose_lhs_hint = false} : vector<1000x2xf32>, vector<1000x128xf32>, vector<2x128xf32> -> vector<2x128xf32>
    %add3A_58 = arith.addf %get3A_54, %dot_general3A_57 : vector<2x128xf32>
    %swap3A = arith.constant 0 : index
    %swap3A_59 = arith.constant 0 : index
    %swap3A_60 = vector.load %arg12[%swap3A, %swap3A_59] : memref<32x128xf32, #tpu.memory_space<vmem>>, vector<2x128xf32>
    tpu.vector_store %arg12[%swap3A, %swap3A_59], %add3A_58 {strides = array<i32>} : memref<32x128xf32, #tpu.memory_space<vmem>>, vector<2x128xf32>,
    %slice3A_61 = vector.extract_strided_slice %add3A_33 {offsets = [0, 2], sizes = [1000, 1], strides = [1, 1]} : vector<1000x32xf32> to vector<1000x1xf32>
    %get3A_62 = arith.constant 2 : index
    %get3A_63 = arith.constant 0 : index
    %get3A_64 = vector.load %arg6[%get3A_62, %get3A_63] : memref<32x128xf32, #tpu.memory_space<vmem>>, vector<1x128xf32>
    %mul3A_65 = vector.broadcast %slice3A_61 : vector<1000x1xf32> to vector<1000x128xf32>
    %mul3A_66 = vector.broadcast %get3A_64 : vector<1x128xf32> to vector<1000x128xf32>
    %mul3A_67 = arith.mulf %mul3A_65, %mul3A_66 : vector<1000x128xf32>
    %add3A_68 = arith.addf %dot_general3A_18, %mul3A_67 : vector<1000x128xf32>
    %slice3A_69 = vector.extract_strided_slice %add3A_33 {offsets = [0, 3], sizes = [1000, 1], strides = [1, 1]} : vector<1000x32xf32> to vector<1000x1xf32>
    %get3A_70 = arith.constant 3 : index
    %get3A_71 = arith.constant 0 : index
    %get3A_72 = vector.load %arg6[%get3A_70, %get3A_71] : memref<32x128xf32, #tpu.memory_space<vmem>>, vector<1x128xf32>
    %mul3A_73 = vector.broadcast %slice3A_69 : vector<1000x1xf32> to vector<1000x128xf32>
    %mul3A_74 = vector.broadcast %get3A_72 : vector<1x128xf32> to vector<1000x128xf32>
    %mul3A_75 = arith.mulf %mul3A_73, %mul3A_74 : vector<1000x128xf32>
    %add3A_76 = arith.addf %add3A_68, %mul3A_75 : vector<1000x128xf32>
    %max3A_77 = arith.constant 0.000000e+00 : f32
    %max3A_78 = vector.broadcast %max3A_77 : f32 to vector<1000x128xf32>
    %max3A_79 = arith.maximumf %add3A_76, %max3A_78 : vector<1000x128xf32>
    %get3A_80 = arith.constant 2 : index
    %get3A_81 = arith.constant 0 : index
    %get3A_82 = vector.load %arg12[%get3A_80, %get3A_81] : memref<32x128xf32, #tpu.memory_space<vmem>>, vector<2x128xf32>
    %slice3A_83 = vector.extract_strided_slice %slice3A_34 {offsets = [0, 2], sizes = [1000, 2], strides = [1, 1]} : vector<1000x32xf32> to vector<1000x2xf32>
    %dot_general3A_84 = arith.constant dense<0.000000e+00> : vector<2x128xf32>
    %dot_general3A_85 = tpu.matmul %slice3A_83, %max3A_79, %dot_general3A_84 {dimension_numbers = #tpu.dot_dimension_numbers<[0], [0], [1], [1], [0, 1, 1, 1], [], []>, transpose_lhs_hint = false} : vector<1000x2xf32>, vector<1000x128xf32>, vector<2x128xf32> -> vector<2x128xf32>
    %add3A_86 = arith.addf %get3A_82, %dot_general3A_85 : vector<2x128xf32>
    %swap3A_87 = arith.constant 2 : index
    %swap3A_88 = arith.constant 0 : index
    %swap3A_89 = vector.load %arg12[%swap3A_87, %swap3A_88] : memref<32x128xf32, #tpu.memory_space<vmem>>, vector<2x128xf32>
    tpu.vector_store %arg12[%swap3A_87, %swap3A_88], %add3A_86 {strides = array<i32>} : memref<32x128xf32, #tpu.memory_space<vmem>>, vector<2x128xf32>,
    %slice3A_90 = vector.extract_strided_slice %add3A_33 {offsets = [0, 4], sizes = [1000, 1], strides = [1, 1]} : vector<1000x32xf32> to vector<1000x1xf32>
    %get3A_91 = arith.constant 4 : index
    %get3A_92 = arith.constant 0 : index
    %get3A_93 = vector.load %arg6[%get3A_91, %get3A_92] : memref<32x128xf32, #tpu.memory_space<vmem>>, vector<1x128xf32>
    %mul3A_94 = vector.broadcast %slice3A_90 : vector<1000x1xf32> to vector<1000x128xf32>
    %mul3A_95 = vector.broadcast %get3A_93 : vector<1x128xf32> to vector<1000x128xf32>
    %mul3A_96 = arith.mulf %mul3A_94, %mul3A_95 : vector<1000x128xf32>
    %add3A_97 = arith.addf %dot_general3A_18, %mul3A_96 : vector<1000x128xf32>
    %slice3A_98 = vector.extract_strided_slice %add3A_33 {offsets = [0, 5], sizes = [1000, 1], strides = [1, 1]} : vector<1000x32xf32> to vector<1000x1xf32>
    %get3A_99 = arith.constant 5 : index
    %get3A_100 = arith.constant 0 : index
    %get3A_101 = vector.load %arg6[%get3A_99, %get3A_100] : memref<32x128xf32, #tpu.memory_space<vmem>>, vector<1x128xf32>
    %mul3A_102 = vector.broadcast %slice3A_98 : vector<1000x1xf32> to vector<1000x128xf32>
    %mul3A_103 = vector.broadcast %get3A_101 : vector<1x128xf32> to vector<1000x128xf32>
    %mul3A_104 = arith.mulf %mul3A_102, %mul3A_103 : vector<1000x128xf32>
    %add3A_105 = arith.addf %add3A_97, %mul3A_104 : vector<1000x128xf32>
    %max3A_106 = arith.constant 0.000000e+00 : f32
    %max3A_107 = vector.broadcast %max3A_106 : f32 to vector<1000x128xf32>
    %max3A_108 = arith.maximumf %add3A_105, %max3A_107 : vector<1000x128xf32>
    %get3A_109 = arith.constant 4 : index
    %get3A_110 = arith.constant 0 : index
    %get3A_111 = vector.load %arg12[%get3A_109, %get3A_110] : memref<32x128xf32, #tpu.memory_space<vmem>>, vector<2x128xf32>
    %slice3A_112 = vector.extract_strided_slice %slice3A_34 {offsets = [0, 4], sizes = [1000, 2], strides = [1, 1]} : vector<1000x32xf32> to vector<1000x2xf32>
    %dot_general3A_113 = arith.constant dense<0.000000e+00> : vector<2x128xf32>
    %dot_general3A_114 = tpu.matmul %slice3A_112, %max3A_108, %dot_general3A_113 {dimension_numbers = #tpu.dot_dimension_numbers<[0], [0], [1], [1], [0, 1, 1, 1], [], []>, transpose_lhs_hint = false} : vector<1000x2xf32>, vector<1000x128xf32>, vector<2x128xf32> -> vector<2x128xf32>
    %add3A_115 = arith.addf %get3A_111, %dot_general3A_114 : vector<2x128xf32>
    %swap3A_116 = arith.constant 4 : index
    %swap3A_117 = arith.constant 0 : index
    %swap3A_118 = vector.load %arg12[%swap3A_116, %swap3A_117] : memref<32x128xf32, #tpu.memory_space<vmem>>, vector<2x128xf32>
    tpu.vector_store %arg12[%swap3A_116, %swap3A_117], %add3A_115 {strides = array<i32>} : memref<32x128xf32, #tpu.memory_space<vmem>>, vector<2x128xf32>,
    %slice3A_119 = vector.extract_strided_slice %add3A_33 {offsets = [0, 6], sizes = [1000, 1], strides = [1, 1]} : vector<1000x32xf32> to vector<1000x1xf32>
    %get3A_120 = arith.constant 6 : index
    %get3A_121 = arith.constant 0 : index
    %get3A_122 = vector.load %arg6[%get3A_120, %get3A_121] : memref<32x128xf32, #tpu.memory_space<vmem>>, vector<1x128xf32>
    %mul3A_123 = vector.broadcast %slice3A_119 : vector<1000x1xf32> to vector<1000x128xf32>
    %mul3A_124 = vector.broadcast %get3A_122 : vector<1x128xf32> to vector<1000x128xf32>
    %mul3A_125 = arith.mulf %mul3A_123, %mul3A_124 : vector<1000x128xf32>
    %add3A_126 = arith.addf %dot_general3A_18, %mul3A_125 : vector<1000x128xf32>
    %slice3A_127 = vector.extract_strided_slice %add3A_33 {offsets = [0, 7], sizes = [1000, 1], strides = [1, 1]} : vector<1000x32xf32> to vector<1000x1xf32>
    %get3A_128 = arith.constant 7 : index
    %get3A_129 = arith.constant 0 : index
    %get3A_130 = vector.load %arg6[%get3A_128, %get3A_129] : memref<32x128xf32, #tpu.memory_space<vmem>>, vector<1x128xf32>
    %mul3A_131 = vector.broadcast %slice3A_127 : vector<1000x1xf32> to vector<1000x128xf32>
    %mul3A_132 = vector.broadcast %get3A_130 : vector<1x128xf32> to vector<1000x128xf32>
    %mul3A_133 = arith.mulf %mul3A_131, %mul3A_132 : vector<1000x128xf32>
    %add3A_134 = arith.addf %add3A_126, %mul3A_133 : vector<1000x128xf32>
    %max3A_135 = arith.constant 0.000000e+00 : f32
    %max3A_136 = vector.broadcast %max3A_135 : f32 to vector<1000x128xf32>
    %max3A_137 = arith.maximumf %add3A_134, %max3A_136 : vector<1000x128xf32>
    %get3A_138 = arith.constant 6 : index
    %get3A_139 = arith.constant 0 : index
    %get3A_140 = vector.load %arg12[%get3A_138, %get3A_139] : memref<32x128xf32, #tpu.memory_space<vmem>>, vector<2x128xf32>
    %slice3A_141 = vector.extract_strided_slice %slice3A_34 {offsets = [0, 6], sizes = [1000, 2], strides = [1, 1]} : vector<1000x32xf32> to vector<1000x2xf32>
    %dot_general3A_142 = arith.constant dense<0.000000e+00> : vector<2x128xf32>
    %dot_general3A_143 = tpu.matmul %slice3A_141, %max3A_137, %dot_general3A_142 {dimension_numbers = #tpu.dot_dimension_numbers<[0], [0], [1], [1], [0, 1, 1, 1], [], []>, transpose_lhs_hint = false} : vector<1000x2xf32>, vector<1000x128xf32>, vector<2x128xf32> -> vector<2x128xf32>
    %add3A_144 = arith.addf %get3A_140, %dot_general3A_143 : vector<2x128xf32>
    %swap3A_145 = arith.constant 6 : index
    %swap3A_146 = arith.constant 0 : index
    %swap3A_147 = vector.load %arg12[%swap3A_145, %swap3A_146] : memref<32x128xf32, #tpu.memory_space<vmem>>, vector<2x128xf32>
    tpu.vector_store %arg12[%swap3A_145, %swap3A_146], %add3A_144 {strides = array<i32>} : memref<32x128xf32, #tpu.memory_space<vmem>>, vector<2x128xf32>,
    %slice3A_148 = vector.extract_strided_slice %add3A_33 {offsets = [0, 8], sizes = [1000, 1], strides = [1, 1]} : vector<1000x32xf32> to vector<1000x1xf32>
    %get3A_149 = arith.constant 8 : index
    %get3A_150 = arith.constant 0 : index
    %get3A_151 = vector.load %arg6[%get3A_149, %get3A_150] : memref<32x128xf32, #tpu.memory_space<vmem>>, vector<1x128xf32>
    %mul3A_152 = vector.broadcast %slice3A_148 : vector<1000x1xf32> to vector<1000x128xf32>
    %mul3A_153 = vector.broadcast %get3A_151 : vector<1x128xf32> to vector<1000x128xf32>
    %mul3A_154 = arith.mulf %mul3A_152, %mul3A_153 : vector<1000x128xf32>
    %add3A_155 = arith.addf %dot_general3A_18, %mul3A_154 : vector<1000x128xf32>
    %slice3A_156 = vector.extract_strided_slice %add3A_33 {offsets = [0, 9], sizes = [1000, 1], strides = [1, 1]} : vector<1000x32xf32> to vector<1000x1xf32>
    %get3A_157 = arith.constant 9 : index
    %get3A_158 = arith.constant 0 : index
    %get3A_159 = vector.load %arg6[%get3A_157, %get3A_158] : memref<32x128xf32, #tpu.memory_space<vmem>>, vector<1x128xf32>
    %mul3A_160 = vector.broadcast %slice3A_156 : vector<1000x1xf32> to vector<1000x128xf32>
    %mul3A_161 = vector.broadcast %get3A_159 : vector<1x128xf32> to vector<1000x128xf32>
    %mul3A_162 = arith.mulf %mul3A_160, %mul3A_161 : vector<1000x128xf32>
    %add3A_163 = arith.addf %add3A_155, %mul3A_162 : vector<1000x128xf32>
    %max3A_164 = arith.constant 0.000000e+00 : f32
    %max3A_165 = vector.broadcast %max3A_164 : f32 to vector<1000x128xf32>
    %max3A_166 = arith.maximumf %add3A_163, %max3A_165 : vector<1000x128xf32>
    %get3A_167 = arith.constant 8 : index
    %get3A_168 = arith.constant 0 : index
    %get3A_169 = vector.load %arg12[%get3A_167, %get3A_168] : memref<32x128xf32, #tpu.memory_space<vmem>>, vector<2x128xf32>
    %slice3A_170 = vector.extract_strided_slice %slice3A_34 {offsets = [0, 8], sizes = [1000, 2], strides = [1, 1]} : vector<1000x32xf32> to vector<1000x2xf32>
    %dot_general3A_171 = arith.constant dense<0.000000e+00> : vector<2x128xf32>
    %dot_general3A_172 = tpu.matmul %slice3A_170, %max3A_166, %dot_general3A_171 {dimension_numbers = #tpu.dot_dimension_numbers<[0], [0], [1], [1], [0, 1, 1, 1], [], []>, transpose_lhs_hint = false} : vector<1000x2xf32>, vector<1000x128xf32>, vector<2x128xf32> -> vector<2x128xf32>
    %add3A_173 = arith.addf %get3A_169, %dot_general3A_172 : vector<2x128xf32>
    %swap3A_174 = arith.constant 8 : index
    %swap3A_175 = arith.constant 0 : index
    %swap3A_176 = vector.load %arg12[%swap3A_174, %swap3A_175] : memref<32x128xf32, #tpu.memory_space<vmem>>, vector<2x128xf32>
    tpu.vector_store %arg12[%swap3A_174, %swap3A_175], %add3A_173 {strides = array<i32>} : memref<32x128xf32, #tpu.memory_space<vmem>>, vector<2x128xf32>,
    %slice3A_177 = vector.extract_strided_slice %add3A_33 {offsets = [0, 10], sizes = [1000, 1], strides = [1, 1]} : vector<1000x32xf32> to vector<1000x1xf32>
    %get3A_178 = arith.constant 10 : index
    %get3A_179 = arith.constant 0 : index
    %get3A_180 = vector.load %arg6[%get3A_178, %get3A_179] : memref<32x128xf32, #tpu.memory_space<vmem>>, vector<1x128xf32>
    %mul3A_181 = vector.broadcast %slice3A_177 : vector<1000x1xf32> to vector<1000x128xf32>
    %mul3A_182 = vector.broadcast %get3A_180 : vector<1x128xf32> to vector<1000x128xf32>
    %mul3A_183 = arith.mulf %mul3A_181, %mul3A_182 : vector<1000x128xf32>
    %add3A_184 = arith.addf %dot_general3A_18, %mul3A_183 : vector<1000x128xf32>
    %slice3A_185 = vector.extract_strided_slice %add3A_33 {offsets = [0, 11], sizes = [1000, 1], strides = [1, 1]} : vector<1000x32xf32> to vector<1000x1xf32>
    %get3A_186 = arith.constant 11 : index
    %get3A_187 = arith.constant 0 : index
    %get3A_188 = vector.load %arg6[%get3A_186, %get3A_187] : memref<32x128xf32, #tpu.memory_space<vmem>>, vector<1x128xf32>
    %mul3A_189 = vector.broadcast %slice3A_185 : vector<1000x1xf32> to vector<1000x128xf32>
    %mul3A_190 = vector.broadcast %get3A_188 : vector<1x128xf32> to vector<1000x128xf32>
    %mul3A_191 = arith.mulf %mul3A_189, %mul3A_190 : vector<1000x128xf32>
    %add3A_192 = arith.addf %add3A_184, %mul3A_191 : vector<1000x128xf32>
    %max3A_193 = arith.constant 0.000000e+00 : f32
    %max3A_194 = vector.broadcast %max3A_193 : f32 to vector<1000x128xf32>
    %max3A_195 = arith.maximumf %add3A_192, %max3A_194 : vector<1000x128xf32>
    %get3A_196 = arith.constant 10 : index
    %get3A_197 = arith.constant 0 : index
    %get3A_198 = vector.load %arg12[%get3A_196, %get3A_197] : memref<32x128xf32, #tpu.memory_space<vmem>>, vector<2x128xf32>
    %slice3A_199 = vector.extract_strided_slice %slice3A_34 {offsets = [0, 10], sizes = [1000, 2], strides = [1, 1]} : vector<1000x32xf32> to vector<1000x2xf32>
    %dot_general3A_200 = arith.constant dense<0.000000e+00> : vector<2x128xf32>
    %dot_general3A_201 = tpu.matmul %slice3A_199, %max3A_195, %dot_general3A_200 {dimension_numbers = #tpu.dot_dimension_numbers<[0], [0], [1], [1], [0, 1, 1, 1], [], []>, transpose_lhs_hint = false} : vector<1000x2xf32>, vector<1000x128xf32>, vector<2x128xf32> -> vector<2x128xf32>
    %add3A_202 = arith.addf %get3A_198, %dot_general3A_201 : vector<2x128xf32>
    %swap3A_203 = arith.constant 10 : index
    %swap3A_204 = arith.constant 0 : index
    %swap3A_205 = vector.load %arg12[%swap3A_203, %swap3A_204] : memref<32x128xf32, #tpu.memory_space<vmem>>, vector<2x128xf32>
    tpu.vector_store %arg12[%swap3A_203, %swap3A_204], %add3A_202 {strides = array<i32>} : memref<32x128xf32, #tpu.memory_space<vmem>>, vector<2x128xf32>,
    %slice3A_206 = vector.extract_strided_slice %add3A_33 {offsets = [0, 12], sizes = [1000, 1], strides = [1, 1]} : vector<1000x32xf32> to vector<1000x1xf32>
    %get3A_207 = arith.constant 12 : index
    %get3A_208 = arith.constant 0 : index
    %get3A_209 = vector.load %arg6[%get3A_207, %get3A_208] : memref<32x128xf32, #tpu.memory_space<vmem>>, vector<1x128xf32>
    %mul3A_210 = vector.broadcast %slice3A_206 : vector<1000x1xf32> to vector<1000x128xf32>
    %mul3A_211 = vector.broadcast %get3A_209 : vector<1x128xf32> to vector<1000x128xf32>
    %mul3A_212 = arith.mulf %mul3A_210, %mul3A_211 : vector<1000x128xf32>
    %add3A_213 = arith.addf %dot_general3A_18, %mul3A_212 : vector<1000x128xf32>
    %slice3A_214 = vector.extract_strided_slice %add3A_33 {offsets = [0, 13], sizes = [1000, 1], strides = [1, 1]} : vector<1000x32xf32> to vector<1000x1xf32>
    %get3A_215 = arith.constant 13 : index
    %get3A_216 = arith.constant 0 : index
    %get3A_217 = vector.load %arg6[%get3A_215, %get3A_216] : memref<32x128xf32, #tpu.memory_space<vmem>>, vector<1x128xf32>
    %mul3A_218 = vector.broadcast %slice3A_214 : vector<1000x1xf32> to vector<1000x128xf32>
    %mul3A_219 = vector.broadcast %get3A_217 : vector<1x128xf32> to vector<1000x128xf32>
    %mul3A_220 = arith.mulf %mul3A_218, %mul3A_219 : vector<1000x128xf32>
    %add3A_221 = arith.addf %add3A_213, %mul3A_220 : vector<1000x128xf32>
    %max3A_222 = arith.constant 0.000000e+00 : f32
    %max3A_223 = vector.broadcast %max3A_222 : f32 to vector<1000x128xf32>
    %max3A_224 = arith.maximumf %add3A_221, %max3A_223 : vector<1000x128xf32>
    %get3A_225 = arith.constant 12 : index
    %get3A_226 = arith.constant 0 : index
    %get3A_227 = vector.load %arg12[%get3A_225, %get3A_226] : memref<32x128xf32, #tpu.memory_space<vmem>>, vector<2x128xf32>
    %slice3A_228 = vector.extract_strided_slice %slice3A_34 {offsets = [0, 12], sizes = [1000, 2], strides = [1, 1]} : vector<1000x32xf32> to vector<1000x2xf32>
    %dot_general3A_229 = arith.constant dense<0.000000e+00> : vector<2x128xf32>
    %dot_general3A_230 = tpu.matmul %slice3A_228, %max3A_224, %dot_general3A_229 {dimension_numbers = #tpu.dot_dimension_numbers<[0], [0], [1], [1], [0, 1, 1, 1], [], []>, transpose_lhs_hint = false} : vector<1000x2xf32>, vector<1000x128xf32>, vector<2x128xf32> -> vector<2x128xf32>
    %add3A_231 = arith.addf %get3A_227, %dot_general3A_230 : vector<2x128xf32>
    %swap3A_232 = arith.constant 12 : index
    %swap3A_233 = arith.constant 0 : index
    %swap3A_234 = vector.load %arg12[%swap3A_232, %swap3A_233] : memref<32x128xf32, #tpu.memory_space<vmem>>, vector<2x128xf32>
    tpu.vector_store %arg12[%swap3A_232, %swap3A_233], %add3A_231 {strides = array<i32>} : memref<32x128xf32, #tpu.memory_space<vmem>>, vector<2x128xf32>,
    %slice3A_235 = vector.extract_strided_slice %add3A_33 {offsets = [0, 14], sizes = [1000, 1], strides = [1, 1]} : vector<1000x32xf32> to vector<1000x1xf32>
    %get3A_236 = arith.constant 14 : index
    %get3A_237 = arith.constant 0 : index
    %get3A_238 = vector.load %arg6[%get3A_236, %get3A_237] : memref<32x128xf32, #tpu.memory_space<vmem>>, vector<1x128xf32>
    %mul3A_239 = vector.broadcast %slice3A_235 : vector<1000x1xf32> to vector<1000x128xf32>
    %mul3A_240 = vector.broadcast %get3A_238 : vector<1x128xf32> to vector<1000x128xf32>
    %mul3A_241 = arith.mulf %mul3A_239, %mul3A_240 : vector<1000x128xf32>
    %add3A_242 = arith.addf %dot_general3A_18, %mul3A_241 : vector<1000x128xf32>
    %slice3A_243 = vector.extract_strided_slice %add3A_33 {offsets = [0, 15], sizes = [1000, 1], strides = [1, 1]} : vector<1000x32xf32> to vector<1000x1xf32>
    %get3A_244 = arith.constant 15 : index
    %get3A_245 = arith.constant 0 : index
    %get3A_246 = vector.load %arg6[%get3A_244, %get3A_245] : memref<32x128xf32, #tpu.memory_space<vmem>>, vector<1x128xf32>
    %mul3A_247 = vector.broadcast %slice3A_243 : vector<1000x1xf32> to vector<1000x128xf32>
    %mul3A_248 = vector.broadcast %get3A_246 : vector<1x128xf32> to vector<1000x128xf32>
    %mul3A_249 = arith.mulf %mul3A_247, %mul3A_248 : vector<1000x128xf32>
    %add3A_250 = arith.addf %add3A_242, %mul3A_249 : vector<1000x128xf32>
    %max3A_251 = arith.constant 0.000000e+00 : f32
    %max3A_252 = vector.broadcast %max3A_251 : f32 to vector<1000x128xf32>
    %max3A_253 = arith.maximumf %add3A_250, %max3A_252 : vector<1000x128xf32>
    %get3A_254 = arith.constant 14 : index
    %get3A_255 = arith.constant 0 : index
    %get3A_256 = vector.load %arg12[%get3A_254, %get3A_255] : memref<32x128xf32, #tpu.memory_space<vmem>>, vector<2x128xf32>
    %slice3A_257 = vector.extract_strided_slice %slice3A_34 {offsets = [0, 14], sizes = [1000, 2], strides = [1, 1]} : vector<1000x32xf32> to vector<1000x2xf32>
    %dot_general3A_258 = arith.constant dense<0.000000e+00> : vector<2x128xf32>
    %dot_general3A_259 = tpu.matmul %slice3A_257, %max3A_253, %dot_general3A_258 {dimension_numbers = #tpu.dot_dimension_numbers<[0], [0], [1], [1], [0, 1, 1, 1], [], []>, transpose_lhs_hint = false} : vector<1000x2xf32>, vector<1000x128xf32>, vector<2x128xf32> -> vector<2x128xf32>
    %add3A_260 = arith.addf %get3A_256, %dot_general3A_259 : vector<2x128xf32>
    %swap3A_261 = arith.constant 14 : index
    %swap3A_262 = arith.constant 0 : index
    %swap3A_263 = vector.load %arg12[%swap3A_261, %swap3A_262] : memref<32x128xf32, #tpu.memory_space<vmem>>, vector<2x128xf32>
    tpu.vector_store %arg12[%swap3A_261, %swap3A_262], %add3A_260 {strides = array<i32>} : memref<32x128xf32, #tpu.memory_space<vmem>>, vector<2x128xf32>,
    %slice3A_264 = vector.extract_strided_slice %add3A_33 {offsets = [0, 16], sizes = [1000, 1], strides = [1, 1]} : vector<1000x32xf32> to vector<1000x1xf32>
    %get3A_265 = arith.constant 16 : index
    %get3A_266 = arith.constant 0 : index
    %get3A_267 = vector.load %arg6[%get3A_265, %get3A_266] : memref<32x128xf32, #tpu.memory_space<vmem>>, vector<1x128xf32>
    %mul3A_268 = vector.broadcast %slice3A_264 : vector<1000x1xf32> to vector<1000x128xf32>
    %mul3A_269 = vector.broadcast %get3A_267 : vector<1x128xf32> to vector<1000x128xf32>
    %mul3A_270 = arith.mulf %mul3A_268, %mul3A_269 : vector<1000x128xf32>
    %add3A_271 = arith.addf %dot_general3A_18, %mul3A_270 : vector<1000x128xf32>
    %slice3A_272 = vector.extract_strided_slice %add3A_33 {offsets = [0, 17], sizes = [1000, 1], strides = [1, 1]} : vector<1000x32xf32> to vector<1000x1xf32>
    %get3A_273 = arith.constant 17 : index
    %get3A_274 = arith.constant 0 : index
    %get3A_275 = vector.load %arg6[%get3A_273, %get3A_274] : memref<32x128xf32, #tpu.memory_space<vmem>>, vector<1x128xf32>
    %mul3A_276 = vector.broadcast %slice3A_272 : vector<1000x1xf32> to vector<1000x128xf32>
    %mul3A_277 = vector.broadcast %get3A_275 : vector<1x128xf32> to vector<1000x128xf32>
    %mul3A_278 = arith.mulf %mul3A_276, %mul3A_277 : vector<1000x128xf32>
    %add3A_279 = arith.addf %add3A_271, %mul3A_278 : vector<1000x128xf32>
    %max3A_280 = arith.constant 0.000000e+00 : f32
    %max3A_281 = vector.broadcast %max3A_280 : f32 to vector<1000x128xf32>
    %max3A_282 = arith.maximumf %add3A_279, %max3A_281 : vector<1000x128xf32>
    %get3A_283 = arith.constant 16 : index
    %get3A_284 = arith.constant 0 : index
    %get3A_285 = vector.load %arg12[%get3A_283, %get3A_284] : memref<32x128xf32, #tpu.memory_space<vmem>>, vector<2x128xf32>
    %slice3A_286 = vector.extract_strided_slice %slice3A_34 {offsets = [0, 16], sizes = [1000, 2], strides = [1, 1]} : vector<1000x32xf32> to vector<1000x2xf32>
    %dot_general3A_287 = arith.constant dense<0.000000e+00> : vector<2x128xf32>
    %dot_general3A_288 = tpu.matmul %slice3A_286, %max3A_282, %dot_general3A_287 {dimension_numbers = #tpu.dot_dimension_numbers<[0], [0], [1], [1], [0, 1, 1, 1], [], []>, transpose_lhs_hint = false} : vector<1000x2xf32>, vector<1000x128xf32>, vector<2x128xf32> -> vector<2x128xf32>
    %add3A_289 = arith.addf %get3A_285, %dot_general3A_288 : vector<2x128xf32>
    %swap3A_290 = arith.constant 16 : index
    %swap3A_291 = arith.constant 0 : index
    %swap3A_292 = vector.load %arg12[%swap3A_290, %swap3A_291] : memref<32x128xf32, #tpu.memory_space<vmem>>, vector<2x128xf32>
    tpu.vector_store %arg12[%swap3A_290, %swap3A_291], %add3A_289 {strides = array<i32>} : memref<32x128xf32, #tpu.memory_space<vmem>>, vector<2x128xf32>,
    %slice3A_293 = vector.extract_strided_slice %add3A_33 {offsets = [0, 18], sizes = [1000, 1], strides = [1, 1]} : vector<1000x32xf32> to vector<1000x1xf32>
    %get3A_294 = arith.constant 18 : index
    %get3A_295 = arith.constant 0 : index
    %get3A_296 = vector.load %arg6[%get3A_294, %get3A_295] : memref<32x128xf32, #tpu.memory_space<vmem>>, vector<1x128xf32>
    %mul3A_297 = vector.broadcast %slice3A_293 : vector<1000x1xf32> to vector<1000x128xf32>
    %mul3A_298 = vector.broadcast %get3A_296 : vector<1x128xf32> to vector<1000x128xf32>
    %mul3A_299 = arith.mulf %mul3A_297, %mul3A_298 : vector<1000x128xf32>
    %add3A_300 = arith.addf %dot_general3A_18, %mul3A_299 : vector<1000x128xf32>
    %slice3A_301 = vector.extract_strided_slice %add3A_33 {offsets = [0, 19], sizes = [1000, 1], strides = [1, 1]} : vector<1000x32xf32> to vector<1000x1xf32>
    %get3A_302 = arith.constant 19 : index
    %get3A_303 = arith.constant 0 : index
    %get3A_304 = vector.load %arg6[%get3A_302, %get3A_303] : memref<32x128xf32, #tpu.memory_space<vmem>>, vector<1x128xf32>
    %mul3A_305 = vector.broadcast %slice3A_301 : vector<1000x1xf32> to vector<1000x128xf32>
    %mul3A_306 = vector.broadcast %get3A_304 : vector<1x128xf32> to vector<1000x128xf32>
    %mul3A_307 = arith.mulf %mul3A_305, %mul3A_306 : vector<1000x128xf32>
    %add3A_308 = arith.addf %add3A_300, %mul3A_307 : vector<1000x128xf32>
    %max3A_309 = arith.constant 0.000000e+00 : f32
    %max3A_310 = vector.broadcast %max3A_309 : f32 to vector<1000x128xf32>
    %max3A_311 = arith.maximumf %add3A_308, %max3A_310 : vector<1000x128xf32>
    %get3A_312 = arith.constant 18 : index
    %get3A_313 = arith.constant 0 : index
    %get3A_314 = vector.load %arg12[%get3A_312, %get3A_313] : memref<32x128xf32, #tpu.memory_space<vmem>>, vector<2x128xf32>
    %slice3A_315 = vector.extract_strided_slice %slice3A_34 {offsets = [0, 18], sizes = [1000, 2], strides = [1, 1]} : vector<1000x32xf32> to vector<1000x2xf32>
    %dot_general3A_316 = arith.constant dense<0.000000e+00> : vector<2x128xf32>
    %dot_general3A_317 = tpu.matmul %slice3A_315, %max3A_311, %dot_general3A_316 {dimension_numbers = #tpu.dot_dimension_numbers<[0], [0], [1], [1], [0, 1, 1, 1], [], []>, transpose_lhs_hint = false} : vector<1000x2xf32>, vector<1000x128xf32>, vector<2x128xf32> -> vector<2x128xf32>
    %add3A_318 = arith.addf %get3A_314, %dot_general3A_317 : vector<2x128xf32>
    %swap3A_319 = arith.constant 18 : index
    %swap3A_320 = arith.constant 0 : index
    %swap3A_321 = vector.load %arg12[%swap3A_319, %swap3A_320] : memref<32x128xf32, #tpu.memory_space<vmem>>, vector<2x128xf32>
    tpu.vector_store %arg12[%swap3A_319, %swap3A_320], %add3A_318 {strides = array<i32>} : memref<32x128xf32, #tpu.memory_space<vmem>>, vector<2x128xf32>,
    %slice3A_322 = vector.extract_strided_slice %add3A_33 {offsets = [0, 20], sizes = [1000, 1], strides = [1, 1]} : vector<1000x32xf32> to vector<1000x1xf32>
    %get3A_323 = arith.constant 20 : index
    %get3A_324 = arith.constant 0 : index
    %get3A_325 = vector.load %arg6[%get3A_323, %get3A_324] : memref<32x128xf32, #tpu.memory_space<vmem>>, vector<1x128xf32>
    %mul3A_326 = vector.broadcast %slice3A_322 : vector<1000x1xf32> to vector<1000x128xf32>
    %mul3A_327 = vector.broadcast %get3A_325 : vector<1x128xf32> to vector<1000x128xf32>
    %mul3A_328 = arith.mulf %mul3A_326, %mul3A_327 : vector<1000x128xf32>
    %add3A_329 = arith.addf %dot_general3A_18, %mul3A_328 : vector<1000x128xf32>
    %slice3A_330 = vector.extract_strided_slice %add3A_33 {offsets = [0, 21], sizes = [1000, 1], strides = [1, 1]} : vector<1000x32xf32> to vector<1000x1xf32>
    %get3A_331 = arith.constant 21 : index
    %get3A_332 = arith.constant 0 : index
    %get3A_333 = vector.load %arg6[%get3A_331, %get3A_332] : memref<32x128xf32, #tpu.memory_space<vmem>>, vector<1x128xf32>
    %mul3A_334 = vector.broadcast %slice3A_330 : vector<1000x1xf32> to vector<1000x128xf32>
    %mul3A_335 = vector.broadcast %get3A_333 : vector<1x128xf32> to vector<1000x128xf32>
    %mul3A_336 = arith.mulf %mul3A_334, %mul3A_335 : vector<1000x128xf32>
    %add3A_337 = arith.addf %add3A_329, %mul3A_336 : vector<1000x128xf32>
    %max3A_338 = arith.constant 0.000000e+00 : f32
    %max3A_339 = vector.broadcast %max3A_338 : f32 to vector<1000x128xf32>
    %max3A_340 = arith.maximumf %add3A_337, %max3A_339 : vector<1000x128xf32>
    %get3A_341 = arith.constant 20 : index
    %get3A_342 = arith.constant 0 : index
    %get3A_343 = vector.load %arg12[%get3A_341, %get3A_342] : memref<32x128xf32, #tpu.memory_space<vmem>>, vector<2x128xf32>
    %slice3A_344 = vector.extract_strided_slice %slice3A_34 {offsets = [0, 20], sizes = [1000, 2], strides = [1, 1]} : vector<1000x32xf32> to vector<1000x2xf32>
    %dot_general3A_345 = arith.constant dense<0.000000e+00> : vector<2x128xf32>
    %dot_general3A_346 = tpu.matmul %slice3A_344, %max3A_340, %dot_general3A_345 {dimension_numbers = #tpu.dot_dimension_numbers<[0], [0], [1], [1], [0, 1, 1, 1], [], []>, transpose_lhs_hint = false} : vector<1000x2xf32>, vector<1000x128xf32>, vector<2x128xf32> -> vector<2x128xf32>
    %add3A_347 = arith.addf %get3A_343, %dot_general3A_346 : vector<2x128xf32>
    %swap3A_348 = arith.constant 20 : index
    %swap3A_349 = arith.constant 0 : index
    %swap3A_350 = vector.load %arg12[%swap3A_348, %swap3A_349] : memref<32x128xf32, #tpu.memory_space<vmem>>, vector<2x128xf32>
    tpu.vector_store %arg12[%swap3A_348, %swap3A_349], %add3A_347 {strides = array<i32>} : memref<32x128xf32, #tpu.memory_space<vmem>>, vector<2x128xf32>,
    %slice3A_351 = vector.extract_strided_slice %add3A_33 {offsets = [0, 22], sizes = [1000, 1], strides = [1, 1]} : vector<1000x32xf32> to vector<1000x1xf32>
    %get3A_352 = arith.constant 22 : index
    %get3A_353 = arith.constant 0 : index
    %get3A_354 = vector.load %arg6[%get3A_352, %get3A_353] : memref<32x128xf32, #tpu.memory_space<vmem>>, vector<1x128xf32>
    %mul3A_355 = vector.broadcast %slice3A_351 : vector<1000x1xf32> to vector<1000x128xf32>
    %mul3A_356 = vector.broadcast %get3A_354 : vector<1x128xf32> to vector<1000x128xf32>
    %mul3A_357 = arith.mulf %mul3A_355, %mul3A_356 : vector<1000x128xf32>
    %add3A_358 = arith.addf %dot_general3A_18, %mul3A_357 : vector<1000x128xf32>
    %slice3A_359 = vector.extract_strided_slice %add3A_33 {offsets = [0, 23], sizes = [1000, 1], strides = [1, 1]} : vector<1000x32xf32> to vector<1000x1xf32>
    %get3A_360 = arith.constant 23 : index
    %get3A_361 = arith.constant 0 : index
    %get3A_362 = vector.load %arg6[%get3A_360, %get3A_361] : memref<32x128xf32, #tpu.memory_space<vmem>>, vector<1x128xf32>
    %mul3A_363 = vector.broadcast %slice3A_359 : vector<1000x1xf32> to vector<1000x128xf32>
    %mul3A_364 = vector.broadcast %get3A_362 : vector<1x128xf32> to vector<1000x128xf32>
    %mul3A_365 = arith.mulf %mul3A_363, %mul3A_364 : vector<1000x128xf32>
    %add3A_366 = arith.addf %add3A_358, %mul3A_365 : vector<1000x128xf32>
    %max3A_367 = arith.constant 0.000000e+00 : f32
    %max3A_368 = vector.broadcast %max3A_367 : f32 to vector<1000x128xf32>
    %max3A_369 = arith.maximumf %add3A_366, %max3A_368 : vector<1000x128xf32>
    %get3A_370 = arith.constant 22 : index
    %get3A_371 = arith.constant 0 : index
    %get3A_372 = vector.load %arg12[%get3A_370, %get3A_371] : memref<32x128xf32, #tpu.memory_space<vmem>>, vector<2x128xf32>
    %slice3A_373 = vector.extract_strided_slice %slice3A_34 {offsets = [0, 22], sizes = [1000, 2], strides = [1, 1]} : vector<1000x32xf32> to vector<1000x2xf32>
    %dot_general3A_374 = arith.constant dense<0.000000e+00> : vector<2x128xf32>
    %dot_general3A_375 = tpu.matmul %slice3A_373, %max3A_369, %dot_general3A_374 {dimension_numbers = #tpu.dot_dimension_numbers<[0], [0], [1], [1], [0, 1, 1, 1], [], []>, transpose_lhs_hint = false} : vector<1000x2xf32>, vector<1000x128xf32>, vector<2x128xf32> -> vector<2x128xf32>
    %add3A_376 = arith.addf %get3A_372, %dot_general3A_375 : vector<2x128xf32>
    %swap3A_377 = arith.constant 22 : index
    %swap3A_378 = arith.constant 0 : index
    %swap3A_379 = vector.load %arg12[%swap3A_377, %swap3A_378] : memref<32x128xf32, #tpu.memory_space<vmem>>, vector<2x128xf32>
    tpu.vector_store %arg12[%swap3A_377, %swap3A_378], %add3A_376 {strides = array<i32>} : memref<32x128xf32, #tpu.memory_space<vmem>>, vector<2x128xf32>,
    %slice3A_380 = vector.extract_strided_slice %add3A_33 {offsets = [0, 24], sizes = [1000, 1], strides = [1, 1]} : vector<1000x32xf32> to vector<1000x1xf32>
    %get3A_381 = arith.constant 24 : index
    %get3A_382 = arith.constant 0 : index
    %get3A_383 = vector.load %arg6[%get3A_381, %get3A_382] : memref<32x128xf32, #tpu.memory_space<vmem>>, vector<1x128xf32>
    %mul3A_384 = vector.broadcast %slice3A_380 : vector<1000x1xf32> to vector<1000x128xf32>
    %mul3A_385 = vector.broadcast %get3A_383 : vector<1x128xf32> to vector<1000x128xf32>
    %mul3A_386 = arith.mulf %mul3A_384, %mul3A_385 : vector<1000x128xf32>
    %add3A_387 = arith.addf %dot_general3A_18, %mul3A_386 : vector<1000x128xf32>
    %slice3A_388 = vector.extract_strided_slice %add3A_33 {offsets = [0, 25], sizes = [1000, 1], strides = [1, 1]} : vector<1000x32xf32> to vector<1000x1xf32>
    %get3A_389 = arith.constant 25 : index
    %get3A_390 = arith.constant 0 : index
    %get3A_391 = vector.load %arg6[%get3A_389, %get3A_390] : memref<32x128xf32, #tpu.memory_space<vmem>>, vector<1x128xf32>
    %mul3A_392 = vector.broadcast %slice3A_388 : vector<1000x1xf32> to vector<1000x128xf32>
    %mul3A_393 = vector.broadcast %get3A_391 : vector<1x128xf32> to vector<1000x128xf32>
    %mul3A_394 = arith.mulf %mul3A_392, %mul3A_393 : vector<1000x128xf32>
    %add3A_395 = arith.addf %add3A_387, %mul3A_394 : vector<1000x128xf32>
    %max3A_396 = arith.constant 0.000000e+00 : f32
    %max3A_397 = vector.broadcast %max3A_396 : f32 to vector<1000x128xf32>
    %max3A_398 = arith.maximumf %add3A_395, %max3A_397 : vector<1000x128xf32>
    %get3A_399 = arith.constant 24 : index
    %get3A_400 = arith.constant 0 : index
    %get3A_401 = vector.load %arg12[%get3A_399, %get3A_400] : memref<32x128xf32, #tpu.memory_space<vmem>>, vector<2x128xf32>
    %slice3A_402 = vector.extract_strided_slice %slice3A_34 {offsets = [0, 24], sizes = [1000, 2], strides = [1, 1]} : vector<1000x32xf32> to vector<1000x2xf32>
    %dot_general3A_403 = arith.constant dense<0.000000e+00> : vector<2x128xf32>
    %dot_general3A_404 = tpu.matmul %slice3A_402, %max3A_398, %dot_general3A_403 {dimension_numbers = #tpu.dot_dimension_numbers<[0], [0], [1], [1], [0, 1, 1, 1], [], []>, transpose_lhs_hint = false} : vector<1000x2xf32>, vector<1000x128xf32>, vector<2x128xf32> -> vector<2x128xf32>
    %add3A_405 = arith.addf %get3A_401, %dot_general3A_404 : vector<2x128xf32>
    %swap3A_406 = arith.constant 24 : index
    %swap3A_407 = arith.constant 0 : index
    %swap3A_408 = vector.load %arg12[%swap3A_406, %swap3A_407] : memref<32x128xf32, #tpu.memory_space<vmem>>, vector<2x128xf32>
    tpu.vector_store %arg12[%swap3A_406, %swap3A_407], %add3A_405 {strides = array<i32>} : memref<32x128xf32, #tpu.memory_space<vmem>>, vector<2x128xf32>,
    %slice3A_409 = vector.extract_strided_slice %add3A_33 {offsets = [0, 26], sizes = [1000, 1], strides = [1, 1]} : vector<1000x32xf32> to vector<1000x1xf32>
    %get3A_410 = arith.constant 26 : index
    %get3A_411 = arith.constant 0 : index
    %get3A_412 = vector.load %arg6[%get3A_410, %get3A_411] : memref<32x128xf32, #tpu.memory_space<vmem>>, vector<1x128xf32>
    %mul3A_413 = vector.broadcast %slice3A_409 : vector<1000x1xf32> to vector<1000x128xf32>
    %mul3A_414 = vector.broadcast %get3A_412 : vector<1x128xf32> to vector<1000x128xf32>
    %mul3A_415 = arith.mulf %mul3A_413, %mul3A_414 : vector<1000x128xf32>
    %add3A_416 = arith.addf %dot_general3A_18, %mul3A_415 : vector<1000x128xf32>
    %slice3A_417 = vector.extract_strided_slice %add3A_33 {offsets = [0, 27], sizes = [1000, 1], strides = [1, 1]} : vector<1000x32xf32> to vector<1000x1xf32>
    %get3A_418 = arith.constant 27 : index
    %get3A_419 = arith.constant 0 : index
    %get3A_420 = vector.load %arg6[%get3A_418, %get3A_419] : memref<32x128xf32, #tpu.memory_space<vmem>>, vector<1x128xf32>
    %mul3A_421 = vector.broadcast %slice3A_417 : vector<1000x1xf32> to vector<1000x128xf32>
    %mul3A_422 = vector.broadcast %get3A_420 : vector<1x128xf32> to vector<1000x128xf32>
    %mul3A_423 = arith.mulf %mul3A_421, %mul3A_422 : vector<1000x128xf32>
    %add3A_424 = arith.addf %add3A_416, %mul3A_423 : vector<1000x128xf32>
    %max3A_425 = arith.constant 0.000000e+00 : f32
    %max3A_426 = vector.broadcast %max3A_425 : f32 to vector<1000x128xf32>
    %max3A_427 = arith.maximumf %add3A_424, %max3A_426 : vector<1000x128xf32>
    %get3A_428 = arith.constant 26 : index
    %get3A_429 = arith.constant 0 : index
    %get3A_430 = vector.load %arg12[%get3A_428, %get3A_429] : memref<32x128xf32, #tpu.memory_space<vmem>>, vector<2x128xf32>
    %slice3A_431 = vector.extract_strided_slice %slice3A_34 {offsets = [0, 26], sizes = [1000, 2], strides = [1, 1]} : vector<1000x32xf32> to vector<1000x2xf32>
    %dot_general3A_432 = arith.constant dense<0.000000e+00> : vector<2x128xf32>
    %dot_general3A_433 = tpu.matmul %slice3A_431, %max3A_427, %dot_general3A_432 {dimension_numbers = #tpu.dot_dimension_numbers<[0], [0], [1], [1], [0, 1, 1, 1], [], []>, transpose_lhs_hint = false} : vector<1000x2xf32>, vector<1000x128xf32>, vector<2x128xf32> -> vector<2x128xf32>
    %add3A_434 = arith.addf %get3A_430, %dot_general3A_433 : vector<2x128xf32>
    %swap3A_435 = arith.constant 26 : index
    %swap3A_436 = arith.constant 0 : index
    %swap3A_437 = vector.load %arg12[%swap3A_435, %swap3A_436] : memref<32x128xf32, #tpu.memory_space<vmem>>, vector<2x128xf32>
    tpu.vector_store %arg12[%swap3A_435, %swap3A_436], %add3A_434 {strides = array<i32>} : memref<32x128xf32, #tpu.memory_space<vmem>>, vector<2x128xf32>,
    %slice3A_438 = vector.extract_strided_slice %add3A_33 {offsets = [0, 28], sizes = [1000, 1], strides = [1, 1]} : vector<1000x32xf32> to vector<1000x1xf32>
    %get3A_439 = arith.constant 28 : index
    %get3A_440 = arith.constant 0 : index
    %get3A_441 = vector.load %arg6[%get3A_439, %get3A_440] : memref<32x128xf32, #tpu.memory_space<vmem>>, vector<1x128xf32>
    %mul3A_442 = vector.broadcast %slice3A_438 : vector<1000x1xf32> to vector<1000x128xf32>
    %mul3A_443 = vector.broadcast %get3A_441 : vector<1x128xf32> to vector<1000x128xf32>
    %mul3A_444 = arith.mulf %mul3A_442, %mul3A_443 : vector<1000x128xf32>
    %add3A_445 = arith.addf %dot_general3A_18, %mul3A_444 : vector<1000x128xf32>
    %slice3A_446 = vector.extract_strided_slice %add3A_33 {offsets = [0, 29], sizes = [1000, 1], strides = [1, 1]} : vector<1000x32xf32> to vector<1000x1xf32>
    %get3A_447 = arith.constant 29 : index
    %get3A_448 = arith.constant 0 : index
    %get3A_449 = vector.load %arg6[%get3A_447, %get3A_448] : memref<32x128xf32, #tpu.memory_space<vmem>>, vector<1x128xf32>
    %mul3A_450 = vector.broadcast %slice3A_446 : vector<1000x1xf32> to vector<1000x128xf32>
    %mul3A_451 = vector.broadcast %get3A_449 : vector<1x128xf32> to vector<1000x128xf32>
    %mul3A_452 = arith.mulf %mul3A_450, %mul3A_451 : vector<1000x128xf32>
    %add3A_453 = arith.addf %add3A_445, %mul3A_452 : vector<1000x128xf32>
    %max3A_454 = arith.constant 0.000000e+00 : f32
    %max3A_455 = vector.broadcast %max3A_454 : f32 to vector<1000x128xf32>
    %max3A_456 = arith.maximumf %add3A_453, %max3A_455 : vector<1000x128xf32>
    %get3A_457 = arith.constant 28 : index
    %get3A_458 = arith.constant 0 : index
    %get3A_459 = vector.load %arg12[%get3A_457, %get3A_458] : memref<32x128xf32, #tpu.memory_space<vmem>>, vector<2x128xf32>
    %slice3A_460 = vector.extract_strided_slice %slice3A_34 {offsets = [0, 28], sizes = [1000, 2], strides = [1, 1]} : vector<1000x32xf32> to vector<1000x2xf32>
    %dot_general3A_461 = arith.constant dense<0.000000e+00> : vector<2x128xf32>
    %dot_general3A_462 = tpu.matmul %slice3A_460, %max3A_456, %dot_general3A_461 {dimension_numbers = #tpu.dot_dimension_numbers<[0], [0], [1], [1], [0, 1, 1, 1], [], []>, transpose_lhs_hint = false} : vector<1000x2xf32>, vector<1000x128xf32>, vector<2x128xf32> -> vector<2x128xf32>
    %add3A_463 = arith.addf %get3A_459, %dot_general3A_462 : vector<2x128xf32>
    %swap3A_464 = arith.constant 28 : index
    %swap3A_465 = arith.constant 0 : index
    %swap3A_466 = vector.load %arg12[%swap3A_464, %swap3A_465] : memref<32x128xf32, #tpu.memory_space<vmem>>, vector<2x128xf32>
    tpu.vector_store %arg12[%swap3A_464, %swap3A_465], %add3A_463 {strides = array<i32>} : memref<32x128xf32, #tpu.memory_space<vmem>>, vector<2x128xf32>,
    %slice3A_467 = vector.extract_strided_slice %add3A_33 {offsets = [0, 30], sizes = [1000, 1], strides = [1, 1]} : vector<1000x32xf32> to vector<1000x1xf32>
    %get3A_468 = arith.constant 30 : index
    %get3A_469 = arith.constant 0 : index
    %get3A_470 = vector.load %arg6[%get3A_468, %get3A_469] : memref<32x128xf32, #tpu.memory_space<vmem>>, vector<1x128xf32>
    %mul3A_471 = vector.broadcast %slice3A_467 : vector<1000x1xf32> to vector<1000x128xf32>
    %mul3A_472 = vector.broadcast %get3A_470 : vector<1x128xf32> to vector<1000x128xf32>
    %mul3A_473 = arith.mulf %mul3A_471, %mul3A_472 : vector<1000x128xf32>
    %add3A_474 = arith.addf %dot_general3A_18, %mul3A_473 : vector<1000x128xf32>
    %slice3A_475 = vector.extract_strided_slice %add3A_33 {offsets = [0, 31], sizes = [1000, 1], strides = [1, 1]} : vector<1000x32xf32> to vector<1000x1xf32>
    %get3A_476 = arith.constant 31 : index
    %get3A_477 = arith.constant 0 : index
    %get3A_478 = vector.load %arg6[%get3A_476, %get3A_477] : memref<32x128xf32, #tpu.memory_space<vmem>>, vector<1x128xf32>
    %mul3A_479 = vector.broadcast %slice3A_475 : vector<1000x1xf32> to vector<1000x128xf32>
    %mul3A_480 = vector.broadcast %get3A_478 : vector<1x128xf32> to vector<1000x128xf32>
    %mul3A_481 = arith.mulf %mul3A_479, %mul3A_480 : vector<1000x128xf32>
    %add3A_482 = arith.addf %add3A_474, %mul3A_481 : vector<1000x128xf32>
    %max3A_483 = arith.constant 0.000000e+00 : f32
    %max3A_484 = vector.broadcast %max3A_483 : f32 to vector<1000x128xf32>
    %max3A_485 = arith.maximumf %add3A_482, %max3A_484 : vector<1000x128xf32>
    %get3A_486 = arith.constant 30 : index
    %get3A_487 = arith.constant 0 : index
    %get3A_488 = vector.load %arg12[%get3A_486, %get3A_487] : memref<32x128xf32, #tpu.memory_space<vmem>>, vector<2x128xf32>
    %slice3A_489 = vector.extract_strided_slice %slice3A_34 {offsets = [0, 30], sizes = [1000, 2], strides = [1, 1]} : vector<1000x32xf32> to vector<1000x2xf32>
    %dot_general3A_490 = arith.constant dense<0.000000e+00> : vector<2x128xf32>
    %dot_general3A_491 = tpu.matmul %slice3A_489, %max3A_485, %dot_general3A_490 {dimension_numbers = #tpu.dot_dimension_numbers<[0], [0], [1], [1], [0, 1, 1, 1], [], []>, transpose_lhs_hint = false} : vector<1000x2xf32>, vector<1000x128xf32>, vector<2x128xf32> -> vector<2x128xf32>
    %add3A_492 = arith.addf %get3A_488, %dot_general3A_491 : vector<2x128xf32>
    %swap3A_493 = arith.constant 30 : index
    %swap3A_494 = arith.constant 0 : index
    %swap3A_495 = vector.load %arg12[%swap3A_493, %swap3A_494] : memref<32x128xf32, #tpu.memory_space<vmem>>, vector<2x128xf32>
    tpu.vector_store %arg12[%swap3A_493, %swap3A_494], %add3A_492 {strides = array<i32>} : memref<32x128xf32, #tpu.memory_space<vmem>>, vector<2x128xf32>,
    %get3A_496 = arith.constant 0 : index
    %get3A_497 = arith.constant 0 : index
    %get3A_498 = vector.load %arg13[%get3A_496, %get3A_497] : memref<32x128xf32, #tpu.memory_space<vmem>>, vector<32x128xf32>
    %dot_general3A_499 = arith.constant dense<0.000000e+00> : vector<32x128xf32>
    %dot_general3A_500 = tpu.matmul %get3A_32, %dot_general3A_18, %dot_general3A_499 {dimension_numbers = #tpu.dot_dimension_numbers<[0], [0], [1], [1], [0, 1, 1, 1], [], []>, transpose_lhs_hint = false} : vector<1000x32xf32>, vector<1000x128xf32>, vector<32x128xf32> -> vector<32x128xf32>
    %add3A_501 = arith.addf %get3A_498, %dot_general3A_500 : vector<32x128xf32>
    %swap3A_502 = arith.constant 0 : index
    %swap3A_503 = arith.constant 0 : index
    %swap3A_504 = vector.load %arg13[%swap3A_502, %swap3A_503] : memref<32x128xf32, #tpu.memory_space<vmem>>, vector<32x128xf32>
    tpu.vector_store %arg13[%swap3A_502, %swap3A_503], %add3A_501 {strides = array<i32>} : memref<32x128xf32, #tpu.memory_space<vmem>>, vector<32x128xf32>,
    %get3A_505 = arith.constant 0 : index
    %get3A_506 = arith.constant 0 : index
    %get3A_507 = vector.load %arg14[%get3A_505, %get3A_506] : memref<32x32xf32, #tpu.memory_space<vmem>>, vector<32x32xf32>
    %dot_general3A_508 = arith.constant dense<0.000000e+00> : vector<32x32xf32>
    %dot_general3A_509 = tpu.matmul %get3A_32, %add3A_33, %dot_general3A_508 {dimension_numbers = #tpu.dot_dimension_numbers<[0], [0], [1], [1], [0, 1, 1, 1], [], []>, transpose_lhs_hint = false} : vector<1000x32xf32>, vector<1000x32xf32>, vector<32x32xf32> -> vector<32x32xf32>
    %add3A_510 = arith.addf %get3A_507, %dot_general3A_509 : vector<32x32xf32>
    %swap3A_511 = arith.constant 0 : index
    %swap3A_512 = arith.constant 0 : index
    %swap3A_513 = vector.load %arg14[%swap3A_511, %swap3A_512] : memref<32x32xf32, #tpu.memory_space<vmem>>, vector<32x32xf32>
    tpu.vector_store %arg14[%swap3A_511, %swap3A_512], %add3A_510 {strides = array<i32>} : memref<32x32xf32, #tpu.memory_space<vmem>>, vector<32x32xf32>,
    %get3A_514 = arith.constant 0 : index
    %get3A_515 = arith.constant 0 : index
    %get3A_516 = vector.load %arg15[%get3A_514, %get3A_515] : memref<32x32xf32, #tpu.memory_space<vmem>>, vector<32x32xf32>
    %dot_general3A_517 = arith.constant dense<0.000000e+00> : vector<32x32xf32>
    %dot_general3A_518 = tpu.matmul %get3A_32, %slice3A_34, %dot_general3A_517 {dimension_numbers = #tpu.dot_dimension_numbers<[0], [0], [1], [1], [0, 1, 1, 1], [], []>, transpose_lhs_hint = false} : vector<1000x32xf32>, vector<1000x32xf32>, vector<32x32xf32> -> vector<32x32xf32>
    %add3A_519 = arith.addf %get3A_516, %dot_general3A_518 : vector<32x32xf32>
    %swap3A_520 = arith.constant 0 : index
    %swap3A_521 = arith.constant 0 : index
    %swap3A_522 = vector.load %arg15[%swap3A_520, %swap3A_521] : memref<32x32xf32, #tpu.memory_space<vmem>>, vector<32x32xf32>
    tpu.vector_store %arg15[%swap3A_520, %swap3A_521], %add3A_519 {strides = array<i32>} : memref<32x32xf32, #tpu.memory_space<vmem>>, vector<32x32xf32>,
    %get3A_523 = arith.constant 0 : index
    %get3A_524 = arith.constant 0 : index
    %get3A_525 = vector.load %arg16[%get3A_523, %get3A_524] : memref<1x32xf32, #tpu.memory_space<vmem>>, vector<1x32xf32>
    %reduce_sum3A = arith.constant dense<0.000000e+00> : vector<32xf32>
    %reduce_sum3A_526 = vector.multi_reduction <add>, %slice3A_34, %reduce_sum3A [0] : vector<1000x32xf32> to vector<32xf32>
    %broadcast_in_dim3A = vector.shape_cast %reduce_sum3A_526 : vector<32xf32> to vector<1x32xf32>
    %add3A_527 = arith.addf %get3A_525, %broadcast_in_dim3A : vector<1x32xf32>
    %swap3A_528 = arith.constant 0 : index
    %swap3A_529 = arith.constant 0 : index
    %swap3A_530 = vector.load %arg16[%swap3A_528, %swap3A_529] : memref<1x32xf32, #tpu.memory_space<vmem>>, vector<1x32xf32>
    tpu.vector_store %arg16[%swap3A_528, %swap3A_529], %add3A_527 {strides = array<i32>} : memref<1x32xf32, #tpu.memory_space<vmem>>, vector<1x32xf32>,
    %eq3A_531 = arith.constant 9 : i32
    %eq3A_532 = arith.cmpi eq, %arg0, %eq3A_531 : i32
    %convert_element_type3A_533 = arith.extui %eq3A_532 : i1 to i32
    %cond3A_534 = arith.constant 0 : i32
    %cond3A_535 = arith.cmpi ne, %convert_element_type3A_533, %cond3A_534 : i32
    scf.if %cond3A_535 {
      %get3A_536 = arith.constant 0 : index
      %get3A_537 = arith.constant 0 : index
      %get3A_538 = vector.load %arg12[%get3A_536, %get3A_537] : memref<32x128xf32, #tpu.memory_space<vmem>>, vector<32x128xf32>
      %swap3A_539 = arith.constant 0 : index
      %swap3A_540 = arith.constant 0 : index
      %swap3A_541 = vector.load %arg7[%swap3A_539, %swap3A_540] : memref<32x128xf32, #tpu.memory_space<vmem>>, vector<32x128xf32>
      tpu.vector_store %arg7[%swap3A_539, %swap3A_540], %get3A_538 {strides = array<i32>} : memref<32x128xf32, #tpu.memory_space<vmem>>, vector<32x128xf32>,
      %get3A_542 = arith.constant 0 : index
      %get3A_543 = arith.constant 0 : index
      %get3A_544 = vector.load %arg13[%get3A_542, %get3A_543] : memref<32x128xf32, #tpu.memory_space<vmem>>, vector<32x128xf32>
      %swap3A_545 = arith.constant 0 : index
      %swap3A_546 = arith.constant 0 : index
      %swap3A_547 = vector.load %arg8[%swap3A_545, %swap3A_546] : memref<32x128xf32, #tpu.memory_space<vmem>>, vector<32x128xf32>
      tpu.vector_store %arg8[%swap3A_545, %swap3A_546], %get3A_544 {strides = array<i32>} : memref<32x128xf32, #tpu.memory_space<vmem>>, vector<32x128xf32>,
      %get3A_548 = arith.constant 0 : index
      %get3A_549 = arith.constant 0 : index
      %get3A_550 = vector.load %arg14[%get3A_548, %get3A_549] : memref<32x32xf32, #tpu.memory_space<vmem>>, vector<32x32xf32>
      %swap3A_551 = arith.constant 0 : index
      %swap3A_552 = arith.constant 0 : index
      %swap3A_553 = vector.load %arg9[%swap3A_551, %swap3A_552] : memref<32x32xf32, #tpu.memory_space<vmem>>, vector<32x32xf32>
      tpu.vector_store %arg9[%swap3A_551, %swap3A_552], %get3A_550 {strides = array<i32>} : memref<32x32xf32, #tpu.memory_space<vmem>>, vector<32x32xf32>,
      %get3A_554 = arith.constant 0 : index
      %get3A_555 = arith.constant 0 : index
      %get3A_556 = vector.load %arg15[%get3A_554, %get3A_555] : memref<32x32xf32, #tpu.memory_space<vmem>>, vector<32x32xf32>
      %swap3A_557 = arith.constant 0 : index
      %swap3A_558 = arith.constant 0 : index
      %swap3A_559 = vector.load %arg10[%swap3A_557, %swap3A_558] : memref<32x32xf32, #tpu.memory_space<vmem>>, vector<32x32xf32>
      tpu.vector_store %arg10[%swap3A_557, %swap3A_558], %get3A_556 {strides = array<i32>} : memref<32x32xf32, #tpu.memory_space<vmem>>, vector<32x32xf32>,
      %get3A_560 = arith.constant 0 : index
      %get3A_561 = arith.constant 0 : index
      %get3A_562 = vector.load %arg16[%get3A_560, %get3A_561] : memref<1x32xf32, #tpu.memory_space<vmem>>, vector<1x32xf32>
      %swap3A_563 = arith.constant 0 : index
      %swap3A_564 = arith.constant 0 : index
      %swap3A_565 = vector.load %arg11[%swap3A_563, %swap3A_564] : memref<1x32xf32, #tpu.memory_space<vmem>>, vector<1x32xf32>
      tpu.vector_store %arg11[%swap3A_563, %swap3A_564], %get3A_562 {strides = array<i32>} : memref<1x32xf32, #tpu.memory_space<vmem>>, vector<1x32xf32>,
    } else {
    }
    return
  }
  func.func @transform_0(%arg0: i32) -> (i32, i32) {
    %c0_i32 = arith.constant 0 : i32
    %c0_i32_0 = arith.constant 0 : i32
    return %arg0, %c0_i32 : i32, i32
  }
  func.func @transform_1(%arg0: i32) -> (i32, i32, i32) {
    %c0_i32 = arith.constant 0 : i32
    %c0_i32_0 = arith.constant 0 : i32
    %c0_i32_1 = arith.constant 0 : i32
    return %c0_i32, %arg0, %c0_i32_0 : i32, i32, i32
  }
  func.func @transform_2(%arg0: i32) -> (i32, i32, i32) {
    %c1_i32 = arith.constant 1 : i32
    %c0_i32 = arith.constant 0 : i32
    %c0_i32_0 = arith.constant 0 : i32
    return %c1_i32, %arg0, %c0_i32 : i32, i32, i32
  }
  func.func @transform_3(%arg0: i32) -> (i32, i32) {
    %c0_i32 = arith.constant 0 : i32
    %c0_i32_0 = arith.constant 0 : i32
    return %arg0, %c0_i32 : i32, i32
  }
  func.func @transform_4(%arg0: i32) -> (i32, i32) {
    %c0_i32 = arith.constant 0 : i32
    %c0_i32_0 = arith.constant 0 : i32
    %c0_i32_1 = arith.constant 0 : i32
    return %c0_i32, %c0_i32_0 : i32, i32
  }
  func.func @transform_5(%arg0: i32) -> (i32, i32) {
    %c0_i32 = arith.constant 0 : i32
    %c0_i32_0 = arith.constant 0 : i32
    %c0_i32_1 = arith.constant 0 : i32
    return %c0_i32, %c0_i32_0 : i32, i32
  }
  func.func @transform_6(%arg0: i32) -> (i32, i32) {
    %c0_i32 = arith.constant 0 : i32
    %c0_i32_0 = arith.constant 0 : i32
    %c0_i32_1 = arith.constant 0 : i32
    return %c0_i32, %c0_i32_0 : i32, i32
  }
  func.func @transform_7(%arg0: i32) -> (i32, i32) {
    %c0_i32 = arith.constant 0 : i32
    %c0_i32_0 = arith.constant 0 : i32
    %c0_i32_1 = arith.constant 0 : i32
    return %c0_i32, %c0_i32_0 : i32, i32
  }
  func.func @transform_8(%arg0: i32) -> (i32, i32) {
    %c0_i32 = arith.constant 0 : i32
    %c0_i32_0 = arith.constant 0 : i32
    %c0_i32_1 = arith.constant 0 : i32
    return %c0_i32, %c0_i32_0 : i32, i32
  }
  func.func @transform_9(%arg0: i32) -> (i32, i32) {
    %c0_i32 = arith.constant 0 : i32
    %c0_i32_0 = arith.constant 0 : i32
    %c0_i32_1 = arith.constant 0 : i32
    return %c0_i32, %c0_i32_0 : i32, i32
  }
  func.func @transform_10(%arg0: i32) -> (i32, i32) {
    %c0_i32 = arith.constant 0 : i32
    %c0_i32_0 = arith.constant 0 : i32
    %c0_i32_1 = arith.constant 0 : i32
    return %c0_i32, %c0_i32_0 : i32, i32
  }
}

</mosaic_0001>

<sc_bundles>
// kernel: kernel.6.cloned.1.call-start
scs
__scs_entry_jumppad:
0x0: {  	(pc) =	sbr.rel $0x88, $3  }
0x1: {  	(tag) =	ssettag $0x0;
	lr =	simm.s32 $0x1  }
0x2: {  	[smem:$0x3F94] =	sst lr;
	_ =	strace $0xD0000000  }
0x3: {  	_ = 	snop  }
0x4: {  	_ = 	snop  }
0x5: {  	_ = 	snop  }
0x6: {  	_ = 	snop  }
0x7: {  	_ = 	snop  }
__scs_overlays_trampoline_lowered:
0x8: {  	[smem:$0x3FA3] =	sst s0  }
0x9: {  	[smem:$0x3FA4] =	sst s1  }
0xa: {  	[smem:$0x3FA5] =	sst s2  }
0xb: {  	[smem:$0x3FA6] =	sst s3  }
0xc: {  	[smem:$0x3FA7] =	sst s4  }
0xd: {  	[smem:$0x3FA8] =	sst s5  }
0xe: {  	[smem:$0x3FA9] =	sst s6  }
0xf: {  	[smem:$0x3FAA] =	sst s7  }
0x10: {  	[smem:$0x3FAB] =	sst s8  }
0x11: {  	[smem:$0x3FAC] =	sst s9;
	s0 =	simm.s32 @!p0 $0x0  }
0x12: {  	s1 =	sld [smem:$0x3F92];
	s0 =	simm.s32 @p0 $0x1  }
0x13: {  	[smem:$0x3FAD] =	sst s0;
	s0 =	simm.s32 @!p1 $0x0  }
0x14: {  	s2 =	sld [smem:$0x3F91];
	s0 =	simm.s32 @p1 $0x1  }
0x15: {  	[smem:$0x3FAE] =	sst s0;
	s0 =	simm.s32 @!p2 $0x0  }
0x16: {  	s3 =	sld [smem:$0x3FDB];
	s0 =	simm.s32 @p2 $0x1  }
0x17: {  	s4 =	simm.s32 $0x1BF5;
	[smem:$0x3FB0] =	sst s0  }
0x18: {  	s0 =	sld [smem:$0x3F93];
	_ =	swait.ge [sflag:s4], $0x0  }
0x19: {  	s7 =	sld [smem:$0x3F94]  }
0x1a: {  	s8 =	sadd.s32 $0xFFFFE003, lr  }
0x1b: {  	s9 =	sadd.s32 $0xFFFFFEF7, lr;
	s5 =	simm.s32 $0xFFFFFFFF;
	p2 =	slt.u32 s8, $0xFFFFF086  }
0x1c: {  	p1 =	slt.u32 s9, $0xF7A;
	s5 =	simm.s32 @!p2 $0x0  }
0x1d: {  	s5 =	simm.s32 @p1 $0x1;
	p0 =	seq.s32 s7, s2  }
0x1e: {  	s7 =	smul.u32 @!p0 $0xF7A, s2;
	p2 =	seq.s32 @!p0 s5, $0x0  }
0x1f: {  	s9 =	smul.u32 $0xF7A, s1;
	s8 =	simm.s32 @!p0 $0x1BF5;
	p2 =	por !p2, p0  }
0x20: {  	[sflag:s8] =	ssyncset.s32 @!p0 $0xFFFFF086;
	s6 =	sadd.s32 @!p0 s3, s7;
	s7 =	simm.s32 @!p0 $0x108  }
0x21: {  	s3 =	sadd.s32 s3, s9;
	s6 =	sadd.s32 @!p0 $0x88, s6;
	s7 =	simm.s32 @p2 $0x1082  }
0x22: {  	[simem:s7], [sflag:s8] =	dma.local @!p0 [hbm:s6], $0xF7A  }
0x23: {  	s9 =	sor.u32 $0xD0000000, s2;
	s6 =	simm.s32 $0x108;
	_ =	swait.ge @!p0 [sflag:s8], $0x0  }
0x24: {  	s3 =	sadd.s32 $0x88, s3;
	s6 =	simm.s32 @!p1 $0x1082;
	[sflag:s4] =	ssyncset.s32 $0xFFFFF086  }
0x25: {  	[simem:s6], [sflag:s4] =	dma.local [hbm:s3], $0xF7A  }
0x26: {  	[smem:$0x3F94] =	sst s1;
	(tag) =	ssettag s2;
	_ =	strace s9  }
0x27: {  	s1 =	sld [smem:$0x3FA4]  }
0x28: {  	s2 =	sld [smem:$0x3FA5]  }
0x29: {  	s4 =	sld [smem:$0x3FA7]  }
0x2a: {  	p0 =	seq.s32 s5, $0x0;
	s5 =	sld [smem:$0x3FA8]  }
0x2b: {  	s6 =	sld [smem:$0x3FA9]  }
0x2c: {  	s7 =	sld [smem:$0x3FAA]  }
0x2d: {  	s3 =	simm.s32 $0x108;
	s8 =	sld [smem:$0x3FAB]  }
0x2e: {  	s3 =	simm.s32 @!p0 $0x1082;
	s9 =	sld [smem:$0x3FAC]  }
0x2f: {  	lr =	sadd.s32 s0, s3;
	s0 =	sld [smem:$0x3FA3]  }
0x30: {  	s3 =	sld [smem:$0x3FA6]  }
0x31: {  	[smem:$0x3FAF] =	sst s10  }
0x32: {  	s10 =	sld [smem:$0x3FAD];
	_ =	sdelay $0x3  }
0x33: {  	p0 =	seq.s32 s10, $0x1;
	s10 =	sld [smem:$0x3FAF];
	_ =	sdelay $0x3  }
0x34: {  	[smem:$0x3FAF] =	sst s10  }
0x35: {  	s10 =	sld [smem:$0x3FAE];
	_ =	sdelay $0x3  }
0x36: {  	p1 =	seq.s32 s10, $0x1;
	s10 =	sld [smem:$0x3FAF];
	_ =	sdelay $0x3  }
0x37: {  	[smem:$0x3FAF] =	sst s10  }
0x38: {  	s10 =	sld [smem:$0x3FB0]  }
0x39: {  	_ = 	snop;
	(pc) =	sbr.ind lr, $3  }
0x3a: {  	_ = 	snop  }
0x3b: {  	_ = 	snop  }
0x3c: {  	p2 =	seq.s32 s10, $0x1;
	s10 =	sld [smem:$0x3FAF]  }
0x3d: {  	_ =	shalt  }
0x3e: {  	_ =	shalt  }
0x3f: {  	_ =	shalt  }
0x40: {  	_ =	shalt  }
0x41: {  	_ =	shalt  }
0x42: {  	_ =	shalt  }
0x43: {  	_ =	shalt  }
0x44: {  	_ =	shalt  }
0x45: {  	_ =	shalt  }
0x46: {  	_ =	shalt  }
0x47: {  	_ =	shalt  }
0x48: {  	_ =	shalt  }
0x49: {  	_ =	shalt  }
0x4a: {  	_ =	shalt  }
0x4b: {  	_ =	shalt  }
0x4c: {  	_ =	shalt  }
0x4d: {  	_ =	shalt  }
0x4e: {  	_ =	shalt  }
0x4f: {  	_ =	shalt  }
0x50: {  	_ =	shalt  }
0x51: {  	_ =	shalt  }
0x52: {  	_ =	shalt  }
0x53: {  	_ =	shalt  }
0x54: {  	_ =	shalt  }
0x55: {  	_ =	shalt  }
0x56: {  	_ =	shalt  }
0x57: {  	_ =	shalt  }
0x58: {  	_ =	shalt  }
0x59: {  	_ =	shalt  }
0x5a: {  	_ =	shalt  }
0x5b: {  	_ =	shalt  }
0x5c: {  	_ =	shalt  }
0x5d: {  	_ =	shalt  }
0x5e: {  	_ =	shalt  }
0x5f: {  	_ =	shalt  }
0x60: {  	_ =	shalt  }
0x61: {  	_ =	shalt  }
0x62: {  	_ =	shalt  }
0x63: {  	_ =	shalt  }
0x64: {  	_ =	shalt  }
0x65: {  	_ =	shalt  }
0x66: {  	_ =	shalt  }
0x67: {  	_ =	shalt  }
0x68: {  	_ =	shalt  }
0x69: {  	_ =	shalt  }
0x6a: {  	_ =	shalt  }
0x6b: {  	_ =	shalt  }
0x6c: {  	_ =	shalt  }
0x6d: {  	_ =	shalt  }
0x6e: {  	_ =	shalt  }
0x6f: {  	_ =	shalt  }
0x70: {  	_ =	shalt  }
0x71: {  	_ =	shalt  }
0x72: {  	_ =	shalt  }
0x73: {  	_ =	shalt  }
0x74: {  	_ =	shalt  }
0x75: {  	_ =	shalt  }
0x76: {  	_ =	shalt  }
0x77: {  	_ =	shalt  }
0x78: {  	_ =	shalt  }
0x79: {  	_ =	shalt  }
0x7a: {  	_ =	shalt  }
0x7b: {  	_ =	shalt  }
0x7c: {  	_ =	shalt  }
0x7d: {  	_ =	shalt  }
0x7e: {  	_ =	shalt  }
0x7f: {  	_ =	shalt  }
0x80: {  	_ =	shalt  }
0x81: {  	_ =	shalt  }
0x82: {  	_ =	shalt  }
0x83: {  	_ =	shalt  }
0x84: {  	_ =	shalt  }
0x85: {  	_ =	shalt  }
0x86: {  	_ =	shalt  }
0x87: {  	_ =	shalt  }
.Lfunc_end0:
.L_simem_size_0:
called_computation_lowered:
.L_overlay_start_0:
0x88: {  	s2 =	sld [smem:$0x3FD9]  }
0x89: {  	s3 =	sld [smem:$0x3FFE];
	_ =	sdelay $0x1  }
0x8a: {  	s1 =	srdreg.scid  }
0x8b: {  	s0 =	sand.u32 $0x1, s1  }
0x8c: {  	s16 =	sshll.u32 s0, $0xA;
	s2 =	sadd.s32 s3, s2  }
0x8d: {  	s2 =	sadd.s32 s2, s16  }
0x8e: {  	[smem:$0x3FBB] =	sst s2  }
0x8f: {  	_ = 	snop  }
0x90: {  	(tm) =	ssettm $0x1  }
0x91: {  	s17 =	sld [smem:$0x3FFB];
	_ =	sdelay $0x3  }
0x92: {  	_ =	strace s17  }
0x93: {  	s2 =	sld [smem:$0x3FFC];
	_ =	sdelay $0x3  }
0x94: {  	_ =	strace s2  }
0x95: {  	s2 =	sld [smem:$0x3FFD];
	_ =	sdelay $0x3  }
0x96: {  	_ =	strace s2  }
0x97: {  	_ =	strace $0x8FFFFFFF  }
0x98: {  	s18 =	sld [smem:$0x3FDB];
	_ =	sdelay $0x1  }
0x99: {  	s19 =	simm.s32 $_scs_section_size  }
0x9a: {  	s4 =	simm.s32 $_size__tile_overlayer_lowered;
	s5 =	simm.s32 $_tile_overlayer_lowered  }
0x9b: {  	s22 =	simm.s32 $0x1BFF;
	s21 =	sshll.u32 s5, $0x1;
	s2 =	sadd.s32 s19, s18  }
0x9c: {  	s6 =	simm.s32 $0x0;
	s20 =	sshll.u32 s4, $0x1;
	s4 =	sadd.s32 s21, s2  }
0x9d: {  	[timem:s6], [sflag:s22] =	dma.local [hbm:s4], s20  }
0x9e: {  	_ =	swait.ge [sflag:s22], s20  }
0x9f: {  	s3 =	ssub.s32 $0x0, s20;
	[sflag:s22] =	ssyncset.done $0x0  }
0xa0: {  	[sflag:s22] =	ssyncadd.s32 s3;
	_ =	sdelay $0x1  }
0xa1: {  	s23 =	simm.s32 $0x1B8B  }
0xa2: {  	_ =	swait.ge [sflag:s23], $0x1  }
0xa3: {  	[sflag:s23] =	ssyncset.done $0x0  }
0xa4: {  	s25 =	simm.s32 $0x1B8E;
	s24 =	sld [smem:$0x3FFE];
	[sflag:s23] =	ssyncadd.s32 $0xFFFFFFFF  }
0xa5: {  	s26 =	simm.s32 $execute0_lowered;
	[smem:$0x3FD2] =	sst s25  }
0xa6: {  	s4 =	sshll.u32 s26, $0x1;
	_ =	strace $0x80000046;
	[dreg:$0x1] =	wrdreg $0xFFFFFFFF  }
0xa7: {  	s28 =	simm.s32 $_size_execute0_lowered;
	s2 =	sadd.s32 s2, s4;
	[dreg:$0x0] =	wrdreg $0x0  }
0xa8: {  	s4 =	sshll.u32 s28, $0x1;
	[dreg:$0x2] =	wrdreg s2  }
0xa9: {  	[dreg:$0x3] =	wrdreg s4  }
0xaa: {  	[dreg:$0x4] =	wrdreg $0xC0  }
0xab: {  	_ =	task [dreg:s6], $0x5FFFF  }
0xac: {  	[dreg:$0x1] =	wrdreg $0xFFFFFFFF  }
0xad: {  	[dreg:$0x0] =	wrdreg $0x60  }
0xae: {  	[dreg:$0x2] =	wrdreg s24  }
0xaf: {  	[dreg:$0x3] =	wrdreg $0xBC000  }
0xb0: {  	[dreg:$0x4] =	wrdreg $0x9  }
0xb1: {  	_ =	task.clear_ibuf [dreg:s6], $0x5FFFF;
	_ =	strace $0x90000046  }
0xb2: {  	s29 =	simm.s32 $0x9;
	_ =	strace $0x8000004C  }
0xb3: {  	_ =	swait.ge [sflag:s29], $0x1  }
0xb4: {  	[sflag:s29] =	ssyncadd.s32 $0xFFFFFFFF  }
0xb5: {  	_ =	strace $0x9000004C  }
0xb6: {  	_ =	sfence  }
0xb7: {  	s30 =	sld [smem:$0x0];
	_ =	sdelay $0x2  }
0xb8: {  	s31 =	sshll.u32 s1, $0xD;
	s1 =	sshrl.u32 s1, $0x2  }
0xb9: {  	s3 =	sand.u32 $0x4000, s31;
	s1 =	sadd.s32 s1, s30  }
0xba: {  	s0 =	sor.u32 s3, s0;
	s1 =	sshll.u32 s1, $0x11  }
0xbb: {  	s0 =	sor.u32 s1, s0  }
0xbc: {  	s0 =	sadd.s32 $0x8F2B, s0  }
0xbd: {  	[sflag:s0] =	ssyncadd.remote.s32 $0x1  }
0xbe: {  	_ =	sfence.sel $0xFFFF  }
0xbf: {  	[dreg:$0x0] =	wrdreg $0xFFFFFFFF;
	(pc) =	sbr.abs _section_cstart, $3  }
0xc0: {  	[dreg:$0x1] =	wrdreg $0xFFFFFFFF  }
0xc1: {  	_ =	task.clear_ibuf [dreg:s6], $0x2FFFF;
	_ =	strace $0x9FFFFFFF  }
0xc2: {  	(tm) =	ssettm $0x7FFFFFFF  }
0xc3: {  	_ =	shalt  }
tec
execute0_lowered:
.L_overlay_start_1:
0x0: {  	(tag) =	ssettag $0x1  }
0x1: {  	s1 =	srdreg.scid;
	s9 =	rddreg [dreg:$0x0]  }
0x2: {  	s0 =	stileid.u32;
	s2 =	rddreg [dreg:$0x1];
	s3 =	simm.s32 $0x0  }
0x3: {  	s16 =	simm.s32 $0x1400;
	s17 =	simm.s32 $0x2800;
	s20 =	simm.s32 $0x0  }
0x4: {  	s8 =	sand.u32 $0x1, s1;
	s28 =	sshll.u32 s0, $0x1;
	s7 =	smul.u32 $0x13C00, s0  }
0x5: {  	[smem:$0x7FF] =	sst s3;
	s5 =	sadd.s32 $0x38C00, s9;
	s14 =	smul.u32 $0x4F000, s0  }
0x6: {  	s6 =	sadd.s32 $0x5FE00, s9;
	s1 =	sor.u32 s8, s28;
	s11 =	smul.u32 $0x13C000, s8  }
0x7: {  	s18 =	sshll.u32 s0, $0x6;
	s8 =	ssub.s32 $0x2, s8;
	s10 =	smul.u32 $0x4E2, s1  }
0x8: {  	_ =	strace $0x80000047;
	s29 =	sshrl.u32 s8, $0x1;
	s11 =	sadd.s32 s7, s11  }
0x9: {  	s4 =	sshrl.u32 s10, $0x1;
	s11 =	sshrl.u32 s11, $0x3;
	s30 =	sadd.s32 $0x4E2, s10  }
0xa: {  	s10 =	sshrl.u32 s10, $0x5;
	s13 =	sadd.s32 s11, s9;
	s11 =	sshrl.u32 s30, $0x5  }
0xb: {  	s18 =	sor.u32 $0x1C03, s18;
	s15 =	ssub.s32 s8, s29;
	s8 =	ssub.s32 s11, s10  }
0xc: {  	s31 =	sshrl.u32 s14, $0x2;
	s7 =	sadd.s32 $0x87000, s9;
	p0 =	slt.s32 s8, $0x1  }
0xd: {  	s19 =	sadd.s32 s31, s2;
	s14 =	smax.u32 s15, $0x1;
	p1 =	seq.s32 @!p0 s8, $0x1  }
0xe: {  	s15 =	simm.s32 $0x3;
	s4 =	sand.u32 $0x7FF0, s4;
	p2 =	por p1, p0  }
0xf: {  	s19 =	sshrl.u32 s19, $0x3;
	s12 =	sadd.s32 s4, s9;
	s1 =	simm.s32 @!p2 $0x0  }
0x10: {  	s4 =	sadd.s32 $0x11A00, s9;
	p1 =	por !p1, p0;
	s1 =	simm.s32 @p2 $0x1  }
0x11: {  	s9 =	sadd.s32 $0x7A00, s12;
	[smem:$0x7FC] =	sst s1;
	s1 =	simm.s32 @!p1 $0x0  }
0x12: {  	s10 =	sadd.s32 $0x2A00, s12;
	s11 =	sadd.s32 $0xCA00, s12;
	s1 =	simm.s32 @p1 $0x1  }
0x13: {  	s12 =	sadd.s32 $0x89800, s13;
	s13 =	sadd.s32 $0xD8800, s13;
	[smem:$0x7FD] =	sst s1  }
.LBB2_1:
0x14: {  	[tilespmem:s3], [sflag:$0x3] =	stream.linear.gather [hbm4b:s9+s3], $0x1400, $0x38;
	[tilespmem:$0x1F800] =	vst v63  }
0x15: {  	_ =	swait.ge [sflag:s15], $0x1400  }
0x16: {  	[sflag:s15] =	ssyncset.done $0x0  }
0x17: {  	[sflag:s15] =	ssyncadd.s32 $0xFFFFEC00  }
0x18: {  	[tilespmem:s16], [sflag:$0x3] =	stream.linear.gather [hbm4b:s10+s3], $0x1400, $0x38;
	[tilespmem:$0x1F800] =	vst v63  }
0x19: {  	_ =	swait.ge [sflag:s15], $0x1400  }
0x1a: {  	[sflag:s15] =	ssyncset.done $0x0  }
0x1b: {  	[sflag:s15] =	ssyncadd.s32 $0xFFFFEC00  }
0x1c: {  	[tilespmem:s17], [sflag:$0x3] =	stream.linear.gather [hbm4b:s11+s3], $0x1400, $0x38;
	[tilespmem:$0x1F800] =	vst v63  }
0x1d: {  	_ =	swait.ge [sflag:s15], $0x1400  }
0x1e: {  	[sflag:s15] =	ssyncset.done $0x0  }
0x1f: {  	[sflag:s15] =	ssyncadd.s32 $0xFFFFEC00  }
0x20: {  	[spmem:s19], [sflag:s18] =	dma.local [hbm:s7], $0x2780  }
0x21: {  	_ =	swait.ge [sflag:s15], $0x2780  }
0x22: {  	[sflag:s15] =	ssyncset.done $0x0  }
0x23: {  	[sflag:s15] =	ssyncadd.s32 $0xFFFFD880  }
0x24: {  	[bflag:$0x0] =	sbarrier.arrive $0xFFFF  }
0x25: {  	s21 =	simm.s32 @!p0 $0x80;
	s22 =	simm.s32 @!p0 $0x0;
	s1 =	sld [smem:$0x7FC]  }
0x26: {  	s23 =	simm.s32 @!p0 $0x3C00;
	p1 =	sle.s32 s8, $0x0;
	s26 =	simm.s32 $0x100  }
0x27: {  	[tilespmem:s23], [sflag:$0x1] =	stream.indirect.gather @!p0 [hbm4b:s4+s21], $0x80, s22, s21, $0xb8;
	[tilespmem:$0x1F800] =	vst v63  }
0x28: {  	p5 =	sle.s32 s8, $0x1;
	s25 =	simm.s32 $0x4;
	p3 =	seq.s32 s1, $0x1  }
0x29: {  	s29 =	simm.s32 $0x3;
	s21 =	simm.s32 @!p3 $0x80;
	s22 =	simm.s32 @!p3 $0x7C00  }
0x2a: {  	[tilespmem:s22], [sflag:$0x2] =	stream.indirect.gather @!p3 [hbm4b:s4+s21], $0x80, s21, s21, $0xb8;
	[tilespmem:$0x1F800] =	vst v63  }
0x2b: {  	p2 =	por p1, p1;
	s21 =	simm.s32 @!p1 $0x1;
	_ =	strace $0x80000048  }
0x2c: {  	s23 =	simm.s32 @!p2 $0x3C00;
	p4 =	por @!p3 $0x1, $0x1;
	_ =	swait.ge @!p2 [sflag:s21], $0x4000  }
0x2d: {  	p1 =	por @!p0 $0x0, $0x0;
	[sflag:s21] =	ssyncset.done @!p2 $0x0;
	s31 =	sld [smem:$0x7FD]  }
0x2e: {  	s22 =	simm.s32 @!p2 $0x80;
	[sflag:s21] =	ssyncadd.s32 @!p2 $0xFFFFC000;
	s21 =	simm.s32 @!p2 $0x3  }
0x2f: {  	[spmem:s2] =	stream.indirect.scatter.add.f32 @!p2 [tilespmem:s23], [sflag:$0x3], $0x80, s16, s22, $0x2000b8;
	[tilespmem:$0x1F800] =	vst v63  }
0x30: {  	s23 =	simm.s32 @!p5 $0x2;
	p3 =	seq.s32 s31, $0x1;
	_ =	swait.ge @!p2 [sflag:s21], $0x4000  }
0x31: {  	p4 =	por @!p3 p1, p1;
	[sflag:s21] =	ssyncset.done @!p2 $0x0;
	p1 =	sle.s32 s8, $0x2  }
0x32: {  	[sflag:s21] =	ssyncadd.s32 @!p2 $0xFFFFC000;
	s21 =	simm.s32 @!p1 $0x80;
	s22 =	simm.s32 @!p1 $0x3C00  }
0x33: {  	[tilespmem:s22], [sflag:$0x1] =	stream.indirect.gather @!p1 [hbm4b:s4+s21], $0x80, s26, s21, $0x2000b8;
	[tilespmem:$0x1F800] =	vst v63  }
0x34: {  	s28 =	simm.s32 @!p5 $0x3;
	p3 =	por $0x0, $0x0;
	_ =	swait.ge @!p5 [sflag:s23], $0x4000  }
0x35: {  	s24 =	simm.s32 @!p5 $0x80;
	p3 =	por @!p0 p4, p4;
	[sflag:s23] =	ssyncset.done @!p5 $0x0  }
0x36: {  	s22 =	simm.s32 @!p5 $0x7C00;
	[sflag:s23] =	ssyncadd.s32 @!p5 $0xFFFFC000;
	s23 =	simm.s32 @!p5 $0x1480  }
0x37: {  	[spmem:s2] =	stream.indirect.scatter.add.f32 @!p5 [tilespmem:s22], [sflag:$0x3], $0x80, s23, s24, $0x2000b8;
	[tilespmem:$0x1F800] =	vst v63  }
0x38: {  	p4 =	sle.s32 s8, $0x2;
	s21 =	simm.s32 $0x2;
	s22 =	simm.s32 $0x200  }
0x39: {  	s23 =	simm.s32 $0x1500;
	s24 =	simm.s32 $0x4;
	_ =	swait.ge @!p5 [sflag:s28], $0x4000  }
.LBB2_2:
0x3a: {  	s30 =	simm.s32 @!p4 $0x1;
	[sflag:s28] =	ssyncset.done @!p5 $0x0;
	p1 =	sge.s32 s29, s8  }
0x3b: {  	s29 =	smov.u32 s21;
	s21 =	smov.u32 s25;
	p2 =	por p4, p4  }
0x3c: {  	s25 =	sadd.s32 $0x2, s25;
	p4 =	sge.s32 s21, s8;
	s31 =	simm.s32 @!p1 $0x7C00  }
0x3d: {  	s26 =	sadd.s32 @!p1 $0x80, s26;
	[sflag:s28] =	ssyncadd.s32 @!p5 $0xFFFFC000;
	s28 =	simm.s32 @!p1 $0x80  }
0x3e: {  	[tilespmem:s31], [sflag:$0x2] =	stream.indirect.gather @!p1 [hbm4b:s4+s28], $0x80, s26, s28, $0x2000b8;
	[tilespmem:$0x1F800] =	vst v63  }
0x3f: {  	s26 =	simm.s32 @!p2 $0x80;
	s28 =	simm.s32 @!p2 $0x3C00;
	_ =	swait.ge @!p2 [sflag:s30], $0x4000  }
0x40: {  	p6 =	sne.s32 s25, $0x28;
	s31 =	sadd.s32 $0x1, s29;
	[sflag:s30] =	ssyncset.done @!p2 $0x0  }
0x41: {  	p1 =	sge.s32 s24, s8;
	[sflag:s30] =	ssyncadd.s32 @!p2 $0xFFFFC000;
	s30 =	simm.s32 @!p2 $0x3  }
0x42: {  	[spmem:s2] =	stream.indirect.scatter.add.f32 @!p2 [tilespmem:s28], [sflag:$0x3], $0x80, s23, s26, $0x2000b8;
	[tilespmem:$0x1F800] =	vst v63  }
0x43: {  	s1 =	simm.s32 @!p1 $0x3C00;
	s28 =	simm.s32 @!p1 $0x80;
	_ =	swait.ge @!p2 [sflag:s30], $0x4000  }
0x44: {  	s24 =	smov.u32 s25;
	p5 =	sge.s32 s31, s8;
	[sflag:s30] =	ssyncset.done @!p2 $0x0  }
0x45: {  	s26 =	smov.u32 s22;
	[sflag:s30] =	ssyncadd.s32 @!p2 $0xFFFFC000;
	s30 =	simm.s32 @!p5 $0x2  }
0x46: {  	[tilespmem:s1], [sflag:$0x1] =	stream.indirect.gather @!p1 [hbm4b:s4+s28], $0x80, s22, s28, $0x2000b8;
	[tilespmem:$0x1F800] =	vst v63  }
.Ltmp0:
0x47: {  	s22 =	sadd.s32 $0x100, s22;
	_ =	swait.ge @!p5 [sflag:s30], $0x4000;
	(pc) =	sbr.rel @p6 .LBB2_2-.Ltmp0, $4  }
0x48: {  	s1 =	simm.s32 @!p5 $0x7C00;
	s28 =	simm.s32 @!p5 $0x3;
	[sflag:s30] =	ssyncset.done @!p5 $0x0  }
0x49: {  	s31 =	simm.s32 @!p5 $0x80;
	[sflag:s30] =	ssyncadd.s32 @!p5 $0xFFFFC000;
	s30 =	sadd.s32 @!p5 $0x80, s23  }
0x4a: {  	[spmem:s2] =	stream.indirect.scatter.add.f32 @!p5 [tilespmem:s1], [sflag:$0x3], $0x80, s30, s31, $0x2000b8;
	[tilespmem:$0x1F800] =	vst v63  }
0x4b: {  	s29 =	sadd.s32 $0x3, s29;
	s23 =	sadd.s32 $0x100, s23;
	_ =	swait.ge @!p5 [sflag:s28], $0x4000  }
0x4c: {  	s1 =	simm.s32 @!p4 $0x1;
	p1 =	sge.s32 s29, s8  }
0x4d: {  	[sflag:s28] =	ssyncset.done @!p5 $0x0;
	p2 =	por p4, p4;
	s25 =	simm.s32 @!p1 $0x7C00  }
0x4e: {  	[sflag:s28] =	ssyncadd.s32 @!p5 $0xFFFFC000;
	s26 =	sadd.s32 @!p1 $0x80, s26;
	s28 =	simm.s32 @!p1 $0x80  }
0x4f: {  	[tilespmem:s25], [sflag:$0x2] =	stream.indirect.gather @!p1 [hbm4b:s4+s28], $0x80, s26, s28, $0x2000b8;
	[tilespmem:$0x1F800] =	vst v63  }
0x50: {  	_ =	swait.ge @!p2 [sflag:s1], $0x4000  }
0x51: {  	s25 =	simm.s32 @!p2 $0x80;
	[sflag:s1] =	ssyncset.done @!p2 $0x0  }
0x52: {  	s26 =	simm.s32 @!p2 $0x3C00;
	[sflag:s1] =	ssyncadd.s32 @!p2 $0xFFFFC000;
	s1 =	simm.s32 @!p2 $0x3  }
0x53: {  	[spmem:s2] =	stream.indirect.scatter.add.f32 @!p2 [tilespmem:s26], [sflag:$0x3], $0x80, s23, s25, $0x2000b8;
	[tilespmem:$0x1F800] =	vst v63  }
0x54: {  	s30 =	sadd.s32 $0x1, s21;
	p1 =	sge.s32 s24, s8;
	_ =	swait.ge @!p2 [sflag:s1], $0x4000  }
0x55: {  	p4 =	sge.s32 s30, s8;
	s24 =	simm.s32 @!p1 $0x80;
	[sflag:s1] =	ssyncset.done @!p2 $0x0  }
0x56: {  	s25 =	simm.s32 @!p1 $0x3C00;
	[sflag:s1] =	ssyncadd.s32 @!p2 $0xFFFFC000;
	s1 =	simm.s32 @!p4 $0x2  }
0x57: {  	[tilespmem:s25], [sflag:$0x1] =	stream.indirect.gather @!p1 [hbm4b:s4+s24], $0x80, s22, s24, $0x2000b8;
	[tilespmem:$0x1F800] =	vst v63  }
0x58: {  	_ =	swait.ge @!p4 [sflag:s1], $0x4000  }
0x59: {  	s24 =	simm.s32 @!p4 $0x7C00;
	[sflag:s1] =	ssyncset.done @!p4 $0x0  }
0x5a: {  	[sflag:s1] =	ssyncadd.s32 @!p4 $0xFFFFC000;
	s1 =	sadd.s32 @!p4 $0x80, s23;
	s23 =	simm.s32 @!p4 $0x80  }
0x5b: {  	[spmem:s2] =	stream.indirect.scatter.add.f32 @!p4 [tilespmem:s24], [sflag:$0x3], $0x80, s1, s23, $0x2000b8;
	[tilespmem:$0x1F800] =	vst v63  }
0x5c: {  	s31 =	sadd.s32 $0x3, s21;
	s1 =	simm.s32 @!p4 $0x3  }
0x5d: {  	p1 =	sge.s32 s31, s8;
	_ =	swait.ge @!p4 [sflag:s1], $0x4000  }
0x5e: {  	s21 =	simm.s32 @!p1 $0x7C00;
	[sflag:s1] =	ssyncset.done @!p4 $0x0  }
0x5f: {  	[sflag:s1] =	ssyncadd.s32 @!p4 $0xFFFFC000;
	s1 =	sadd.s32 @!p1 $0x80, s22;
	s22 =	simm.s32 @!p1 $0x80  }
0x60: {  	[tilespmem:s21], [sflag:$0x2] =	stream.indirect.gather @!p1 [hbm4b:s4+s22], $0x80, s1, s22, $0x2000b8;
	[tilespmem:$0x1F800] =	vst v63  }
0x61: {  	_ =	strace $0x90000048  }
0x62: {  	[bflag:$0x0] =	sbarrier.arrive $0xFFFF  }
0x63: {  	_ =	strace $0x80000049  }
0x64: {  	[hbm:s12], [sflag:s18] =	dma.local [spmem:s19], $0x2780  }
0x65: {  	_ =	swait.ge [sflag:s15], $0x2780  }
0x66: {  	[sflag:s15] =	ssyncset.done $0x0  }
0x67: {  	[sflag:s15] =	ssyncadd.s32 $0xFFFFD880  }
0x68: {  	_ =	strace $0x90000049  }
0x69: {  	[bflag:$0x0] =	sbarrier.arrive $0xFFFF  }
0x6a: {  	[spmem:s19], [sflag:s18] =	dma.local [hbm:s7], $0x2780  }
0x6b: {  	_ =	swait.ge [sflag:s15], $0x2780  }
0x6c: {  	[sflag:s15] =	ssyncset.done $0x0  }
0x6d: {  	[sflag:s15] =	ssyncadd.s32 $0xFFFFD880  }
0x6e: {  	[bflag:$0x0] =	sbarrier.arrive $0xFFFF  }
0x6f: {  	v0 =	vld @!p0 [tilespmem:$0x2800];
	_ =	sdelay $0x4  }
0x70: {  	(v2sf) =	vpush @!p0 v0, $0x0;
	_ =	sdelay $0xe  }
0x71: {  	s1 =	spop @!p0 (v2sf)  }
0x72: {  	s1 =	sand.u32 @!p0 $0x1, s1  }
0x73: {  	p1 =	seq.s32 @!p0 s1, $0x0  }
0x74: {  	p1 =	por p1, p0  }
0x75: {  	s1 =	simm.s32 @!p1 $0x80;
	s21 =	simm.s32 @!p1 $0x0;
	s22 =	simm.s32 @!p1 $0x3C00  }
0x76: {  	[tilespmem:s22], [sflag:$0x1] =	stream.indirect.gather @!p1 [hbm4b:s5+s1], $0x80, s21, s1, $0xb8;
	[tilespmem:$0x1F800] =	vst v63  }
0x77: {  	v0 =	vld @p3 [tilespmem:$0x2880];
	_ =	sdelay $0x4  }
0x78: {  	(v2sf) =	vpush @p3 v0, $0x0;
	_ =	sdelay $0xe  }
0x79: {  	s1 =	spop @p3 (v2sf)  }
0x7a: {  	s1 =	sand.u32 @p3 $0x1, s1  }
0x7b: {  	p1 =	seq.s32 @p3 s1, $0x0  }
0x7c: {  	p1 =	por p1, !p3  }
0x7d: {  	s1 =	simm.s32 @!p1 $0x80;
	s21 =	simm.s32 @!p1 $0x7C00  }
0x7e: {  	[tilespmem:s21], [sflag:$0x2] =	stream.indirect.gather @!p1 [hbm4b:s5+s1], $0x80, s1, s1, $0xb8;
	[tilespmem:$0x1F800] =	vst v63  }
0x7f: {  	p1 =	sle.s32 s8, $0x0  }
0x80: {  	_ =	strace $0x8000004A;
	s1 =	simm.s32 @!p1 $0x0  }
0x81: {  	v0 =	vld @!p1 [tilespmem:s1+$0x2800];
	_ =	sdelay $0x4  }
0x82: {  	(v2sf) =	vpush @!p1 v0, $0x0;
	_ =	sdelay $0xe  }
0x83: {  	s1 =	spop @!p1 (v2sf)  }
0x84: {  	s1 =	sand.u32 @!p1 $0x1, s1  }
0x85: {  	p2 =	seq.s32 @!p1 s1, $0x0  }
0x86: {  	p1 =	por p2, p1  }
0x87: {  	s1 =	simm.s32 @!p1 $0x1  }
0x88: {  	_ =	swait.ge @!p1 [sflag:s1], $0x4000  }
0x89: {  	s21 =	simm.s32 @!p1 $0x1400;
	s22 =	simm.s32 @!p1 $0x3;
	[sflag:s1] =	ssyncset.done @!p1 $0x0  }
0x8a: {  	s23 =	simm.s32 @!p1 $0x80;
	s24 =	simm.s32 @!p1 $0x3C00;
	[sflag:s1] =	ssyncadd.s32 @!p1 $0xFFFFC000  }
0x8b: {  	[spmem:s2] =	stream.indirect.scatter.add.f32 @!p1 [tilespmem:s24], [sflag:$0x3], $0x80, s21, s23, $0x2000b8;
	[tilespmem:$0x1F800] =	vst v63  }
0x8c: {  	_ =	swait.ge @!p1 [sflag:s22], $0x4000  }
0x8d: {  	p2 =	sle.s32 s8, $0x2;
	[sflag:s22] =	ssyncset.done @!p1 $0x0  }
0x8e: {  	s1 =	simm.s32 @!p2 $0x0;
	[sflag:s22] =	ssyncadd.s32 @!p1 $0xFFFFC000  }
0x8f: {  	v0 =	vld @!p2 [tilespmem:s1+$0x2900];
	_ =	sdelay $0x4  }
0x90: {  	(v2sf) =	vpush @!p2 v0, $0x0;
	_ =	sdelay $0xe  }
0x91: {  	s1 =	spop @!p2 (v2sf)  }
0x92: {  	s1 =	sand.u32 @!p2 $0x1, s1  }
0x93: {  	p1 =	seq.s32 @!p2 s1, $0x0  }
0x94: {  	p1 =	por p1, p2  }
0x95: {  	p2 =	sle.s32 s8, $0x1;
	s1 =	simm.s32 @!p1 $0x80  }
0x96: {  	s21 =	simm.s32 @!p1 $0x100;
	s22 =	simm.s32 @!p1 $0x3C00;
	s23 =	simm.s32 @!p2 $0x0  }
0x97: {  	[tilespmem:s22], [sflag:$0x1] =	stream.indirect.gather @!p1 [hbm4b:s5+s1], $0x80, s21, s1, $0x2000b8;
	[tilespmem:$0x1F800] =	vst v63  }
0x98: {  	v0 =	vld @!p2 [tilespmem:s23+$0x2880];
	_ =	sdelay $0x4  }
0x99: {  	(v2sf) =	vpush @!p2 v0, $0x0;
	_ =	sdelay $0xe  }
0x9a: {  	s1 =	spop @!p2 (v2sf)  }
0x9b: {  	s1 =	sand.u32 @!p2 $0x1, s1  }
0x9c: {  	p1 =	seq.s32 @!p2 s1, $0x0  }
0x9d: {  	p1 =	por p1, p2  }
0x9e: {  	s1 =	simm.s32 @!p1 $0x2  }
0x9f: {  	_ =	swait.ge @!p1 [sflag:s1], $0x4000  }
0xa0: {  	s21 =	simm.s32 @!p1 $0x1480;
	s22 =	simm.s32 @!p1 $0x80;
	[sflag:s1] =	ssyncset.done @!p1 $0x0  }
0xa1: {  	s23 =	simm.s32 @!p1 $0x7C00;
	[sflag:s1] =	ssyncadd.s32 @!p1 $0xFFFFC000;
	s1 =	simm.s32 @!p1 $0x3  }
0xa2: {  	[spmem:s2] =	stream.indirect.scatter.add.f32 @!p1 [tilespmem:s23], [sflag:$0x3], $0x80, s21, s22, $0x2000b8;
	[tilespmem:$0x1F800] =	vst v63  }
0xa3: {  	_ =	swait.ge @!p1 [sflag:s1], $0x4000  }
0xa4: {  	p2 =	sle.s32 s8, $0x3;
	[sflag:s1] =	ssyncset.done @!p1 $0x0  }
0xa5: {  	s21 =	simm.s32 @!p2 $0x0;
	[sflag:s1] =	ssyncadd.s32 @!p1 $0xFFFFC000  }
0xa6: {  	v0 =	vld @!p2 [tilespmem:s21+$0x2980];
	_ =	sdelay $0x4  }
0xa7: {  	(v2sf) =	vpush @!p2 v0, $0x0;
	_ =	sdelay $0xe  }
0xa8: {  	s1 =	spop @!p2 (v2sf)  }
0xa9: {  	p5 =	sle.s32 s8, $0x2;
	s1 =	sand.u32 @!p2 $0x1, s1  }
0xaa: {  	s24 =	simm.s32 $0x800;
	s23 =	simm.s32 $0x0;
	p1 =	seq.s32 @!p2 s1, $0x0  }
0xab: {  	s22 =	simm.s32 $0x5;
	s21 =	simm.s32 $0x400;
	p2 =	por p1, p2  }
.LBB2_4:
0xac: {  	s1 =	sshra.s32 @!p5 s21, $0x2;
	s25 =	sshra.s32 @!p2 s23, $0x2  }
0xad: {  	s26 =	simm.s32 @!p2 $0x7C00;
	s23 =	smov.u32 s21;
	s21 =	smov.u32 s24  }
0xae: {  	s24 =	sadd.s32 $0x400, s24;
	s28 =	simm.s32 @!p2 $0x80;
	s25 =	sadd.s32 @!p2 $0x180, s25  }
0xaf: {  	[tilespmem:s26], [sflag:$0x2] =	stream.indirect.gather @!p2 [hbm4b:s5+s28], $0x80, s25, s28, $0x2000b8;
	[tilespmem:$0x1F800] =	vst v63  }
0xb0: {  	p4 =	sne.s32 s24, $0x5000;
	v0 =	vld @!p5 [tilespmem:s1+$0x2800];
	_ =	sdelay $0x4  }
0xb1: {  	(v2sf) =	vpush @!p5 v0, $0x0;
	_ =	sdelay $0xe  }
0xb2: {  	s1 =	spop @!p5 (v2sf)  }
0xb3: {  	s1 =	sand.u32 @!p5 $0x1, s1  }
0xb4: {  	p1 =	seq.s32 @!p5 s1, $0x0  }
0xb5: {  	p2 =	por p1, p5  }
0xb6: {  	s1 =	simm.s32 @!p2 $0x1;
	s25 =	sshra.s32 @!p2 s23, $0x2  }
0xb7: {  	s26 =	simm.s32 @!p2 $0x3;
	_ =	swait.ge @!p2 [sflag:s1], $0x4000;
	s25 =	sadd.s32 @!p2 $0x1400, s25  }
0xb8: {  	s28 =	simm.s32 @!p2 $0x80;
	s29 =	simm.s32 @!p2 $0x3C00;
	[sflag:s1] =	ssyncset.done @!p2 $0x0  }
0xb9: {  	[sflag:s1] =	ssyncadd.s32 @!p2 $0xFFFFC000;
	s1 =	sadd.s32 $0xFFFFFFFF, s22  }
0xba: {  	[spmem:s2] =	stream.indirect.scatter.add.f32 @!p2 [tilespmem:s29], [sflag:$0x3], $0x80, s25, s28, $0x2000b8;
	[tilespmem:$0x1F800] =	vst v63  }
0xbb: {  	p5 =	sge.s32 s1, s8;
	_ =	swait.ge @!p2 [sflag:s26], $0x4000  }
0xbc: {  	s1 =	sshra.s32 @!p5 s23, $0x2;
	[sflag:s26] =	ssyncset.done @!p2 $0x0  }
0xbd: {  	[sflag:s26] =	ssyncadd.s32 @!p2 $0xFFFFC000  }
0xbe: {  	v0 =	vld @!p5 [tilespmem:s1+$0x2900];
	_ =	sdelay $0x4  }
0xbf: {  	(v2sf) =	vpush @!p5 v0, $0x0;
	_ =	sdelay $0xe  }
0xc0: {  	s1 =	spop @!p5 (v2sf)  }
0xc1: {  	s1 =	sand.u32 @!p5 $0x1, s1  }
0xc2: {  	p1 =	seq.s32 @!p5 s1, $0x0  }
0xc3: {  	s1 =	sadd.s32 $0xFFFFFFFE, s22;
	p1 =	por p1, p5  }
0xc4: {  	p5 =	sge.s32 s1, s8;
	s25 =	sshra.s32 @!p1 s23, $0x2;
	s26 =	simm.s32 @!p1 $0x80  }
0xc5: {  	s28 =	sshra.s32 @!p5 s23, $0x2;
	s1 =	sadd.s32 @!p1 $0x100, s25;
	s25 =	simm.s32 @!p1 $0x3C00  }
0xc6: {  	[tilespmem:s25], [sflag:$0x1] =	stream.indirect.gather @!p1 [hbm4b:s5+s26], $0x80, s1, s26, $0x2000b8;
	[tilespmem:$0x1F800] =	vst v63  }
0xc7: {  	v0 =	vld @!p5 [tilespmem:s28+$0x2880];
	_ =	sdelay $0x4  }
0xc8: {  	(v2sf) =	vpush @!p5 v0, $0x0;
	_ =	sdelay $0xe  }
0xc9: {  	s1 =	spop @!p5 (v2sf)  }
0xca: {  	s1 =	sand.u32 @!p5 $0x1, s1  }
0xcb: {  	p1 =	seq.s32 @!p5 s1, $0x0  }
0xcc: {  	p2 =	por p1, p5  }
0xcd: {  	s1 =	simm.s32 @!p2 $0x2;
	s25 =	sshra.s32 @!p2 s23, $0x2  }
0xce: {  	_ =	swait.ge @!p2 [sflag:s1], $0x4000;
	s25 =	sadd.s32 @!p2 $0x1480, s25  }
0xcf: {  	s26 =	simm.s32 @!p2 $0x80;
	s28 =	simm.s32 @!p2 $0x7C00;
	[sflag:s1] =	ssyncset.done @!p2 $0x0  }
0xd0: {  	[sflag:s1] =	ssyncadd.s32 @!p2 $0xFFFFC000;
	s1 =	simm.s32 @!p2 $0x3  }
0xd1: {  	[spmem:s2] =	stream.indirect.scatter.add.f32 @!p2 [tilespmem:s28], [sflag:$0x3], $0x80, s25, s26, $0x2000b8;
	[tilespmem:$0x1F800] =	vst v63  }
0xd2: {  	p6 =	sge.s32 s22, s8;
	_ =	swait.ge @!p2 [sflag:s1], $0x4000  }
0xd3: {  	s25 =	sshra.s32 @!p6 s23, $0x2;
	[sflag:s1] =	ssyncset.done @!p2 $0x0  }
0xd4: {  	[sflag:s1] =	ssyncadd.s32 @!p2 $0xFFFFC000  }
0xd5: {  	v0 =	vld @!p6 [tilespmem:s25+$0x2980];
	_ =	sdelay $0x4  }
0xd6: {  	(v2sf) =	vpush @!p6 v0, $0x0;
	_ =	sdelay $0xd  }
.Ltmp1:
0xd7: {  	(pc) =	sbr.rel @p4 .LBB2_4-.Ltmp1, $4  }
0xd8: {  	s1 =	spop @!p6 (v2sf)  }
0xd9: {  	s22 =	sadd.s32 $0x2, s22;
	s1 =	sand.u32 @!p6 $0x1, s1  }
0xda: {  	s25 =	sadd.s32 $0xFFFFFFFD, s22;
	p1 =	seq.s32 @!p6 s1, $0x0  }
0xdb: {  	p5 =	sge.s32 s25, s8;
	p2 =	por p1, p6  }
0xdc: {  	s1 =	sshra.s32 @!p5 s21, $0x2;
	s23 =	sshra.s32 @!p2 s23, $0x2  }
0xdd: {  	s24 =	simm.s32 @!p2 $0x7C00;
	s25 =	simm.s32 @!p2 $0x80;
	s23 =	sadd.s32 @!p2 $0x180, s23  }
0xde: {  	[tilespmem:s24], [sflag:$0x2] =	stream.indirect.gather @!p2 [hbm4b:s5+s25], $0x80, s23, s25, $0x2000b8;
	[tilespmem:$0x1F800] =	vst v63  }
0xdf: {  	v0 =	vld @!p5 [tilespmem:s1+$0x2800];
	_ =	sdelay $0x4  }
0xe0: {  	(v2sf) =	vpush @!p5 v0, $0x0;
	_ =	sdelay $0xe  }
0xe1: {  	s1 =	spop @!p5 (v2sf)  }
0xe2: {  	s1 =	sand.u32 @!p5 $0x1, s1  }
0xe3: {  	p1 =	seq.s32 @!p5 s1, $0x0  }
0xe4: {  	p1 =	por p1, p5  }
0xe5: {  	s1 =	simm.s32 @!p1 $0x1  }
0xe6: {  	s23 =	sshra.s32 @!p1 s21, $0x2;
	_ =	swait.ge @!p1 [sflag:s1], $0x4000  }
0xe7: {  	s24 =	simm.s32 @!p1 $0x3;
	s25 =	simm.s32 @!p1 $0x80;
	[sflag:s1] =	ssyncset.done @!p1 $0x0  }
0xe8: {  	s26 =	simm.s32 @!p1 $0x3C00;
	s23 =	sadd.s32 @!p1 $0x1400, s23;
	[sflag:s1] =	ssyncadd.s32 @!p1 $0xFFFFC000  }
0xe9: {  	[spmem:s2] =	stream.indirect.scatter.add.f32 @!p1 [tilespmem:s26], [sflag:$0x3], $0x80, s23, s25, $0x2000b8;
	[tilespmem:$0x1F800] =	vst v63  }
0xea: {  	s30 =	sadd.s32 $0xFFFFFFFF, s22;
	_ =	swait.ge @!p1 [sflag:s24], $0x4000  }
0xeb: {  	p2 =	sge.s32 s30, s8;
	[sflag:s24] =	ssyncset.done @!p1 $0x0  }
0xec: {  	s1 =	sshra.s32 @!p2 s21, $0x2;
	[sflag:s24] =	ssyncadd.s32 @!p1 $0xFFFFC000  }
0xed: {  	v0 =	vld @!p2 [tilespmem:s1+$0x2900];
	_ =	sdelay $0x4  }
0xee: {  	(v2sf) =	vpush @!p2 v0, $0x0;
	_ =	sdelay $0xe  }
0xef: {  	s1 =	spop @!p2 (v2sf)  }
0xf0: {  	s1 =	sand.u32 @!p2 $0x1, s1  }
0xf1: {  	p1 =	seq.s32 @!p2 s1, $0x0  }
0xf2: {  	s31 =	sadd.s32 $0xFFFFFFFE, s22;
	p1 =	por p1, p2  }
0xf3: {  	p2 =	sge.s32 s31, s8;
	s23 =	sshra.s32 @!p1 s21, $0x2;
	s24 =	simm.s32 @!p1 $0x80  }
0xf4: {  	s25 =	sshra.s32 @!p2 s21, $0x2;
	s1 =	sadd.s32 @!p1 $0x100, s23;
	s23 =	simm.s32 @!p1 $0x3C00  }
0xf5: {  	[tilespmem:s23], [sflag:$0x1] =	stream.indirect.gather @!p1 [hbm4b:s5+s24], $0x80, s1, s24, $0x2000b8;
	[tilespmem:$0x1F800] =	vst v63  }
0xf6: {  	v0 =	vld @!p2 [tilespmem:s25+$0x2880];
	_ =	sdelay $0x4  }
0xf7: {  	(v2sf) =	vpush @!p2 v0, $0x0;
	_ =	sdelay $0xe  }
0xf8: {  	s1 =	spop @!p2 (v2sf)  }
0xf9: {  	s1 =	sand.u32 @!p2 $0x1, s1  }
0xfa: {  	p1 =	seq.s32 @!p2 s1, $0x0  }
0xfb: {  	p1 =	por p1, p2  }
0xfc: {  	s1 =	simm.s32 @!p1 $0x2  }
0xfd: {  	s23 =	sshra.s32 @!p1 s21, $0x2;
	_ =	swait.ge @!p1 [sflag:s1], $0x4000  }
0xfe: {  	s24 =	simm.s32 @!p1 $0x80;
	s25 =	simm.s32 @!p1 $0x7C00;
	[sflag:s1] =	ssyncset.done @!p1 $0x0  }
0xff: {  	s23 =	sadd.s32 @!p1 $0x1480, s23;
	[sflag:s1] =	ssyncadd.s32 @!p1 $0xFFFFC000;
	s1 =	simm.s32 @!p1 $0x3  }
0x100: {  	[spmem:s2] =	stream.indirect.scatter.add.f32 @!p1 [tilespmem:s25], [sflag:$0x3], $0x80, s23, s24, $0x2000b8;
	[tilespmem:$0x1F800] =	vst v63  }
0x101: {  	_ =	swait.ge @!p1 [sflag:s1], $0x4000  }
0x102: {  	p2 =	sge.s32 s22, s8;
	[sflag:s1] =	ssyncset.done @!p1 $0x0  }
0x103: {  	s22 =	sshra.s32 @!p2 s21, $0x2;
	[sflag:s1] =	ssyncadd.s32 @!p1 $0xFFFFC000  }
0x104: {  	v0 =	vld @!p2 [tilespmem:s22+$0x2980];
	_ =	sdelay $0x4  }
0x105: {  	(v2sf) =	vpush @!p2 v0, $0x0;
	_ =	sdelay $0xe  }
0x106: {  	s1 =	spop @!p2 (v2sf)  }
0x107: {  	s1 =	sand.u32 @!p2 $0x1, s1  }
0x108: {  	p1 =	seq.s32 @!p2 s1, $0x0  }
0x109: {  	p1 =	por p1, p2  }
0x10a: {  	s1 =	sshra.s32 @!p1 s21, $0x2  }
0x10b: {  	s21 =	simm.s32 @!p1 $0x7C00;
	s22 =	simm.s32 @!p1 $0x80;
	s1 =	sadd.s32 @!p1 $0x180, s1  }
0x10c: {  	[tilespmem:s21], [sflag:$0x2] =	stream.indirect.gather @!p1 [hbm4b:s5+s22], $0x80, s1, s22, $0x2000b8;
	[tilespmem:$0x1F800] =	vst v63  }
0x10d: {  	_ =	strace $0x9000004A  }
0x10e: {  	v0 =	vld @!p0 [tilespmem:$0x2800];
	_ =	sdelay $0x4  }
0x10f: {  	(v2sf) =	vpush @!p0 v0, $0x0;
	_ =	sdelay $0xe  }
0x110: {  	s1 =	spop @!p0 (v2sf)  }
0x111: {  	s1 =	sand.u32 @!p0 $0x2, s1  }
0x112: {  	p1 =	seq.s32 @!p0 s1, $0x0  }
0x113: {  	p1 =	por p1, p0  }
0x114: {  	s1 =	simm.s32 @!p1 $0x80;
	s21 =	simm.s32 @!p1 $0x1400;
	s22 =	simm.s32 @!p1 $0x3C00  }
0x115: {  	[tilespmem:s22], [sflag:$0x1] =	stream.indirect.gather @!p1 [hbm4b:s6+s1], $0x80, s21, s1, $0xb8;
	[tilespmem:$0x1F800] =	vst v63  }
0x116: {  	v0 =	vld @p3 [tilespmem:$0x2880];
	_ =	sdelay $0x4  }
0x117: {  	(v2sf) =	vpush @p3 v0, $0x0;
	_ =	sdelay $0xe  }
0x118: {  	s1 =	spop @p3 (v2sf)  }
0x119: {  	s1 =	sand.u32 @p3 $0x2, s1  }
0x11a: {  	p1 =	seq.s32 @p3 s1, $0x0  }
0x11b: {  	p1 =	por p1, !p3  }
0x11c: {  	s1 =	simm.s32 @!p1 $0x80;
	s21 =	simm.s32 @!p1 $0x1480;
	s22 =	simm.s32 @!p1 $0x7C00  }
0x11d: {  	[tilespmem:s22], [sflag:$0x2] =	stream.indirect.gather @!p1 [hbm4b:s6+s1], $0x80, s21, s1, $0xb8;
	[tilespmem:$0x1F800] =	vst v63  }
0x11e: {  	p1 =	sle.s32 s8, $0x0  }
0x11f: {  	_ =	strace $0x8000004B;
	s1 =	simm.s32 @!p1 $0x0  }
0x120: {  	v0 =	vld @!p1 [tilespmem:s1+$0x2800];
	_ =	sdelay $0x4  }
0x121: {  	(v2sf) =	vpush @!p1 v0, $0x0;
	_ =	sdelay $0xe  }
0x122: {  	s1 =	spop @!p1 (v2sf)  }
0x123: {  	s1 =	sand.u32 @!p1 $0x2, s1  }
0x124: {  	p2 =	seq.s32 @!p1 s1, $0x0  }
0x125: {  	p1 =	por p2, p1  }
0x126: {  	s1 =	simm.s32 @!p1 $0x1  }
0x127: {  	_ =	swait.ge @!p1 [sflag:s1], $0x4000  }
0x128: {  	s21 =	simm.s32 @!p1 $0x3C00;
	s22 =	simm.s32 @!p1 $0x3;
	[sflag:s1] =	ssyncset.done @!p1 $0x0  }
0x129: {  	s23 =	simm.s32 @!p1 $0x0;
	s24 =	simm.s32 @!p1 $0x80;
	[sflag:s1] =	ssyncadd.s32 @!p1 $0xFFFFC000  }
0x12a: {  	[spmem:s2] =	stream.indirect.scatter.add.f32 @!p1 [tilespmem:s21], [sflag:$0x3], $0x80, s23, s24, $0x2000b8;
	[tilespmem:$0x1F800] =	vst v63  }
0x12b: {  	_ =	swait.ge @!p1 [sflag:s22], $0x4000  }
0x12c: {  	p2 =	sle.s32 s8, $0x2;
	[sflag:s22] =	ssyncset.done @!p1 $0x0  }
0x12d: {  	s1 =	simm.s32 @!p2 $0x0;
	[sflag:s22] =	ssyncadd.s32 @!p1 $0xFFFFC000  }
0x12e: {  	v0 =	vld @!p2 [tilespmem:s1+$0x2900];
	_ =	sdelay $0x4  }
0x12f: {  	(v2sf) =	vpush @!p2 v0, $0x0;
	_ =	sdelay $0xe  }
0x130: {  	s1 =	spop @!p2 (v2sf)  }
0x131: {  	s1 =	sand.u32 @!p2 $0x2, s1  }
0x132: {  	p1 =	seq.s32 @!p2 s1, $0x0  }
0x133: {  	p1 =	por p1, p2  }
0x134: {  	p2 =	sle.s32 s8, $0x1;
	s1 =	simm.s32 @!p1 $0x80  }
0x135: {  	s21 =	simm.s32 @!p1 $0x1500;
	s22 =	simm.s32 @!p1 $0x3C00;
	s23 =	simm.s32 @!p2 $0x0  }
0x136: {  	[tilespmem:s22], [sflag:$0x1] =	stream.indirect.gather @!p1 [hbm4b:s6+s1], $0x80, s21, s1, $0x2000b8;
	[tilespmem:$0x1F800] =	vst v63  }
0x137: {  	v0 =	vld @!p2 [tilespmem:s23+$0x2880];
	_ =	sdelay $0x4  }
0x138: {  	(v2sf) =	vpush @!p2 v0, $0x0;
	_ =	sdelay $0xe  }
0x139: {  	s1 =	spop @!p2 (v2sf)  }
0x13a: {  	s1 =	sand.u32 @!p2 $0x2, s1  }
0x13b: {  	p1 =	seq.s32 @!p2 s1, $0x0  }
0x13c: {  	p1 =	por p1, p2  }
0x13d: {  	s1 =	simm.s32 @!p1 $0x2  }
0x13e: {  	_ =	swait.ge @!p1 [sflag:s1], $0x4000  }
0x13f: {  	s21 =	simm.s32 @!p1 $0x80;
	s22 =	simm.s32 @!p1 $0x80;
	[sflag:s1] =	ssyncset.done @!p1 $0x0  }
0x140: {  	s23 =	simm.s32 @!p1 $0x7C00;
	[sflag:s1] =	ssyncadd.s32 @!p1 $0xFFFFC000;
	s1 =	simm.s32 @!p1 $0x3  }
0x141: {  	[spmem:s2] =	stream.indirect.scatter.add.f32 @!p1 [tilespmem:s23], [sflag:$0x3], $0x80, s21, s22, $0x2000b8;
	[tilespmem:$0x1F800] =	vst v63  }
0x142: {  	_ =	swait.ge @!p1 [sflag:s1], $0x4000  }
0x143: {  	p2 =	sle.s32 s8, $0x3;
	[sflag:s1] =	ssyncset.done @!p1 $0x0  }
0x144: {  	s21 =	simm.s32 @!p2 $0x0;
	[sflag:s1] =	ssyncadd.s32 @!p1 $0xFFFFC000  }
0x145: {  	v0 =	vld @!p2 [tilespmem:s21+$0x2980];
	_ =	sdelay $0x4  }
0x146: {  	(v2sf) =	vpush @!p2 v0, $0x0;
	_ =	sdelay $0xe  }
0x147: {  	s1 =	spop @!p2 (v2sf)  }
0x148: {  	p4 =	sle.s32 s8, $0x2;
	s1 =	sand.u32 @!p2 $0x2, s1  }
0x149: {  	s24 =	simm.s32 $0x800;
	s23 =	simm.s32 $0x0;
	p1 =	seq.s32 @!p2 s1, $0x0  }
0x14a: {  	s22 =	simm.s32 $0x5;
	s21 =	simm.s32 $0x400;
	p2 =	por p1, p2  }
.LBB2_6:
0x14b: {  	s1 =	sshra.s32 @!p4 s21, $0x2;
	s25 =	sshra.s32 @!p2 s23, $0x2  }
0x14c: {  	s26 =	simm.s32 @!p2 $0x7C00;
	s23 =	smov.u32 s21;
	s21 =	smov.u32 s24  }
0x14d: {  	s24 =	sadd.s32 $0x400, s24;
	s28 =	simm.s32 @!p2 $0x80;
	s25 =	sadd.s32 @!p2 $0x1580, s25  }
0x14e: {  	[tilespmem:s26], [sflag:$0x2] =	stream.indirect.gather @!p2 [hbm4b:s6+s28], $0x80, s25, s28, $0x2000b8;
	[tilespmem:$0x1F800] =	vst v63  }
0x14f: {  	p3 =	sne.s32 s24, $0x5000;
	v0 =	vld @!p4 [tilespmem:s1+$0x2800];
	_ =	sdelay $0x4  }
0x150: {  	(v2sf) =	vpush @!p4 v0, $0x0;
	_ =	sdelay $0xe  }
0x151: {  	s1 =	spop @!p4 (v2sf)  }
0x152: {  	s1 =	sand.u32 @!p4 $0x2, s1  }
0x153: {  	p1 =	seq.s32 @!p4 s1, $0x0  }
0x154: {  	p2 =	por p1, p4  }
0x155: {  	s1 =	simm.s32 @!p2 $0x1  }
0x156: {  	s25 =	simm.s32 @!p2 $0x3C00;
	s26 =	simm.s32 @!p2 $0x3;
	_ =	swait.ge @!p2 [sflag:s1], $0x4000  }
0x157: {  	s28 =	sshra.s32 @!p2 s23, $0x2;
	s29 =	simm.s32 @!p2 $0x80;
	[sflag:s1] =	ssyncset.done @!p2 $0x0  }
0x158: {  	[sflag:s1] =	ssyncadd.s32 @!p2 $0xFFFFC000;
	s1 =	sadd.s32 $0xFFFFFFFF, s22  }
0x159: {  	[spmem:s2] =	stream.indirect.scatter.add.f32 @!p2 [tilespmem:s25], [sflag:$0x3], $0x80, s28, s29, $0x2000b8;
	[tilespmem:$0x1F800] =	vst v63  }
0x15a: {  	p4 =	sge.s32 s1, s8;
	_ =	swait.ge @!p2 [sflag:s26], $0x4000  }
0x15b: {  	s1 =	sshra.s32 @!p4 s23, $0x2;
	[sflag:s26] =	ssyncset.done @!p2 $0x0  }
0x15c: {  	[sflag:s26] =	ssyncadd.s32 @!p2 $0xFFFFC000  }
0x15d: {  	v0 =	vld @!p4 [tilespmem:s1+$0x2900];
	_ =	sdelay $0x4  }
0x15e: {  	(v2sf) =	vpush @!p4 v0, $0x0;
	_ =	sdelay $0xe  }
0x15f: {  	s1 =	spop @!p4 (v2sf)  }
0x160: {  	s1 =	sand.u32 @!p4 $0x2, s1  }
0x161: {  	p1 =	seq.s32 @!p4 s1, $0x0  }
0x162: {  	s1 =	sadd.s32 $0xFFFFFFFE, s22;
	p1 =	por p1, p4  }
0x163: {  	p4 =	sge.s32 s1, s8;
	s25 =	sshra.s32 @!p1 s23, $0x2;
	s26 =	simm.s32 @!p1 $0x80  }
0x164: {  	s28 =	sshra.s32 @!p4 s23, $0x2;
	s1 =	sadd.s32 @!p1 $0x1500, s25;
	s25 =	simm.s32 @!p1 $0x3C00  }
0x165: {  	[tilespmem:s25], [sflag:$0x1] =	stream.indirect.gather @!p1 [hbm4b:s6+s26], $0x80, s1, s26, $0x2000b8;
	[tilespmem:$0x1F800] =	vst v63  }
0x166: {  	v0 =	vld @!p4 [tilespmem:s28+$0x2880];
	_ =	sdelay $0x4  }
0x167: {  	(v2sf) =	vpush @!p4 v0, $0x0;
	_ =	sdelay $0xe  }
0x168: {  	s1 =	spop @!p4 (v2sf)  }
0x169: {  	s1 =	sand.u32 @!p4 $0x2, s1  }
0x16a: {  	p1 =	seq.s32 @!p4 s1, $0x0  }
0x16b: {  	p2 =	por p1, p4  }
0x16c: {  	s1 =	simm.s32 @!p2 $0x2;
	s25 =	sshra.s32 @!p2 s23, $0x2  }
0x16d: {  	_ =	swait.ge @!p2 [sflag:s1], $0x4000;
	s25 =	sadd.s32 @!p2 $0x80, s25  }
0x16e: {  	s26 =	simm.s32 @!p2 $0x80;
	s28 =	simm.s32 @!p2 $0x7C00;
	[sflag:s1] =	ssyncset.done @!p2 $0x0  }
0x16f: {  	[sflag:s1] =	ssyncadd.s32 @!p2 $0xFFFFC000;
	s1 =	simm.s32 @!p2 $0x3  }
0x170: {  	[spmem:s2] =	stream.indirect.scatter.add.f32 @!p2 [tilespmem:s28], [sflag:$0x3], $0x80, s25, s26, $0x2000b8;
	[tilespmem:$0x1F800] =	vst v63  }
0x171: {  	p5 =	sge.s32 s22, s8;
	_ =	swait.ge @!p2 [sflag:s1], $0x4000  }
0x172: {  	s25 =	sshra.s32 @!p5 s23, $0x2;
	[sflag:s1] =	ssyncset.done @!p2 $0x0  }
0x173: {  	[sflag:s1] =	ssyncadd.s32 @!p2 $0xFFFFC000  }
0x174: {  	v0 =	vld @!p5 [tilespmem:s25+$0x2980];
	_ =	sdelay $0x4  }
0x175: {  	(v2sf) =	vpush @!p5 v0, $0x0;
	_ =	sdelay $0xd  }
.Ltmp2:
0x176: {  	(pc) =	sbr.rel @p3 .LBB2_6-.Ltmp2, $4  }
0x177: {  	s1 =	spop @!p5 (v2sf)  }
0x178: {  	s22 =	sadd.s32 $0x2, s22;
	s1 =	sand.u32 @!p5 $0x2, s1  }
0x179: {  	s25 =	sadd.s32 $0xFFFFFFFD, s22;
	p1 =	seq.s32 @!p5 s1, $0x0  }
0x17a: {  	p4 =	sge.s32 s25, s8;
	p2 =	por p1, p5  }
0x17b: {  	s1 =	sshra.s32 @!p4 s21, $0x2;
	s23 =	sshra.s32 @!p2 s23, $0x2  }
0x17c: {  	s24 =	simm.s32 @!p2 $0x7C00;
	s25 =	simm.s32 @!p2 $0x80;
	s23 =	sadd.s32 @!p2 $0x1580, s23  }
0x17d: {  	[tilespmem:s24], [sflag:$0x2] =	stream.indirect.gather @!p2 [hbm4b:s6+s25], $0x80, s23, s25, $0x2000b8;
	[tilespmem:$0x1F800] =	vst v63  }
0x17e: {  	v0 =	vld @!p4 [tilespmem:s1+$0x2800];
	_ =	sdelay $0x4  }
0x17f: {  	(v2sf) =	vpush @!p4 v0, $0x0;
	_ =	sdelay $0xe  }
0x180: {  	s1 =	spop @!p4 (v2sf)  }
0x181: {  	s1 =	sand.u32 @!p4 $0x2, s1  }
0x182: {  	p1 =	seq.s32 @!p4 s1, $0x0  }
0x183: {  	p1 =	por p1, p4  }
0x184: {  	s1 =	simm.s32 @!p1 $0x1  }
0x185: {  	_ =	swait.ge @!p1 [sflag:s1], $0x4000  }
0x186: {  	s23 =	simm.s32 @!p1 $0x3C00;
	s24 =	simm.s32 @!p1 $0x3;
	[sflag:s1] =	ssyncset.done @!p1 $0x0  }
0x187: {  	s25 =	sshra.s32 @!p1 s21, $0x2;
	s26 =	simm.s32 @!p1 $0x80;
	[sflag:s1] =	ssyncadd.s32 @!p1 $0xFFFFC000  }
0x188: {  	[spmem:s2] =	stream.indirect.scatter.add.f32 @!p1 [tilespmem:s23], [sflag:$0x3], $0x80, s25, s26, $0x2000b8;
	[tilespmem:$0x1F800] =	vst v63  }
0x189: {  	s30 =	sadd.s32 $0xFFFFFFFF, s22;
	_ =	swait.ge @!p1 [sflag:s24], $0x4000  }
0x18a: {  	p2 =	sge.s32 s30, s8;
	[sflag:s24] =	ssyncset.done @!p1 $0x0  }
0x18b: {  	s1 =	sshra.s32 @!p2 s21, $0x2;
	[sflag:s24] =	ssyncadd.s32 @!p1 $0xFFFFC000  }
0x18c: {  	v0 =	vld @!p2 [tilespmem:s1+$0x2900];
	_ =	sdelay $0x4  }
0x18d: {  	(v2sf) =	vpush @!p2 v0, $0x0;
	_ =	sdelay $0xe  }
0x18e: {  	s1 =	spop @!p2 (v2sf)  }
0x18f: {  	s1 =	sand.u32 @!p2 $0x2, s1  }
0x190: {  	p1 =	seq.s32 @!p2 s1, $0x0  }
0x191: {  	s31 =	sadd.s32 $0xFFFFFFFE, s22;
	p1 =	por p1, p2  }
0x192: {  	p2 =	sge.s32 s31, s8;
	s23 =	sshra.s32 @!p1 s21, $0x2;
	s24 =	simm.s32 @!p1 $0x80  }
0x193: {  	s25 =	sshra.s32 @!p2 s21, $0x2;
	s1 =	sadd.s32 @!p1 $0x1500, s23;
	s23 =	simm.s32 @!p1 $0x3C00  }
0x194: {  	[tilespmem:s23], [sflag:$0x1] =	stream.indirect.gather @!p1 [hbm4b:s6+s24], $0x80, s1, s24, $0x2000b8;
	[tilespmem:$0x1F800] =	vst v63  }
0x195: {  	v0 =	vld @!p2 [tilespmem:s25+$0x2880];
	_ =	sdelay $0x4  }
0x196: {  	(v2sf) =	vpush @!p2 v0, $0x0;
	_ =	sdelay $0xe  }
0x197: {  	s1 =	spop @!p2 (v2sf)  }
0x198: {  	s1 =	sand.u32 @!p2 $0x2, s1  }
0x199: {  	p1 =	seq.s32 @!p2 s1, $0x0  }
0x19a: {  	p1 =	por p1, p2  }
0x19b: {  	s1 =	simm.s32 @!p1 $0x2  }
0x19c: {  	s23 =	sshra.s32 @!p1 s21, $0x2;
	_ =	swait.ge @!p1 [sflag:s1], $0x4000  }
0x19d: {  	s24 =	simm.s32 @!p1 $0x80;
	s25 =	simm.s32 @!p1 $0x7C00;
	[sflag:s1] =	ssyncset.done @!p1 $0x0  }
0x19e: {  	s23 =	sadd.s32 @!p1 $0x80, s23;
	[sflag:s1] =	ssyncadd.s32 @!p1 $0xFFFFC000;
	s1 =	simm.s32 @!p1 $0x3  }
0x19f: {  	[spmem:s2] =	stream.indirect.scatter.add.f32 @!p1 [tilespmem:s25], [sflag:$0x3], $0x80, s23, s24, $0x2000b8;
	[tilespmem:$0x1F800] =	vst v63  }
0x1a0: {  	_ =	swait.ge @!p1 [sflag:s1], $0x4000  }
0x1a1: {  	p2 =	sge.s32 s22, s8;
	[sflag:s1] =	ssyncset.done @!p1 $0x0  }
0x1a2: {  	s22 =	sshra.s32 @!p2 s21, $0x2;
	[sflag:s1] =	ssyncadd.s32 @!p1 $0xFFFFC000  }
0x1a3: {  	v0 =	vld @!p2 [tilespmem:s22+$0x2980];
	_ =	sdelay $0x4  }
0x1a4: {  	(v2sf) =	vpush @!p2 v0, $0x0;
	_ =	sdelay $0xe  }
0x1a5: {  	s1 =	spop @!p2 (v2sf)  }
0x1a6: {  	s1 =	sand.u32 @!p2 $0x2, s1  }
0x1a7: {  	p1 =	seq.s32 @!p2 s1, $0x0  }
0x1a8: {  	p1 =	por p1, p2  }
0x1a9: {  	s20 =	sadd.s32 $0x1, s20;
	s1 =	sshra.s32 @!p1 s21, $0x2  }
0x1aa: {  	s21 =	simm.s32 @!p1 $0x7C00;
	s22 =	simm.s32 @!p1 $0x80;
	s1 =	sadd.s32 @!p1 $0x1580, s1  }
0x1ab: {  	[tilespmem:s21], [sflag:$0x2] =	stream.indirect.gather @!p1 [hbm4b:s6+s22], $0x80, s1, s22, $0x2000b8;
	[tilespmem:$0x1F800] =	vst v63  }
0x1ac: {  	p1 =	sne.s32 s20, s14;
	_ =	strace $0x9000004B  }
.Ltmp3:
0x1ad: {  	[bflag:$0x0] =	sbarrier.arrive $0xFFFF;
	(pc) =	sbr.rel @p1 .LBB2_1-.Ltmp3, $4  }
0x1ae: {  	[hbm:s13], [sflag:s18] =	dma.local [spmem:s19], $0x2780  }
0x1af: {  	_ =	swait.ge [sflag:s15], $0x2780  }
0x1b0: {  	[sflag:s15] =	ssyncset.done $0x0  }
0x1b1: {  	[sflag:s15] =	ssyncadd.s32 $0xFFFFD880  }
0x1b2: {  	_ =	sfence.sel $0x180000  }
0x1b3: {  	[bflag:$0x0] =	sbarrier.arrive $0xFFFF  }
0x1b4: {  	_ =	strace $0x90000047  }
0x1b5: {  	[bflag:$0x2] =	sbarrier.arrive $0xFFFF  }
0x1b6: {  	p0 =	sne.s32 s0, $0x0;
	s0 =	rddreg [dreg:$0x2]  }
0x1b7: {  	s0 =	sadd.s32 @!p0 $0x100000, s0  }
0x1b8: {  	[sflag:s0] =	ssyncadd.tile.s32 @!p0 $0x1;
	_ =	shalt  }
.Lfunc_end2:
_tile_overlayer_lowered:
.L_overlay_start_2:
0x1b9: {  	(tag) =	ssettag $0x2  }
0x1ba: {  	s0 =	rddreg [dreg:$0x0];
	s2 =	stileid.u32  }
0x1bb: {  	s1 =	rddreg [dreg:$0x1];
	p0 =	sne.s32 s2, $0x0  }
0x1bc: {  	s3 =	rddreg [dreg:$0x2];
	[bflag:$0x3] =	sbarrier.arrive $0xFFFF;
	s2 =	simm.s32 @!p0 $0x1C03  }
0x1bd: {  	[timem:s3], [sflag:s2] =	dma.local @!p0 [hbm:s0], s1  }
0x1be: {  	s0 =	simm.s32 @!p0 $0x3  }
0x1bf: {  	_ =	swait.ge @!p0 [sflag:s0], s1  }
0x1c0: {  	s1 =	ssub.s32 @!p0 $0x0, s1;
	[sflag:s0] =	ssyncset.done @!p0 $0x0  }
0x1c1: {  	[sflag:s0] =	ssyncadd.s32 @!p0 s1  }
0x1c2: {  	[bflag:$0x3] =	sbarrier.arrive $0xFFFF  }
0x1c3: {  	_ =	shalt  }

</sc_bundles>
